<compile_context>
chip_gen: v7x
topology: tpu7x:2x2x1
jax: 0.10.2.dev20260603
libtpu: 0.0.44.dev20260713+nightly
codegen_flags: <defaults>
</compile_context>

<pallas_src>
import functools

import jax
import jax.numpy as jnp
from jax import lax
from jax.experimental import pallas as pl
from jax.experimental.pallas import tpu as pltpu
from jax.experimental.pallas import tpu_sc as plsc

N = 10000
D = 128
E = 320000
NC = 2
NS = 16
NW = NC * NS
L = 16
EP = E // NW
CH = 128
NCH = 80
EPP = NCH * CH
NPAD = EPP - EP
NACC = N + 8
ZR = 80
NZC = N // ZR

_mesh = plsc.VectorSubcoreMesh(core_axis_name="c", subcore_axis_name="s")


def _zero_fill(buf, rows, width):
    @pl.loop(0, rows)
    def _(i):
        @pl.loop(0, width, step=L)
        def _(c):
            buf[pl.ds(i, 1), pl.ds(c, L)] = jnp.zeros((1, L), jnp.float32)


@functools.partial(
    pl.kernel,
    out_type=jax.ShapeDtypeStruct((NC, N, D), jnp.float32),
    mesh=_mesh,
    scratch_types=[
        pltpu.VMEM((NCH, CH), jnp.int32),
        pltpu.VMEM((CH, D), jnp.float32),
        pltpu.VMEM_SHARED((NACC, D), jnp.float32),
        pltpu.SemaphoreType.DMA,
    ],
)
def _deg_kernel(pk_hbm, out_hbm, pidx, ones_v, acc, sem):
    cid = lax.axis_index("c")
    sid = lax.axis_index("s")
    wid = sid * NC + cid

    _zero_fill(ones_v, CH, D)
    @pl.loop(sid, NZC, step=NS)
    def _(c):
        pltpu.sync_copy(ones_v.at[pl.ds(0, ZR)], acc.at[pl.ds(c * ZR, ZR)])

    @pl.loop(0, CH)
    def _(i):
        @pl.loop(0, D, step=L)
        def _(c):
            ones_v[pl.ds(i, 1), pl.ds(c, L)] = jnp.ones((1, L), jnp.float32)

    pltpu.async_copy(pk_hbm.at[wid], pidx, sem).wait()

    @pl.loop(0, NCH)
    def _(j):
        @pl.loop(0, CH, step=L)
        def _(v):
            w = pidx[pl.ds(j, 1), pl.ds(v, L)]
            pidx[pl.ds(j, 1), pl.ds(v, L)] = lax.shift_right_logical(w, 16)

    plsc.subcore_barrier()

    @pl.loop(0, NCH)
    def _(j):
        pltpu.sync_copy(ones_v, acc.at[pidx.at[j]], add=True)

    plsc.subcore_barrier()

    @pl.loop(sid, NZC, step=NS)
    def _(c):
        pltpu.sync_copy(acc.at[pl.ds(c * ZR, ZR)],
                        out_hbm.at[cid, pl.ds(c * ZR, ZR)])


NCHH = NCH // 2


@functools.partial(
    pl.kernel,
    out_type=jax.ShapeDtypeStruct((NC, N, D), jnp.float32),
    mesh=_mesh,
    scratch_types=[
        pltpu.VMEM((NCHH, CH), jnp.int32),
        pltpu.VMEM((NCHH, CH), jnp.int32),
        pltpu.VMEM((CH, D), jnp.float32),
        pltpu.VMEM((CH, D), jnp.float32),
        pltpu.VMEM_SHARED((NACC, D), jnp.float32),
        pltpu.SemaphoreType.DMA,
        pltpu.SemaphoreType.DMA,
        pltpu.SemaphoreType.DMA,
    ],
)
def _spmm_kernel(y_hbm, pk_hbm, out_hbm, pidx, didx, b0, b1, acc,
                 semi, sem0, sem1):
    cid = lax.axis_index("c")
    sid = lax.axis_index("s")
    wid = sid * NC + cid

    _zero_fill(b0, CH, D)
    @pl.loop(sid, NZC, step=NS)
    def _(c):
        pltpu.sync_copy(b0.at[pl.ds(0, ZR)], acc.at[pl.ds(c * ZR, ZR)])
    plsc.subcore_barrier()

    @pl.loop(0, 2)
    def _(h):
        pltpu.async_copy(pk_hbm.at[wid, pl.ds(h * NCHH, NCHH)], pidx,
                         semi).wait()

        @pl.loop(0, NCHH)
        def _(j):
            @pl.loop(0, CH, step=L)
            def _(v):
                w = pidx[pl.ds(j, 1), pl.ds(v, L)]
                pidx[pl.ds(j, 1), pl.ds(v, L)] = lax.bitwise_and(
                    w, jnp.int32(0xFFFF))
                didx[pl.ds(j, 1), pl.ds(v, L)] = lax.shift_right_logical(w, 16)

        pltpu.async_copy(y_hbm.at[pidx.at[0]], b0, sem0)
        pltpu.async_copy(y_hbm.at[pidx.at[1]], b1, sem1)

        @pl.loop(0, NCHH, step=2)
        def _(j):
            pltpu.make_async_copy(y_hbm.at[pidx.at[j]], b0, sem0).wait()
            pltpu.sync_copy(b0, acc.at[didx.at[j]], add=True)

            @pl.when(j + 2 < NCHH)
            def _():
                pltpu.async_copy(y_hbm.at[pidx.at[j + 2]], b0, sem0)

            pltpu.make_async_copy(y_hbm.at[pidx.at[j + 1]], b1, sem1).wait()
            pltpu.sync_copy(b1, acc.at[didx.at[j + 1]], add=True)

            @pl.when(j + 3 < NCHH)
            def _():
                pltpu.async_copy(y_hbm.at[pidx.at[j + 3]], b1, sem1)

    plsc.subcore_barrier()

    @pl.loop(sid, NZC, step=NS)
    def _(c):
        pltpu.sync_copy(acc.at[pl.ds(c * ZR, ZR)],
                        out_hbm.at[cid, pl.ds(c * ZR, ZR)])


def _dot(a, b):
    return jnp.dot(a, b, precision=lax.Precision.HIGHEST,
                   preferred_element_type=jnp.float32)


RB = 1000
NRB = N // RB


def _mm_body(x_ref, w_ref, xw_ref):
    w = w_ref[...]

    @pl.loop(0, NRB)
    def _(i):
        r0 = pl.ds(i * RB, RB)
        xw_ref[r0, :] = _dot(x_ref[r0, :], w)


def _stage1_body(hist_ref, xw_ref, y_ref, dinv_ref):
    @pl.loop(0, NRB)
    def _(i):
        r0 = pl.ds(i * RB, RB)
        deg = (hist_ref[0, r0, 0:1] + hist_ref[1, r0, 0:1] + 1.0)
        dinv = lax.rsqrt(deg)
        y_ref[r0, :] = xw_ref[r0, :] * dinv
        dinv_ref[r0, :] = dinv


def _bn_pass1(p_ref, y_ref, dinv_ref, b_ref, store_ref):
    def body(i, carry):
        s1, s2 = carry
        r0 = pl.ds(i * RB, RB)
        agg = ((p_ref[0, r0, :] + p_ref[1, r0, :] + y_ref[r0, :])
               * dinv_ref[r0, :] + b_ref[...])
        r = jnp.maximum(agg, 0.0)
        store_ref[r0, :] = r
        return (s1 + jnp.sum(r, axis=0, keepdims=True),
                s2 + jnp.sum(r * r, axis=0, keepdims=True))

    z = jnp.zeros((1, D), jnp.float32)
    s1, s2 = lax.fori_loop(0, NRB, body, (z, z))
    mean = s1 * (1.0 / N)
    var = s2 * (1.0 / N) - mean * mean
    return mean, lax.rsqrt(var + 1e-5)


def _layer_body(p_ref, y_ref, dinv_ref, b_ref, g_ref, be_ref, w_ref,
                h_ref, yn_ref):
    mean, rstd = _bn_pass1(p_ref, y_ref, dinv_ref, b_ref, h_ref)
    ga = g_ref[...] * rstd
    w = w_ref[...]

    @pl.loop(0, NRB)
    def _(i):
        r0 = pl.ds(i * RB, RB)
        h = ga * (h_ref[r0, :] - mean) + be_ref[...]
        h_ref[r0, :] = h
        yn_ref[r0, :] = _dot(h, w) * dinv_ref[r0, :]


def _final_body(p_ref, y_ref, dinv_ref, b_ref, g_ref, be_ref,
                h1_ref, h2_ref, lw_ref, lb_ref, out_ref):
    mean, rstd = _bn_pass1(p_ref, y_ref, dinv_ref, b_ref, out_ref)
    ga = g_ref[...] * rstd
    lw = lw_ref[...]

    @pl.loop(0, NRB)
    def _(i):
        r0 = pl.ds(i * RB, RB)
        h3 = ga * (out_ref[r0, :] - mean) + be_ref[...]
        o = (_dot(h1_ref[r0, :], lw[0:D]) + _dot(h2_ref[r0, :], lw[D:2 * D])
             + _dot(h3, lw[2 * D:3 * D]) + lb_ref[...])
        out_ref[r0, :] = jnp.maximum(o, 0.0)


_f32 = jnp.float32
_tc_params = pltpu.CompilerParams(vmem_limit_bytes=60 * 1024 * 1024)
_mm = pl.pallas_call(
    _mm_body,
    out_shape=jax.ShapeDtypeStruct((N, D), _f32),
    compiler_params=_tc_params,
)
_stage1 = pl.pallas_call(
    _stage1_body,
    out_shape=[jax.ShapeDtypeStruct((N, D), _f32),
               jax.ShapeDtypeStruct((N, 1), _f32)],
    compiler_params=_tc_params,
)
_layer = pl.pallas_call(
    _layer_body,
    out_shape=[jax.ShapeDtypeStruct((N, D), _f32),
               jax.ShapeDtypeStruct((N, D), _f32)],
    compiler_params=_tc_params,
)
_final = pl.pallas_call(
    _final_body,
    out_shape=jax.ShapeDtypeStruct((N, D), _f32),
    compiler_params=_tc_params,
)


def kernel(x, edge_index, adj, mask, f,
           W1, b1, g1, be1, W2, b2, g2, be2, W3, b3, g3, be3, linW, linb):
    src = adj[0].astype(jnp.int32)
    dst = adj[1].astype(jnp.int32)
    pk = jnp.bitwise_or(src, jnp.left_shift(dst, 16)).reshape(NW, EP)
    pad = jnp.bitwise_or(
        jnp.zeros((NW, NPAD), jnp.int32),
        jnp.left_shift(N + (jnp.arange(NPAD, dtype=jnp.int32) % 8), 16))
    pk = jnp.concatenate([pk, pad], axis=1).reshape(NW, NCH, CH)

    hist = _deg_kernel(pk)
    xw1 = _mm(x, W1)
    y1, dinv = _stage1(hist, xw1)
    p1 = _spmm_kernel(y1, pk)
    h1, y2 = _layer(p1, y1, dinv, b1.reshape(1, D), g1.reshape(1, D),
                    be1.reshape(1, D), W2)
    p2 = _spmm_kernel(y2, pk)
    h2, y3 = _layer(p2, y2, dinv, b2.reshape(1, D), g2.reshape(1, D),
                    be2.reshape(1, D), W3)
    p3 = _spmm_kernel(y3, pk)
    out = _final(p3, y3, dinv, b3.reshape(1, D), g3.reshape(1, D),
                 be3.reshape(1, D), h1, h2, linW, linb.reshape(1, D))
    return out

# --- scband reference (transcript-rebuilt; emitter-appended) ---
"""Pipeline reference for scband-gnn-22007412424908 (READ-ONLY COPY).

The authoritative reference and input builder live on the scoring server;
editing this copy changes nothing except your own understanding.
"""

import jax, jax.numpy as jnp
import numpy as np

N_NODES = 10000
N_EDGES = 320000
D_IN = 128
D_HID = 128
D_OUT = 128


def gcn_conv(x, edge_index, W, b):
    # Faithful to PyG GCNConv: linear transform, add self-loops,
    # symmetric normalization D^-1/2 (A+I) D^-1/2, scatter-add aggregation, bias.
    N = x.shape[0]
    src = edge_index[0]
    dst = edge_index[1]
    loop = jnp.arange(N, dtype=src.dtype)
    src = jnp.concatenate([src, loop])
    dst = jnp.concatenate([dst, loop])
    xw = x @ W
    deg = jnp.zeros((N,), dtype=x.dtype).at[dst].add(1.0)
    dinv = jnp.where(deg > 0, deg ** -0.5, 0.0)
    norm = dinv[src] * dinv[dst]
    msgs = xw[src] * norm[:, None]
    out = jnp.zeros_like(xw).at[dst].add(msgs)
    return out + b


def batchnorm(x, gamma, beta, eps=1e-5):
    # BatchNorm1d in training mode: biased batch statistics over the node dim.
    mean = jnp.mean(x, axis=0)
    var = jnp.var(x, axis=0)
    return gamma * (x - mean) / jnp.sqrt(var + eps) + beta


def setup_inputs(seed: int = 0) -> dict:
    key = jax.random.key(seed)
    ks = jax.random.split(key, 16)
    x = jax.random.normal(ks[0], (N_NODES, D_IN), dtype=jnp.float32)
    edge_index = jax.random.randint(ks[1], (2, N_EDGES), 0, N_NODES, dtype=jnp.int64 if jax.config.jax_enable_x64 else jnp.int32)
    adj = jax.random.randint(ks[2], (2, N_EDGES), 0, N_NODES, dtype=jnp.int64 if jax.config.jax_enable_x64 else jnp.int32)
    mask = jnp.ones((N_NODES,), dtype=bool)
    f = 2
    def lin_init(k, fan_in, shape):
        bound = 1.0 / np.sqrt(fan_in)
        return jax.random.uniform(k, shape, minval=-bound, maxval=bound, dtype=jnp.float32)
    W1 = lin_init(ks[3], D_IN, (D_IN, D_HID)); b1 = lin_init(ks[4], D_IN, (D_HID,))
    W2 = lin_init(ks[5], D_HID, (D_HID, D_HID)); b2 = lin_init(ks[6], D_HID, (D_HID,))
    W3 = lin_init(ks[7], D_HID, (D_HID, D_OUT)); b3 = lin_init(ks[8], D_HID, (D_OUT,))
    g1 = jnp.ones((D_HID,), jnp.float32); be1 = jnp.zeros((D_HID,), jnp.float32)
    g2 = jnp.ones((D_HID,), jnp.float32); be2 = jnp.zeros((D_HID,), jnp.float32)
    g3 = jnp.ones((D_OUT,), jnp.float32); be3 = jnp.zeros((D_OUT,), jnp.float32)
    D_CAT = 2 * D_HID + D_OUT
    linW = lin_init(ks[9], D_CAT, (D_CAT, D_OUT)); linb = lin_init(ks[10], D_CAT, (D_OUT,))
    return {
        'x': x, 'edge_index': edge_index, 'adj': adj, 'mask': mask, 'f': f,
        'W1': W1, 'b1': b1, 'g1': g1, 'be1': be1,
        'W2': W2, 'b2': b2, 'g2': g2, 'be2': be2,
        'W3': W3, 'b3': b3, 'g3': g3, 'be3': be3,
        'linW': linW, 'linb': linb,
    }


def reference(x, edge_index, adj, mask, f,
              W1, b1, g1, be1, W2, b2, g2, be2, W3, b3, g3, be3, linW, linb):
    # f == 2: x is [N, C]; mask is unused in the original forward.
    x1 = batchnorm(jax.nn.relu(gcn_conv(x, adj, W1, b1)), g1, be1)
    x2 = batchnorm(jax.nn.relu(gcn_conv(x1, adj, W2, b2)), g2, be2)
    x3 = batchnorm(jax.nn.relu(gcn_conv(x2, adj, W3, b3)), g3, be3)
    xc = jnp.concatenate([x1, x2, x3], axis=-1)
    out = jax.nn.relu(xc @ linW + linb)
    return out

if __name__ == "__main__":
    import jax
    _d = setup_inputs()
    print(jax.jit(kernel)(*tuple(_d.values())))

</pallas_src>

<mosaic_0001>
#map = affine_map<(d0, d1) -> (0, 0, 0)>
module attributes {stable_mosaic.version = 14 : i64} {
  func.func @_deg_kernel(%arg0: i32, %arg1: i32, %arg2: memref<32x80x128xi32, #tpu.memory_space<hbm>>, %arg3: memref<2x10000x128xf32, #tpu.memory_space<hbm>>, %arg4: memref<80x128xi32, #tpu.memory_space<vmem>>, %arg5: memref<128x128xf32, #tpu.memory_space<vmem>>, %arg6: memref<10008x128xf32, #tpu.memory_space<vmem_shared>>, %arg7: memref<!tpu.dma_semaphore, #tpu.memory_space<semaphore_mem>>) attributes {dimension_semantics = [#tpu.dimension_semantics<core_parallel>, #tpu.dimension_semantics<subcore_parallel>], iteration_bounds = array<i64: 2, 16>, scalar_prefetch = 0 : i64, scratch_operands = 4 : i64, tpu.core_type = #tpu.core_type<sc_vector_subcore>, window_params = [{transform_indices = #map}, {transform_indices = #map}]} {
    %mul3A = arith.constant 2 : i32
    %mul3A_0 = arith.muli %arg1, %mul3A : i32
    %add3A = arith.addi %mul3A_0, %arg0 : i32
    %scan3A = arith.constant 0 : i32
    %scan3A_1 = arith.constant 128 : i32
    %scan3A_2 = arith.addi %scan3A, %scan3A_1 : i32
    %scan3A_3 = arith.constant 1 : i32
    scf.for %scan3A_68 = %scan3A to %scan3A_2 step %scan3A_3  : i32 {
      %mul3A_69 = arith.constant 1 : i32
      %mul3A_70 = arith.muli %scan3A_68, %mul3A_69 : i32
      %add3A_71 = arith.constant 0 : i32
      %add3A_72 = arith.addi %add3A_71, %mul3A_70 : i32
      %scan3A_73 = arith.constant 0 : i32
      %scan3A_74 = arith.constant 8 : i32
      %scan3A_75 = arith.addi %scan3A_73, %scan3A_74 : i32
      %scan3A_76 = arith.constant 1 : i32
      scf.for %scan3A_78 = %scan3A_73 to %scan3A_75 step %scan3A_76  : i32 {
        %mul3A_79 = arith.constant 16 : i32
        %mul3A_80 = arith.muli %scan3A_78, %mul3A_79 : i32
        %add3A_81 = arith.constant 0 : i32
        %add3A_82 = arith.addi %add3A_81, %mul3A_80 : i32
        %broadcast_in_dim3A = arith.constant 0.000000e+00 : f32
        %broadcast_in_dim3A_83 = vector.broadcast %broadcast_in_dim3A : f32 to vector<1x16xf32>
        %swap3A = arith.index_cast %add3A_72 : i32 to index
        %swap3A_84 = arith.index_cast %add3A_82 : i32 to index
        %swap3A_85 = tpu.vector_load %arg5[%swap3A, %swap3A_84] {strides = array<i32>} : memref<128x128xf32, #tpu.memory_space<vmem>>, vector<1x16xf32>,
        %swap3A_86 = vector.shape_cast %swap3A_85 : vector<1x16xf32> to vector<1x16xf32>
        %swap3A_87 = vector.shape_cast %broadcast_in_dim3A_83 : vector<1x16xf32> to vector<1x16xf32>
        tpu.vector_store %arg5[%swap3A, %swap3A_84], %swap3A_87 {strides = array<i32>} : memref<128x128xf32, #tpu.memory_space<vmem>>, vector<1x16xf32>,
      }
      %scan3A_77 = arith.constant 8 : i32
    }
    %scan3A_4 = arith.constant 128 : i32
    %sub3A = arith.constant 125 : i32
    %sub3A_5 = arith.subi %sub3A, %arg1 : i32
    %sub3A_6 = arith.constant 16 : i32
    %sub3A_7 = arith.constant 1 : i32
    %sub3A_8 = arith.subi %sub3A_6, %sub3A_7 : i32
    %add3A_9 = arith.addi %sub3A_5, %sub3A_8 : i32
    %div3A = arith.constant 16 : i32
    %div3A_10 = arith.divsi %add3A_9, %div3A : i32
    %while3A = arith.constant 16 : i32
    %while3A_11 = arith.constant 0 : i32
    %while3A_12 = arith.subi %div3A_10, %while3A_11 : i32
    %while3A_13 = arith.addi %while3A_11, %while3A_12 : i32
    %while3A_14 = arith.constant 1 : i32
    %while3A_15 = arith.divsi %while3A_12, %while3A_14 : i32
    %while3A_16 = arith.muli %while3A_15, %while3A_14 : i32
    %while3A_17 = arith.addi %while3A_11, %while3A_16 : i32
    %while3A_18 = arith.constant 1 : i32
    scf.for %while3A_68 = %while3A_11 to %while3A_17 step %while3A_18  : i32 {
      %mul3A_69 = arith.muli %while3A_68, %while3A : i32
      %add3A_70 = arith.addi %arg1, %mul3A_69 : i32
      %mul3A_71 = arith.constant 80 : i32
      %mul3A_72 = arith.muli %add3A_70, %mul3A_71 : i32
      "tpu.region"() ({
        %run_scoped3A = tpu.sem_alloc : memref<!tpu.dma_semaphore, #tpu.memory_space<semaphore_mem>>
        %dma_start3A_73 = arith.constant 0 : i32
        %dma_start3A_74 = arith.constant 0 : i32
        %dma_start3A_75 = tpu.memref_slice %arg5[%dma_start3A_73, %dma_start3A_74] : memref<128x128xf32, #tpu.memory_space<vmem>> -> memref<80x128xf32, #tpu.memory_space<vmem>>
        %dma_start3A_76 = arith.constant 0 : i32
        %dma_start3A_77 = tpu.memref_slice %arg6[%mul3A_72, %dma_start3A_76] : memref<10008x128xf32, #tpu.memory_space<vmem_shared>> -> memref<80x128xf32, #tpu.memory_space<vmem_shared>>
        %dma_start3A_78 = arith.constant 0 : i32
        %dma_start3A_79 = tpu.memref_slice %arg6[%mul3A_72, %dma_start3A_78] : memref<10008x128xf32, #tpu.memory_space<vmem_shared>> -> memref<80x128xf32, #tpu.memory_space<vmem_shared>>
        %dma_start3A_80 = arith.constant 0 : i32
        %dma_start3A_81 = arith.constant 0 : i32
        %dma_start3A_82 = tpu.memref_slice %arg5[%dma_start3A_80, %dma_start3A_81] : memref<128x128xf32, #tpu.memory_space<vmem>> -> memref<80x128xf32, #tpu.memory_space<vmem>>
        tpu.enqueue_dma source(%dma_start3A_82 : memref<80x128xf32, #tpu.memory_space<vmem>>) target(%dma_start3A_79 : memref<80x128xf32, #tpu.memory_space<vmem_shared>>) target_semaphore(%run_scoped3A : memref<!tpu.dma_semaphore, #tpu.memory_space<semaphore_mem>>)
        %dma_wait3A_83 = arith.constant 0 : i32
        %dma_wait3A_84 = arith.constant 0 : i32
        %dma_wait3A_85 = tpu.memref_slice %arg5[%dma_wait3A_83, %dma_wait3A_84] : memref<128x128xf32, #tpu.memory_space<vmem>> -> memref<80x128xf32, #tpu.memory_space<vmem>>
        %dma_wait3A_86 = arith.constant 0 : i32
        %dma_wait3A_87 = tpu.memref_slice %arg6[%mul3A_72, %dma_wait3A_86] : memref<10008x128xf32, #tpu.memory_space<vmem_shared>> -> memref<80x128xf32, #tpu.memory_space<vmem_shared>>
        %dma_wait3A_88 = arith.constant 0 : i32
        %dma_wait3A_89 = tpu.memref_slice %arg6[%mul3A_72, %dma_wait3A_88] : memref<10008x128xf32, #tpu.memory_space<vmem_shared>> -> memref<80x128xf32, #tpu.memory_space<vmem_shared>>
        %dma_wait3A_90 = arith.constant 0 : i32
        %dma_wait3A_91 = arith.constant 0 : i32
        %dma_wait3A_92 = tpu.memref_slice %arg5[%dma_wait3A_90, %dma_wait3A_91] : memref<128x128xf32, #tpu.memory_space<vmem>> -> memref<80x128xf32, #tpu.memory_space<vmem>>
        tpu.wait_dma2 semaphore(%run_scoped3A : memref<!tpu.dma_semaphore, #tpu.memory_space<semaphore_mem>>) src(%dma_wait3A_92 : memref<80x128xf32, #tpu.memory_space<vmem>>) dst(%dma_wait3A_89 : memref<80x128xf32, #tpu.memory_space<vmem_shared>>)
        tpu.yield
      }) : () -> ()
    }
    %while3A_19 = arith.constant 1 : i32
    scf.for %while3A_68 = %while3A_17 to %while3A_13 step %while3A_19  : i32 {
      %mul3A_69 = arith.muli %while3A_68, %while3A : i32
      %add3A_70 = arith.addi %arg1, %mul3A_69 : i32
      %mul3A_71 = arith.constant 80 : i32
      %mul3A_72 = arith.muli %add3A_70, %mul3A_71 : i32
      "tpu.region"() ({
        %run_scoped3A = tpu.sem_alloc : memref<!tpu.dma_semaphore, #tpu.memory_space<semaphore_mem>>
        %dma_start3A_73 = arith.constant 0 : i32
        %dma_start3A_74 = arith.constant 0 : i32
        %dma_start3A_75 = tpu.memref_slice %arg5[%dma_start3A_73, %dma_start3A_74] : memref<128x128xf32, #tpu.memory_space<vmem>> -> memref<80x128xf32, #tpu.memory_space<vmem>>
        %dma_start3A_76 = arith.constant 0 : i32
        %dma_start3A_77 = tpu.memref_slice %arg6[%mul3A_72, %dma_start3A_76] : memref<10008x128xf32, #tpu.memory_space<vmem_shared>> -> memref<80x128xf32, #tpu.memory_space<vmem_shared>>
        %dma_start3A_78 = arith.constant 0 : i32
        %dma_start3A_79 = tpu.memref_slice %arg6[%mul3A_72, %dma_start3A_78] : memref<10008x128xf32, #tpu.memory_space<vmem_shared>> -> memref<80x128xf32, #tpu.memory_space<vmem_shared>>
        %dma_start3A_80 = arith.constant 0 : i32
        %dma_start3A_81 = arith.constant 0 : i32
        %dma_start3A_82 = tpu.memref_slice %arg5[%dma_start3A_80, %dma_start3A_81] : memref<128x128xf32, #tpu.memory_space<vmem>> -> memref<80x128xf32, #tpu.memory_space<vmem>>
        tpu.enqueue_dma source(%dma_start3A_82 : memref<80x128xf32, #tpu.memory_space<vmem>>) target(%dma_start3A_79 : memref<80x128xf32, #tpu.memory_space<vmem_shared>>) target_semaphore(%run_scoped3A : memref<!tpu.dma_semaphore, #tpu.memory_space<semaphore_mem>>)
        %dma_wait3A_83 = arith.constant 0 : i32
        %dma_wait3A_84 = arith.constant 0 : i32
        %dma_wait3A_85 = tpu.memref_slice %arg5[%dma_wait3A_83, %dma_wait3A_84] : memref<128x128xf32, #tpu.memory_space<vmem>> -> memref<80x128xf32, #tpu.memory_space<vmem>>
        %dma_wait3A_86 = arith.constant 0 : i32
        %dma_wait3A_87 = tpu.memref_slice %arg6[%mul3A_72, %dma_wait3A_86] : memref<10008x128xf32, #tpu.memory_space<vmem_shared>> -> memref<80x128xf32, #tpu.memory_space<vmem_shared>>
        %dma_wait3A_88 = arith.constant 0 : i32
        %dma_wait3A_89 = tpu.memref_slice %arg6[%mul3A_72, %dma_wait3A_88] : memref<10008x128xf32, #tpu.memory_space<vmem_shared>> -> memref<80x128xf32, #tpu.memory_space<vmem_shared>>
        %dma_wait3A_90 = arith.constant 0 : i32
        %dma_wait3A_91 = arith.constant 0 : i32
        %dma_wait3A_92 = tpu.memref_slice %arg5[%dma_wait3A_90, %dma_wait3A_91] : memref<128x128xf32, #tpu.memory_space<vmem>> -> memref<80x128xf32, #tpu.memory_space<vmem>>
        tpu.wait_dma2 semaphore(%run_scoped3A : memref<!tpu.dma_semaphore, #tpu.memory_space<semaphore_mem>>) src(%dma_wait3A_92 : memref<80x128xf32, #tpu.memory_space<vmem>>) dst(%dma_wait3A_89 : memref<80x128xf32, #tpu.memory_space<vmem_shared>>)
        tpu.yield
      }) : () -> ()
    }
    %scan3A_20 = arith.constant 0 : i32
    %scan3A_21 = arith.constant 128 : i32
    %scan3A_22 = arith.addi %scan3A_20, %scan3A_21 : i32
    %scan3A_23 = arith.constant 1 : i32
    scf.for %scan3A_68 = %scan3A_20 to %scan3A_22 step %scan3A_23  : i32 {
      %mul3A_69 = arith.constant 1 : i32
      %mul3A_70 = arith.muli %scan3A_68, %mul3A_69 : i32
      %add3A_71 = arith.constant 0 : i32
      %add3A_72 = arith.addi %add3A_71, %mul3A_70 : i32
      %scan3A_73 = arith.constant 0 : i32
      %scan3A_74 = arith.constant 8 : i32
      %scan3A_75 = arith.addi %scan3A_73, %scan3A_74 : i32
      %scan3A_76 = arith.constant 1 : i32
      scf.for %scan3A_78 = %scan3A_73 to %scan3A_75 step %scan3A_76  : i32 {
        %mul3A_79 = arith.constant 16 : i32
        %mul3A_80 = arith.muli %scan3A_78, %mul3A_79 : i32
        %add3A_81 = arith.constant 0 : i32
        %add3A_82 = arith.addi %add3A_81, %mul3A_80 : i32
        %broadcast_in_dim3A = arith.constant 1.000000e+00 : f32
        %broadcast_in_dim3A_83 = vector.broadcast %broadcast_in_dim3A : f32 to vector<1x16xf32>
        %swap3A = arith.index_cast %add3A_72 : i32 to index
        %swap3A_84 = arith.index_cast %add3A_82 : i32 to index
        %swap3A_85 = tpu.vector_load %arg5[%swap3A, %swap3A_84] {strides = array<i32>} : memref<128x128xf32, #tpu.memory_space<vmem>>, vector<1x16xf32>,
        %swap3A_86 = vector.shape_cast %swap3A_85 : vector<1x16xf32> to vector<1x16xf32>
        %swap3A_87 = vector.shape_cast %broadcast_in_dim3A_83 : vector<1x16xf32> to vector<1x16xf32>
        tpu.vector_store %arg5[%swap3A, %swap3A_84], %swap3A_87 {strides = array<i32>} : memref<128x128xf32, #tpu.memory_space<vmem>>, vector<1x16xf32>,
      }
      %scan3A_77 = arith.constant 8 : i32
    }
    %scan3A_24 = arith.constant 128 : i32
    %dma_start3A = arith.constant 0 : i32
    %dma_start3A_25 = arith.constant 0 : i32
    %dma_start3A_26 = tpu.memref_slice %arg2[%add3A, %dma_start3A, %dma_start3A_25] : memref<32x80x128xi32, #tpu.memory_space<hbm>> -> memref<1x80x128xi32, #tpu.memory_space<hbm>>
    %dma_start3A_27 = tpu.memref_squeeze %dma_start3A_26 : memref<1x80x128xi32, #tpu.memory_space<hbm>> -> memref<80x128xi32, #tpu.memory_space<hbm>>
    %dma_start3A_28 = arith.constant 0 : i32
    %dma_start3A_29 = arith.constant 0 : i32
    %dma_start3A_30 = tpu.memref_slice %arg2[%add3A, %dma_start3A_28, %dma_start3A_29] : memref<32x80x128xi32, #tpu.memory_space<hbm>> -> memref<1x80x128xi32, #tpu.memory_space<hbm>>
    %dma_start3A_31 = tpu.memref_squeeze %dma_start3A_30 : memref<1x80x128xi32, #tpu.memory_space<hbm>> -> memref<80x128xi32, #tpu.memory_space<hbm>>
    tpu.enqueue_dma source(%dma_start3A_31 : memref<80x128xi32, #tpu.memory_space<hbm>>) target(%arg4 : memref<80x128xi32, #tpu.memory_space<vmem>>) target_semaphore(%arg7 : memref<!tpu.dma_semaphore, #tpu.memory_space<semaphore_mem>>)
    %dma_wait3A = arith.constant 0 : i32
    %dma_wait3A_32 = arith.constant 0 : i32
    %dma_wait3A_33 = tpu.memref_slice %arg2[%add3A, %dma_wait3A, %dma_wait3A_32] : memref<32x80x128xi32, #tpu.memory_space<hbm>> -> memref<1x80x128xi32, #tpu.memory_space<hbm>>
    %dma_wait3A_34 = tpu.memref_squeeze %dma_wait3A_33 : memref<1x80x128xi32, #tpu.memory_space<hbm>> -> memref<80x128xi32, #tpu.memory_space<hbm>>
    %dma_wait3A_35 = arith.constant 0 : i32
    %dma_wait3A_36 = arith.constant 0 : i32
    %dma_wait3A_37 = tpu.memref_slice %arg2[%add3A, %dma_wait3A_35, %dma_wait3A_36] : memref<32x80x128xi32, #tpu.memory_space<hbm>> -> memref<1x80x128xi32, #tpu.memory_space<hbm>>
    %dma_wait3A_38 = tpu.memref_squeeze %dma_wait3A_37 : memref<1x80x128xi32, #tpu.memory_space<hbm>> -> memref<80x128xi32, #tpu.memory_space<hbm>>
    tpu.wait_dma2 semaphore(%arg7 : memref<!tpu.dma_semaphore, #tpu.memory_space<semaphore_mem>>) src(%dma_wait3A_38 : memref<80x128xi32, #tpu.memory_space<hbm>>) dst(%arg4 : memref<80x128xi32, #tpu.memory_space<vmem>>)
    %scan3A_39 = arith.constant 0 : i32
    %scan3A_40 = arith.constant 80 : i32
    %scan3A_41 = arith.addi %scan3A_39, %scan3A_40 : i32
    %scan3A_42 = arith.constant 1 : i32
    scf.for %scan3A_68 = %scan3A_39 to %scan3A_41 step %scan3A_42  : i32 {
      %mul3A_69 = arith.constant 1 : i32
      %mul3A_70 = arith.muli %scan3A_68, %mul3A_69 : i32
      %add3A_71 = arith.constant 0 : i32
      %add3A_72 = arith.addi %add3A_71, %mul3A_70 : i32
      %scan3A_73 = arith.constant 0 : i32
      %scan3A_74 = arith.constant 8 : i32
      %scan3A_75 = arith.addi %scan3A_73, %scan3A_74 : i32
      %scan3A_76 = arith.constant 1 : i32
      scf.for %scan3A_78 = %scan3A_73 to %scan3A_75 step %scan3A_76  : i32 {
        %mul3A_79 = arith.constant 16 : i32
        %mul3A_80 = arith.muli %scan3A_78, %mul3A_79 : i32
        %add3A_81 = arith.constant 0 : i32
        %add3A_82 = arith.addi %add3A_81, %mul3A_80 : i32
        %get3A = arith.index_cast %add3A_72 : i32 to index
        %get3A_83 = arith.index_cast %add3A_82 : i32 to index
        %get3A_84 = tpu.vector_load %arg4[%get3A, %get3A_83] {strides = array<i32>} : memref<80x128xi32, #tpu.memory_space<vmem>>, vector<1x16xi32>,
        %get3A_85 = vector.shape_cast %get3A_84 : vector<1x16xi32> to vector<1x16xi32>
        %shift_right_logical3A = arith.constant 16 : i32
        %shift_right_logical3A_86 = vector.broadcast %shift_right_logical3A : i32 to vector<1x16xi32>
        %shift_right_logical3A_87 = arith.shrui %get3A_85, %shift_right_logical3A_86 : vector<1x16xi32>
        %swap3A = arith.index_cast %add3A_72 : i32 to index
        %swap3A_88 = arith.index_cast %add3A_82 : i32 to index
        %swap3A_89 = tpu.vector_load %arg4[%swap3A, %swap3A_88] {strides = array<i32>} : memref<80x128xi32, #tpu.memory_space<vmem>>, vector<1x16xi32>,
        %swap3A_90 = vector.shape_cast %swap3A_89 : vector<1x16xi32> to vector<1x16xi32>
        %swap3A_91 = vector.shape_cast %shift_right_logical3A_87 : vector<1x16xi32> to vector<1x16xi32>
        tpu.vector_store %arg4[%swap3A, %swap3A_88], %swap3A_91 {strides = array<i32>} : memref<80x128xi32, #tpu.memory_space<vmem>>, vector<1x16xi32>,
      }
      %scan3A_77 = arith.constant 8 : i32
    }
    %scan3A_43 = arith.constant 80 : i32
    %barrier3A = arith.constant 0 : index
    tpu.barrier barrier_id(%barrier3A)
    %scan3A_44 = arith.constant 0 : i32
    %scan3A_45 = arith.constant 80 : i32
    %scan3A_46 = arith.addi %scan3A_44, %scan3A_45 : i32
    %scan3A_47 = arith.constant 1 : i32
    scf.for %scan3A_68 = %scan3A_44 to %scan3A_46 step %scan3A_47  : i32 {
      %mul3A_69 = arith.constant 1 : i32
      %mul3A_70 = arith.muli %scan3A_68, %mul3A_69 : i32
      %add3A_71 = arith.constant 0 : i32
      %add3A_72 = arith.addi %add3A_71, %mul3A_70 : i32
      "tpu.region"() ({
        %run_scoped3A = tpu.sem_alloc : memref<!tpu.dma_semaphore, #tpu.memory_space<semaphore_mem>>
        %dma_start3A_73 = arith.constant 0 : i32
        %dma_start3A_74 = tpu.memref_slice %arg4[%add3A_72, %dma_start3A_73] : memref<80x128xi32, #tpu.memory_space<vmem>> -> memref<1x128xi32, #tpu.memory_space<vmem>>
        %dma_start3A_75 = tpu.memref_squeeze %dma_start3A_74 : memref<1x128xi32, #tpu.memory_space<vmem>> -> memref<128xi32, #tpu.memory_space<vmem>>
        %dma_start3A_76 = arith.constant 0 : i32
        %dma_start3A_77 = arith.constant 0 : i32
        %dma_start3A_78 = tpu.memref_slice %arg6[%dma_start3A_76, %dma_start3A_77] : memref<10008x128xf32, #tpu.memory_space<vmem_shared>> -> memref<10008x128xf32, #tpu.memory_space<vmem_shared>>
        tpu.enqueue_indirect_dma source(%arg5 : memref<128x128xf32, #tpu.memory_space<vmem>>) target(%dma_start3A_78 : memref<10008x128xf32, #tpu.memory_space<vmem_shared>>) offsets(%dma_start3A_75 : memref<128xi32, #tpu.memory_space<vmem>>) semaphore(%run_scoped3A : memref<!tpu.dma_semaphore, #tpu.memory_space<semaphore_mem>>) {add = true}
        %dma_wait3A_79 = arith.constant 0 : i32
        %dma_wait3A_80 = tpu.memref_slice %arg4[%add3A_72, %dma_wait3A_79] : memref<80x128xi32, #tpu.memory_space<vmem>> -> memref<1x128xi32, #tpu.memory_space<vmem>>
        %dma_wait3A_81 = tpu.memref_squeeze %dma_wait3A_80 : memref<1x128xi32, #tpu.memory_space<vmem>> -> memref<128xi32, #tpu.memory_space<vmem>>
        %dma_wait3A_82 = arith.constant 0 : i32
        %dma_wait3A_83 = arith.constant 0 : i32
        %dma_wait3A_84 = tpu.memref_slice %arg6[%dma_wait3A_82, %dma_wait3A_83] : memref<10008x128xf32, #tpu.memory_space<vmem_shared>> -> memref<10008x128xf32, #tpu.memory_space<vmem_shared>>
        tpu.wait_indirect_dma semaphore(%run_scoped3A : memref<!tpu.dma_semaphore, #tpu.memory_space<semaphore_mem>>) src(%arg5 : memref<128x128xf32, #tpu.memory_space<vmem>>) dst(%dma_wait3A_84 : memref<10008x128xf32, #tpu.memory_space<vmem_shared>>)
        tpu.yield
      }) : () -> ()
    }
    %scan3A_48 = arith.constant 80 : i32
    %barrier3A_49 = arith.constant 0 : index
    tpu.barrier barrier_id(%barrier3A_49)
    %sub3A_50 = arith.constant 125 : i32
    %sub3A_51 = arith.subi %sub3A_50, %arg1 : i32
    %sub3A_52 = arith.constant 16 : i32
    %sub3A_53 = arith.constant 1 : i32
    %sub3A_54 = arith.subi %sub3A_52, %sub3A_53 : i32
    %add3A_55 = arith.addi %sub3A_51, %sub3A_54 : i32
    %div3A_56 = arith.constant 16 : i32
    %div3A_57 = arith.divsi %add3A_55, %div3A_56 : i32
    %while3A_58 = arith.constant 16 : i32
    %while3A_59 = arith.constant 0 : i32
    %while3A_60 = arith.subi %div3A_57, %while3A_59 : i32
    %while3A_61 = arith.addi %while3A_59, %while3A_60 : i32
    %while3A_62 = arith.constant 1 : i32
    %while3A_63 = arith.divsi %while3A_60, %while3A_62 : i32
    %while3A_64 = arith.muli %while3A_63, %while3A_62 : i32
    %while3A_65 = arith.addi %while3A_59, %while3A_64 : i32
    %while3A_66 = arith.constant 1 : i32
    scf.for %while3A_68 = %while3A_59 to %while3A_65 step %while3A_66  : i32 {
      %mul3A_69 = arith.muli %while3A_68, %while3A_58 : i32
      %add3A_70 = arith.addi %arg1, %mul3A_69 : i32
      %mul3A_71 = arith.constant 80 : i32
      %mul3A_72 = arith.muli %add3A_70, %mul3A_71 : i32
      %mul3A_73 = arith.constant 80 : i32
      %mul3A_74 = arith.muli %add3A_70, %mul3A_73 : i32
      "tpu.region"() ({
        %run_scoped3A = tpu.sem_alloc : memref<!tpu.dma_semaphore, #tpu.memory_space<semaphore_mem>>
        %dma_start3A_75 = arith.constant 0 : i32
        %dma_start3A_76 = tpu.memref_slice %arg3[%arg0, %mul3A_74, %dma_start3A_75] : memref<2x10000x128xf32, #tpu.memory_space<hbm>> -> memref<1x80x128xf32, #tpu.memory_space<hbm>>
        %dma_start3A_77 = tpu.memref_squeeze %dma_start3A_76 : memref<1x80x128xf32, #tpu.memory_space<hbm>> -> memref<80x128xf32, #tpu.memory_space<hbm>>
        %dma_start3A_78 = arith.constant 0 : i32
        %dma_start3A_79 = tpu.memref_slice %arg6[%mul3A_72, %dma_start3A_78] : memref<10008x128xf32, #tpu.memory_space<vmem_shared>> -> memref<80x128xf32, #tpu.memory_space<vmem_shared>>
        tpu.enqueue_dma source(%dma_start3A_79 : memref<80x128xf32, #tpu.memory_space<vmem_shared>>) target(%dma_start3A_77 : memref<80x128xf32, #tpu.memory_space<hbm>>) target_semaphore(%run_scoped3A : memref<!tpu.dma_semaphore, #tpu.memory_space<semaphore_mem>>)
        %dma_wait3A_80 = arith.constant 0 : i32
        %dma_wait3A_81 = tpu.memref_slice %arg3[%arg0, %mul3A_74, %dma_wait3A_80] : memref<2x10000x128xf32, #tpu.memory_space<hbm>> -> memref<1x80x128xf32, #tpu.memory_space<hbm>>
        %dma_wait3A_82 = tpu.memref_squeeze %dma_wait3A_81 : memref<1x80x128xf32, #tpu.memory_space<hbm>> -> memref<80x128xf32, #tpu.memory_space<hbm>>
        %dma_wait3A_83 = arith.constant 0 : i32
        %dma_wait3A_84 = tpu.memref_slice %arg6[%mul3A_72, %dma_wait3A_83] : memref<10008x128xf32, #tpu.memory_space<vmem_shared>> -> memref<80x128xf32, #tpu.memory_space<vmem_shared>>
        tpu.wait_dma2 semaphore(%run_scoped3A : memref<!tpu.dma_semaphore, #tpu.memory_space<semaphore_mem>>) src(%dma_wait3A_84 : memref<80x128xf32, #tpu.memory_space<vmem_shared>>) dst(%dma_wait3A_82 : memref<80x128xf32, #tpu.memory_space<hbm>>)
        tpu.yield
      }) : () -> ()
    }
    %while3A_67 = arith.constant 1 : i32
    scf.for %while3A_68 = %while3A_65 to %while3A_61 step %while3A_67  : i32 {
      %mul3A_69 = arith.muli %while3A_68, %while3A_58 : i32
      %add3A_70 = arith.addi %arg1, %mul3A_69 : i32
      %mul3A_71 = arith.constant 80 : i32
      %mul3A_72 = arith.muli %add3A_70, %mul3A_71 : i32
      %mul3A_73 = arith.constant 80 : i32
      %mul3A_74 = arith.muli %add3A_70, %mul3A_73 : i32
      "tpu.region"() ({
        %run_scoped3A = tpu.sem_alloc : memref<!tpu.dma_semaphore, #tpu.memory_space<semaphore_mem>>
        %dma_start3A_75 = arith.constant 0 : i32
        %dma_start3A_76 = tpu.memref_slice %arg3[%arg0, %mul3A_74, %dma_start3A_75] : memref<2x10000x128xf32, #tpu.memory_space<hbm>> -> memref<1x80x128xf32, #tpu.memory_space<hbm>>
        %dma_start3A_77 = tpu.memref_squeeze %dma_start3A_76 : memref<1x80x128xf32, #tpu.memory_space<hbm>> -> memref<80x128xf32, #tpu.memory_space<hbm>>
        %dma_start3A_78 = arith.constant 0 : i32
        %dma_start3A_79 = tpu.memref_slice %arg6[%mul3A_72, %dma_start3A_78] : memref<10008x128xf32, #tpu.memory_space<vmem_shared>> -> memref<80x128xf32, #tpu.memory_space<vmem_shared>>
        tpu.enqueue_dma source(%dma_start3A_79 : memref<80x128xf32, #tpu.memory_space<vmem_shared>>) target(%dma_start3A_77 : memref<80x128xf32, #tpu.memory_space<hbm>>) target_semaphore(%run_scoped3A : memref<!tpu.dma_semaphore, #tpu.memory_space<semaphore_mem>>)
        %dma_wait3A_80 = arith.constant 0 : i32
        %dma_wait3A_81 = tpu.memref_slice %arg3[%arg0, %mul3A_74, %dma_wait3A_80] : memref<2x10000x128xf32, #tpu.memory_space<hbm>> -> memref<1x80x128xf32, #tpu.memory_space<hbm>>
        %dma_wait3A_82 = tpu.memref_squeeze %dma_wait3A_81 : memref<1x80x128xf32, #tpu.memory_space<hbm>> -> memref<80x128xf32, #tpu.memory_space<hbm>>
        %dma_wait3A_83 = arith.constant 0 : i32
        %dma_wait3A_84 = tpu.memref_slice %arg6[%mul3A_72, %dma_wait3A_83] : memref<10008x128xf32, #tpu.memory_space<vmem_shared>> -> memref<80x128xf32, #tpu.memory_space<vmem_shared>>
        tpu.wait_dma2 semaphore(%run_scoped3A : memref<!tpu.dma_semaphore, #tpu.memory_space<semaphore_mem>>) src(%dma_wait3A_84 : memref<80x128xf32, #tpu.memory_space<vmem_shared>>) dst(%dma_wait3A_82 : memref<80x128xf32, #tpu.memory_space<hbm>>)
        tpu.yield
      }) : () -> ()
    }
    return
  }
}

#map = affine_map<(d0, d1) -> (0, 0)>
#map1 = affine_map<(d0, d1) -> (0, 0, 0)>
module attributes {stable_mosaic.version = 14 : i64} {
  func.func @_spmm_kernel(%arg0: i32, %arg1: i32, %arg2: memref<10000x128xf32, #tpu.memory_space<hbm>>, %arg3: memref<32x80x128xi32, #tpu.memory_space<hbm>>, %arg4: memref<2x10000x128xf32, #tpu.memory_space<hbm>>, %arg5: memref<40x128xi32, #tpu.memory_space<vmem>>, %arg6: memref<40x128xi32, #tpu.memory_space<vmem>>, %arg7: memref<128x128xf32, #tpu.memory_space<vmem>>, %arg8: memref<128x128xf32, #tpu.memory_space<vmem>>, %arg9: memref<10008x128xf32, #tpu.memory_space<vmem_shared>>, %arg10: memref<!tpu.dma_semaphore, #tpu.memory_space<semaphore_mem>>, %arg11: memref<!tpu.dma_semaphore, #tpu.memory_space<semaphore_mem>>, %arg12: memref<!tpu.dma_semaphore, #tpu.memory_space<semaphore_mem>>) attributes {dimension_semantics = [#tpu.dimension_semantics<core_parallel>, #tpu.dimension_semantics<subcore_parallel>], iteration_bounds = array<i64: 2, 16>, scalar_prefetch = 0 : i64, scratch_operands = 8 : i64, tpu.core_type = #tpu.core_type<sc_vector_subcore>, window_params = [{transform_indices = #map}, {transform_indices = #map1}, {transform_indices = #map1}]} {
    %mul3A = arith.constant 2 : i32
    %mul3A_0 = arith.muli %arg1, %mul3A : i32
    %add3A = arith.addi %mul3A_0, %arg0 : i32
    %scan3A = arith.constant 0 : i32
    %scan3A_1 = arith.constant 128 : i32
    %scan3A_2 = arith.addi %scan3A, %scan3A_1 : i32
    %scan3A_3 = arith.constant 1 : i32
    scf.for %scan3A_44 = %scan3A to %scan3A_2 step %scan3A_3  : i32 {
      %mul3A_45 = arith.constant 1 : i32
      %mul3A_46 = arith.muli %scan3A_44, %mul3A_45 : i32
      %add3A_47 = arith.constant 0 : i32
      %add3A_48 = arith.addi %add3A_47, %mul3A_46 : i32
      %scan3A_49 = arith.constant 0 : i32
      %scan3A_50 = arith.constant 8 : i32
      %scan3A_51 = arith.addi %scan3A_49, %scan3A_50 : i32
      %scan3A_52 = arith.constant 1 : i32
      scf.for %scan3A_54 = %scan3A_49 to %scan3A_51 step %scan3A_52  : i32 {
        %mul3A_55 = arith.constant 16 : i32
        %mul3A_56 = arith.muli %scan3A_54, %mul3A_55 : i32
        %add3A_57 = arith.constant 0 : i32
        %add3A_58 = arith.addi %add3A_57, %mul3A_56 : i32
        %broadcast_in_dim3A = arith.constant 0.000000e+00 : f32
        %broadcast_in_dim3A_59 = vector.broadcast %broadcast_in_dim3A : f32 to vector<1x16xf32>
        %swap3A = arith.index_cast %add3A_48 : i32 to index
        %swap3A_60 = arith.index_cast %add3A_58 : i32 to index
        %swap3A_61 = tpu.vector_load %arg7[%swap3A, %swap3A_60] {strides = array<i32>} : memref<128x128xf32, #tpu.memory_space<vmem>>, vector<1x16xf32>,
        %swap3A_62 = vector.shape_cast %swap3A_61 : vector<1x16xf32> to vector<1x16xf32>
        %swap3A_63 = vector.shape_cast %broadcast_in_dim3A_59 : vector<1x16xf32> to vector<1x16xf32>
        tpu.vector_store %arg7[%swap3A, %swap3A_60], %swap3A_63 {strides = array<i32>} : memref<128x128xf32, #tpu.memory_space<vmem>>, vector<1x16xf32>,
      }
      %scan3A_53 = arith.constant 8 : i32
    }
    %scan3A_4 = arith.constant 128 : i32
    %sub3A = arith.constant 125 : i32
    %sub3A_5 = arith.subi %sub3A, %arg1 : i32
    %sub3A_6 = arith.constant 16 : i32
    %sub3A_7 = arith.constant 1 : i32
    %sub3A_8 = arith.subi %sub3A_6, %sub3A_7 : i32
    %add3A_9 = arith.addi %sub3A_5, %sub3A_8 : i32
    %div3A = arith.constant 16 : i32
    %div3A_10 = arith.divsi %add3A_9, %div3A : i32
    %while3A = arith.constant 16 : i32
    %while3A_11 = arith.constant 0 : i32
    %while3A_12 = arith.subi %div3A_10, %while3A_11 : i32
    %while3A_13 = arith.addi %while3A_11, %while3A_12 : i32
    %while3A_14 = arith.constant 1 : i32
    %while3A_15 = arith.divsi %while3A_12, %while3A_14 : i32
    %while3A_16 = arith.muli %while3A_15, %while3A_14 : i32
    %while3A_17 = arith.addi %while3A_11, %while3A_16 : i32
    %while3A_18 = arith.constant 1 : i32
    scf.for %while3A_44 = %while3A_11 to %while3A_17 step %while3A_18  : i32 {
      %mul3A_45 = arith.muli %while3A_44, %while3A : i32
      %add3A_46 = arith.addi %arg1, %mul3A_45 : i32
      %mul3A_47 = arith.constant 80 : i32
      %mul3A_48 = arith.muli %add3A_46, %mul3A_47 : i32
      "tpu.region"() ({
        %run_scoped3A = tpu.sem_alloc : memref<!tpu.dma_semaphore, #tpu.memory_space<semaphore_mem>>
        %dma_start3A = arith.constant 0 : i32
        %dma_start3A_49 = arith.constant 0 : i32
        %dma_start3A_50 = tpu.memref_slice %arg7[%dma_start3A, %dma_start3A_49] : memref<128x128xf32, #tpu.memory_space<vmem>> -> memref<80x128xf32, #tpu.memory_space<vmem>>
        %dma_start3A_51 = arith.constant 0 : i32
        %dma_start3A_52 = tpu.memref_slice %arg9[%mul3A_48, %dma_start3A_51] : memref<10008x128xf32, #tpu.memory_space<vmem_shared>> -> memref<80x128xf32, #tpu.memory_space<vmem_shared>>
        %dma_start3A_53 = arith.constant 0 : i32
        %dma_start3A_54 = tpu.memref_slice %arg9[%mul3A_48, %dma_start3A_53] : memref<10008x128xf32, #tpu.memory_space<vmem_shared>> -> memref<80x128xf32, #tpu.memory_space<vmem_shared>>
        %dma_start3A_55 = arith.constant 0 : i32
        %dma_start3A_56 = arith.constant 0 : i32
        %dma_start3A_57 = tpu.memref_slice %arg7[%dma_start3A_55, %dma_start3A_56] : memref<128x128xf32, #tpu.memory_space<vmem>> -> memref<80x128xf32, #tpu.memory_space<vmem>>
        tpu.enqueue_dma source(%dma_start3A_57 : memref<80x128xf32, #tpu.memory_space<vmem>>) target(%dma_start3A_54 : memref<80x128xf32, #tpu.memory_space<vmem_shared>>) target_semaphore(%run_scoped3A : memref<!tpu.dma_semaphore, #tpu.memory_space<semaphore_mem>>)
        %dma_wait3A = arith.constant 0 : i32
        %dma_wait3A_58 = arith.constant 0 : i32
        %dma_wait3A_59 = tpu.memref_slice %arg7[%dma_wait3A, %dma_wait3A_58] : memref<128x128xf32, #tpu.memory_space<vmem>> -> memref<80x128xf32, #tpu.memory_space<vmem>>
        %dma_wait3A_60 = arith.constant 0 : i32
        %dma_wait3A_61 = tpu.memref_slice %arg9[%mul3A_48, %dma_wait3A_60] : memref<10008x128xf32, #tpu.memory_space<vmem_shared>> -> memref<80x128xf32, #tpu.memory_space<vmem_shared>>
        %dma_wait3A_62 = arith.constant 0 : i32
        %dma_wait3A_63 = tpu.memref_slice %arg9[%mul3A_48, %dma_wait3A_62] : memref<10008x128xf32, #tpu.memory_space<vmem_shared>> -> memref<80x128xf32, #tpu.memory_space<vmem_shared>>
        %dma_wait3A_64 = arith.constant 0 : i32
        %dma_wait3A_65 = arith.constant 0 : i32
        %dma_wait3A_66 = tpu.memref_slice %arg7[%dma_wait3A_64, %dma_wait3A_65] : memref<128x128xf32, #tpu.memory_space<vmem>> -> memref<80x128xf32, #tpu.memory_space<vmem>>
        tpu.wait_dma2 semaphore(%run_scoped3A : memref<!tpu.dma_semaphore, #tpu.memory_space<semaphore_mem>>) src(%dma_wait3A_66 : memref<80x128xf32, #tpu.memory_space<vmem>>) dst(%dma_wait3A_63 : memref<80x128xf32, #tpu.memory_space<vmem_shared>>)
        tpu.yield
      }) : () -> ()
    }
    %while3A_19 = arith.constant 1 : i32
    scf.for %while3A_44 = %while3A_17 to %while3A_13 step %while3A_19  : i32 {
      %mul3A_45 = arith.muli %while3A_44, %while3A : i32
      %add3A_46 = arith.addi %arg1, %mul3A_45 : i32
      %mul3A_47 = arith.constant 80 : i32
      %mul3A_48 = arith.muli %add3A_46, %mul3A_47 : i32
      "tpu.region"() ({
        %run_scoped3A = tpu.sem_alloc : memref<!tpu.dma_semaphore, #tpu.memory_space<semaphore_mem>>
        %dma_start3A = arith.constant 0 : i32
        %dma_start3A_49 = arith.constant 0 : i32
        %dma_start3A_50 = tpu.memref_slice %arg7[%dma_start3A, %dma_start3A_49] : memref<128x128xf32, #tpu.memory_space<vmem>> -> memref<80x128xf32, #tpu.memory_space<vmem>>
        %dma_start3A_51 = arith.constant 0 : i32
        %dma_start3A_52 = tpu.memref_slice %arg9[%mul3A_48, %dma_start3A_51] : memref<10008x128xf32, #tpu.memory_space<vmem_shared>> -> memref<80x128xf32, #tpu.memory_space<vmem_shared>>
        %dma_start3A_53 = arith.constant 0 : i32
        %dma_start3A_54 = tpu.memref_slice %arg9[%mul3A_48, %dma_start3A_53] : memref<10008x128xf32, #tpu.memory_space<vmem_shared>> -> memref<80x128xf32, #tpu.memory_space<vmem_shared>>
        %dma_start3A_55 = arith.constant 0 : i32
        %dma_start3A_56 = arith.constant 0 : i32
        %dma_start3A_57 = tpu.memref_slice %arg7[%dma_start3A_55, %dma_start3A_56] : memref<128x128xf32, #tpu.memory_space<vmem>> -> memref<80x128xf32, #tpu.memory_space<vmem>>
        tpu.enqueue_dma source(%dma_start3A_57 : memref<80x128xf32, #tpu.memory_space<vmem>>) target(%dma_start3A_54 : memref<80x128xf32, #tpu.memory_space<vmem_shared>>) target_semaphore(%run_scoped3A : memref<!tpu.dma_semaphore, #tpu.memory_space<semaphore_mem>>)
        %dma_wait3A = arith.constant 0 : i32
        %dma_wait3A_58 = arith.constant 0 : i32
        %dma_wait3A_59 = tpu.memref_slice %arg7[%dma_wait3A, %dma_wait3A_58] : memref<128x128xf32, #tpu.memory_space<vmem>> -> memref<80x128xf32, #tpu.memory_space<vmem>>
        %dma_wait3A_60 = arith.constant 0 : i32
        %dma_wait3A_61 = tpu.memref_slice %arg9[%mul3A_48, %dma_wait3A_60] : memref<10008x128xf32, #tpu.memory_space<vmem_shared>> -> memref<80x128xf32, #tpu.memory_space<vmem_shared>>
        %dma_wait3A_62 = arith.constant 0 : i32
        %dma_wait3A_63 = tpu.memref_slice %arg9[%mul3A_48, %dma_wait3A_62] : memref<10008x128xf32, #tpu.memory_space<vmem_shared>> -> memref<80x128xf32, #tpu.memory_space<vmem_shared>>
        %dma_wait3A_64 = arith.constant 0 : i32
        %dma_wait3A_65 = arith.constant 0 : i32
        %dma_wait3A_66 = tpu.memref_slice %arg7[%dma_wait3A_64, %dma_wait3A_65] : memref<128x128xf32, #tpu.memory_space<vmem>> -> memref<80x128xf32, #tpu.memory_space<vmem>>
        tpu.wait_dma2 semaphore(%run_scoped3A : memref<!tpu.dma_semaphore, #tpu.memory_space<semaphore_mem>>) src(%dma_wait3A_66 : memref<80x128xf32, #tpu.memory_space<vmem>>) dst(%dma_wait3A_63 : memref<80x128xf32, #tpu.memory_space<vmem_shared>>)
        tpu.yield
      }) : () -> ()
    }
    %barrier3A = arith.constant 0 : index
    tpu.barrier barrier_id(%barrier3A)
    %scan3A_20 = arith.constant 0 : i32
    %scan3A_21 = arith.constant 2 : i32
    %scan3A_22 = arith.addi %scan3A_20, %scan3A_21 : i32
    %scan3A_23 = arith.constant 1 : i32
    scf.for %scan3A_44 = %scan3A_20 to %scan3A_22 step %scan3A_23  : i32 {
      %mul3A_45 = arith.constant 1 : i32
      %mul3A_46 = arith.muli %scan3A_44, %mul3A_45 : i32
      %add3A_47 = arith.constant 0 : i32
      %add3A_48 = arith.addi %add3A_47, %mul3A_46 : i32
      %mul3A_49 = arith.constant 40 : i32
      %mul3A_50 = arith.muli %add3A_48, %mul3A_49 : i32
      %dma_start3A = arith.constant 0 : i32
      %dma_start3A_51 = tpu.memref_slice %arg3[%add3A, %mul3A_50, %dma_start3A] : memref<32x80x128xi32, #tpu.memory_space<hbm>> -> memref<1x40x128xi32, #tpu.memory_space<hbm>>
      %dma_start3A_52 = tpu.memref_squeeze %dma_start3A_51 : memref<1x40x128xi32, #tpu.memory_space<hbm>> -> memref<40x128xi32, #tpu.memory_space<hbm>>
      %dma_start3A_53 = arith.constant 0 : i32
      %dma_start3A_54 = tpu.memref_slice %arg3[%add3A, %mul3A_50, %dma_start3A_53] : memref<32x80x128xi32, #tpu.memory_space<hbm>> -> memref<1x40x128xi32, #tpu.memory_space<hbm>>
      %dma_start3A_55 = tpu.memref_squeeze %dma_start3A_54 : memref<1x40x128xi32, #tpu.memory_space<hbm>> -> memref<40x128xi32, #tpu.memory_space<hbm>>
      tpu.enqueue_dma source(%dma_start3A_55 : memref<40x128xi32, #tpu.memory_space<hbm>>) target(%arg5 : memref<40x128xi32, #tpu.memory_space<vmem>>) target_semaphore(%arg10 : memref<!tpu.dma_semaphore, #tpu.memory_space<semaphore_mem>>)
      %dma_wait3A = arith.constant 0 : i32
      %dma_wait3A_56 = tpu.memref_slice %arg3[%add3A, %mul3A_50, %dma_wait3A] : memref<32x80x128xi32, #tpu.memory_space<hbm>> -> memref<1x40x128xi32, #tpu.memory_space<hbm>>
      %dma_wait3A_57 = tpu.memref_squeeze %dma_wait3A_56 : memref<1x40x128xi32, #tpu.memory_space<hbm>> -> memref<40x128xi32, #tpu.memory_space<hbm>>
      %dma_wait3A_58 = arith.constant 0 : i32
      %dma_wait3A_59 = tpu.memref_slice %arg3[%add3A, %mul3A_50, %dma_wait3A_58] : memref<32x80x128xi32, #tpu.memory_space<hbm>> -> memref<1x40x128xi32, #tpu.memory_space<hbm>>
      %dma_wait3A_60 = tpu.memref_squeeze %dma_wait3A_59 : memref<1x40x128xi32, #tpu.memory_space<hbm>> -> memref<40x128xi32, #tpu.memory_space<hbm>>
      tpu.wait_dma2 semaphore(%arg10 : memref<!tpu.dma_semaphore, #tpu.memory_space<semaphore_mem>>) src(%dma_wait3A_60 : memref<40x128xi32, #tpu.memory_space<hbm>>) dst(%arg5 : memref<40x128xi32, #tpu.memory_space<vmem>>)
      %scan3A_61 = arith.constant 0 : i32
      %scan3A_62 = arith.constant 40 : i32
      %scan3A_63 = arith.addi %scan3A_61, %scan3A_62 : i32
      %scan3A_64 = arith.constant 1 : i32
      scf.for %scan3A_85 = %scan3A_61 to %scan3A_63 step %scan3A_64  : i32 {
        %mul3A_86 = arith.constant 1 : i32
        %mul3A_87 = arith.muli %scan3A_85, %mul3A_86 : i32
        %add3A_88 = arith.constant 0 : i32
        %add3A_89 = arith.addi %add3A_88, %mul3A_87 : i32
        %scan3A_90 = arith.constant 0 : i32
        %scan3A_91 = arith.constant 8 : i32
        %scan3A_92 = arith.addi %scan3A_90, %scan3A_91 : i32
        %scan3A_93 = arith.constant 1 : i32
        scf.for %scan3A_95 = %scan3A_90 to %scan3A_92 step %scan3A_93  : i32 {
          %mul3A_96 = arith.constant 16 : i32
          %mul3A_97 = arith.muli %scan3A_95, %mul3A_96 : i32
          %add3A_98 = arith.constant 0 : i32
          %add3A_99 = arith.addi %add3A_98, %mul3A_97 : i32
          %get3A = arith.index_cast %add3A_89 : i32 to index
          %get3A_100 = arith.index_cast %add3A_99 : i32 to index
          %get3A_101 = tpu.vector_load %arg5[%get3A, %get3A_100] {strides = array<i32>} : memref<40x128xi32, #tpu.memory_space<vmem>>, vector<1x16xi32>,
          %get3A_102 = vector.shape_cast %get3A_101 : vector<1x16xi32> to vector<1x16xi32>
          %and3A = arith.constant 65535 : i32
          %and3A_103 = vector.broadcast %and3A : i32 to vector<1x16xi32>
          %and3A_104 = arith.andi %get3A_102, %and3A_103 : vector<1x16xi32>
          %swap3A = arith.index_cast %add3A_89 : i32 to index
          %swap3A_105 = arith.index_cast %add3A_99 : i32 to index
          %swap3A_106 = tpu.vector_load %arg5[%swap3A, %swap3A_105] {strides = array<i32>} : memref<40x128xi32, #tpu.memory_space<vmem>>, vector<1x16xi32>,
          %swap3A_107 = vector.shape_cast %swap3A_106 : vector<1x16xi32> to vector<1x16xi32>
          %swap3A_108 = vector.shape_cast %and3A_104 : vector<1x16xi32> to vector<1x16xi32>
          tpu.vector_store %arg5[%swap3A, %swap3A_105], %swap3A_108 {strides = array<i32>} : memref<40x128xi32, #tpu.memory_space<vmem>>, vector<1x16xi32>,
          %shift_right_logical3A = arith.constant 16 : i32
          %shift_right_logical3A_109 = vector.broadcast %shift_right_logical3A : i32 to vector<1x16xi32>
          %shift_right_logical3A_110 = arith.shrui %get3A_102, %shift_right_logical3A_109 : vector<1x16xi32>
          %swap3A_111 = arith.index_cast %add3A_89 : i32 to index
          %swap3A_112 = arith.index_cast %add3A_99 : i32 to index
          %swap3A_113 = tpu.vector_load %arg6[%swap3A_111, %swap3A_112] {strides = array<i32>} : memref<40x128xi32, #tpu.memory_space<vmem>>, vector<1x16xi32>,
          %swap3A_114 = vector.shape_cast %swap3A_113 : vector<1x16xi32> to vector<1x16xi32>
          %swap3A_115 = vector.shape_cast %shift_right_logical3A_110 : vector<1x16xi32> to vector<1x16xi32>
          tpu.vector_store %arg6[%swap3A_111, %swap3A_112], %swap3A_115 {strides = array<i32>} : memref<40x128xi32, #tpu.memory_space<vmem>>, vector<1x16xi32>,
        }
        %scan3A_94 = arith.constant 8 : i32
      }
      %scan3A_65 = arith.constant 40 : i32
      %dma_start3A_66 = arith.constant 0 : i32
      %dma_start3A_67 = arith.constant 0 : i32
      %dma_start3A_68 = tpu.memref_slice %arg5[%dma_start3A_66, %dma_start3A_67] : memref<40x128xi32, #tpu.memory_space<vmem>> -> memref<1x128xi32, #tpu.memory_space<vmem>>
      %dma_start3A_69 = tpu.memref_squeeze %dma_start3A_68 : memref<1x128xi32, #tpu.memory_space<vmem>> -> memref<128xi32, #tpu.memory_space<vmem>>
      %dma_start3A_70 = arith.constant 0 : i32
      %dma_start3A_71 = arith.constant 0 : i32
      %dma_start3A_72 = tpu.memref_slice %arg2[%dma_start3A_70, %dma_start3A_71] : memref<10000x128xf32, #tpu.memory_space<hbm>> -> memref<10000x128xf32, #tpu.memory_space<hbm>>
      tpu.enqueue_indirect_dma source(%dma_start3A_72 : memref<10000x128xf32, #tpu.memory_space<hbm>>) target(%arg7 : memref<128x128xf32, #tpu.memory_space<vmem>>) offsets(%dma_start3A_69 : memref<128xi32, #tpu.memory_space<vmem>>) semaphore(%arg11 : memref<!tpu.dma_semaphore, #tpu.memory_space<semaphore_mem>>)
      %dma_start3A_73 = arith.constant 1 : i32
      %dma_start3A_74 = arith.constant 0 : i32
      %dma_start3A_75 = tpu.memref_slice %arg5[%dma_start3A_73, %dma_start3A_74] : memref<40x128xi32, #tpu.memory_space<vmem>> -> memref<1x128xi32, #tpu.memory_space<vmem>>
      %dma_start3A_76 = tpu.memref_squeeze %dma_start3A_75 : memref<1x128xi32, #tpu.memory_space<vmem>> -> memref<128xi32, #tpu.memory_space<vmem>>
      %dma_start3A_77 = arith.constant 0 : i32
      %dma_start3A_78 = arith.constant 0 : i32
      %dma_start3A_79 = tpu.memref_slice %arg2[%dma_start3A_77, %dma_start3A_78] : memref<10000x128xf32, #tpu.memory_space<hbm>> -> memref<10000x128xf32, #tpu.memory_space<hbm>>
      tpu.enqueue_indirect_dma source(%dma_start3A_79 : memref<10000x128xf32, #tpu.memory_space<hbm>>) target(%arg8 : memref<128x128xf32, #tpu.memory_space<vmem>>) offsets(%dma_start3A_76 : memref<128xi32, #tpu.memory_space<vmem>>) semaphore(%arg12 : memref<!tpu.dma_semaphore, #tpu.memory_space<semaphore_mem>>)
      %scan3A_80 = arith.constant 0 : i32
      %scan3A_81 = arith.constant 20 : i32
      %scan3A_82 = arith.addi %scan3A_80, %scan3A_81 : i32
      %scan3A_83 = arith.constant 1 : i32
      scf.for %scan3A_85 = %scan3A_80 to %scan3A_82 step %scan3A_83  : i32 {
        %mul3A_86 = arith.constant 2 : i32
        %mul3A_87 = arith.muli %scan3A_85, %mul3A_86 : i32
        %add3A_88 = arith.constant 0 : i32
        %add3A_89 = arith.addi %add3A_88, %mul3A_87 : i32
        %dma_wait3A_90 = arith.constant 0 : i32
        %dma_wait3A_91 = tpu.memref_slice %arg5[%add3A_89, %dma_wait3A_90] : memref<40x128xi32, #tpu.memory_space<vmem>> -> memref<1x128xi32, #tpu.memory_space<vmem>>
        %dma_wait3A_92 = tpu.memref_squeeze %dma_wait3A_91 : memref<1x128xi32, #tpu.memory_space<vmem>> -> memref<128xi32, #tpu.memory_space<vmem>>
        %dma_wait3A_93 = arith.constant 0 : i32
        %dma_wait3A_94 = arith.constant 0 : i32
        %dma_wait3A_95 = tpu.memref_slice %arg2[%dma_wait3A_93, %dma_wait3A_94] : memref<10000x128xf32, #tpu.memory_space<hbm>> -> memref<10000x128xf32, #tpu.memory_space<hbm>>
        tpu.wait_indirect_dma semaphore(%arg11 : memref<!tpu.dma_semaphore, #tpu.memory_space<semaphore_mem>>) src(%dma_wait3A_95 : memref<10000x128xf32, #tpu.memory_space<hbm>>) dst(%arg7 : memref<128x128xf32, #tpu.memory_space<vmem>>)
        "tpu.region"() ({
          %run_scoped3A = tpu.sem_alloc : memref<!tpu.dma_semaphore, #tpu.memory_space<semaphore_mem>>
          %dma_start3A_117 = arith.constant 0 : i32
          %dma_start3A_118 = tpu.memref_slice %arg6[%add3A_89, %dma_start3A_117] : memref<40x128xi32, #tpu.memory_space<vmem>> -> memref<1x128xi32, #tpu.memory_space<vmem>>
          %dma_start3A_119 = tpu.memref_squeeze %dma_start3A_118 : memref<1x128xi32, #tpu.memory_space<vmem>> -> memref<128xi32, #tpu.memory_space<vmem>>
          %dma_start3A_120 = arith.constant 0 : i32
          %dma_start3A_121 = arith.constant 0 : i32
          %dma_start3A_122 = tpu.memref_slice %arg9[%dma_start3A_120, %dma_start3A_121] : memref<10008x128xf32, #tpu.memory_space<vmem_shared>> -> memref<10008x128xf32, #tpu.memory_space<vmem_shared>>
          tpu.enqueue_indirect_dma source(%arg7 : memref<128x128xf32, #tpu.memory_space<vmem>>) target(%dma_start3A_122 : memref<10008x128xf32, #tpu.memory_space<vmem_shared>>) offsets(%dma_start3A_119 : memref<128xi32, #tpu.memory_space<vmem>>) semaphore(%run_scoped3A : memref<!tpu.dma_semaphore, #tpu.memory_space<semaphore_mem>>) {add = true}
          %dma_wait3A_123 = arith.constant 0 : i32
          %dma_wait3A_124 = tpu.memref_slice %arg6[%add3A_89, %dma_wait3A_123] : memref<40x128xi32, #tpu.memory_space<vmem>> -> memref<1x128xi32, #tpu.memory_space<vmem>>
          %dma_wait3A_125 = tpu.memref_squeeze %dma_wait3A_124 : memref<1x128xi32, #tpu.memory_space<vmem>> -> memref<128xi32, #tpu.memory_space<vmem>>
          %dma_wait3A_126 = arith.constant 0 : i32
          %dma_wait3A_127 = arith.constant 0 : i32
          %dma_wait3A_128 = tpu.memref_slice %arg9[%dma_wait3A_126, %dma_wait3A_127] : memref<10008x128xf32, #tpu.memory_space<vmem_shared>> -> memref<10008x128xf32, #tpu.memory_space<vmem_shared>>
          tpu.wait_indirect_dma semaphore(%run_scoped3A : memref<!tpu.dma_semaphore, #tpu.memory_space<semaphore_mem>>) src(%arg7 : memref<128x128xf32, #tpu.memory_space<vmem>>) dst(%dma_wait3A_128 : memref<10008x128xf32, #tpu.memory_space<vmem_shared>>)
          tpu.yield
        }) : () -> ()
        %add3A_96 = arith.constant 2 : i32
        %add3A_97 = arith.addi %add3A_89, %add3A_96 : i32
        %lt3A = arith.constant 40 : i32
        %lt3A_98 = arith.cmpi slt, %add3A_97, %lt3A : i32
        %convert_element_type3A = arith.extui %lt3A_98 : i1 to i32
        %cond3A = arith.constant 0 : i32
        %cond3A_99 = arith.cmpi ne, %convert_element_type3A, %cond3A : i32
        scf.if %cond3A_99 {
          %add3A_117 = arith.constant 2 : i32
          %add3A_118 = arith.addi %add3A_89, %add3A_117 : i32
          %dma_start3A_119 = arith.constant 0 : i32
          %dma_start3A_120 = tpu.memref_slice %arg5[%add3A_118, %dma_start3A_119] : memref<40x128xi32, #tpu.memory_space<vmem>> -> memref<1x128xi32, #tpu.memory_space<vmem>>
          %dma_start3A_121 = tpu.memref_squeeze %dma_start3A_120 : memref<1x128xi32, #tpu.memory_space<vmem>> -> memref<128xi32, #tpu.memory_space<vmem>>
          %dma_start3A_122 = arith.constant 0 : i32
          %dma_start3A_123 = arith.constant 0 : i32
          %dma_start3A_124 = tpu.memref_slice %arg2[%dma_start3A_122, %dma_start3A_123] : memref<10000x128xf32, #tpu.memory_space<hbm>> -> memref<10000x128xf32, #tpu.memory_space<hbm>>
          tpu.enqueue_indirect_dma source(%dma_start3A_124 : memref<10000x128xf32, #tpu.memory_space<hbm>>) target(%arg7 : memref<128x128xf32, #tpu.memory_space<vmem>>) offsets(%dma_start3A_121 : memref<128xi32, #tpu.memory_space<vmem>>) semaphore(%arg11 : memref<!tpu.dma_semaphore, #tpu.memory_space<semaphore_mem>>)
        } else {
        }
        %add3A_100 = arith.constant 1 : i32
        %add3A_101 = arith.addi %add3A_89, %add3A_100 : i32
        %dma_wait3A_102 = arith.constant 0 : i32
        %dma_wait3A_103 = tpu.memref_slice %arg5[%add3A_101, %dma_wait3A_102] : memref<40x128xi32, #tpu.memory_space<vmem>> -> memref<1x128xi32, #tpu.memory_space<vmem>>
        %dma_wait3A_104 = tpu.memref_squeeze %dma_wait3A_103 : memref<1x128xi32, #tpu.memory_space<vmem>> -> memref<128xi32, #tpu.memory_space<vmem>>
        %dma_wait3A_105 = arith.constant 0 : i32
        %dma_wait3A_106 = arith.constant 0 : i32
        %dma_wait3A_107 = tpu.memref_slice %arg2[%dma_wait3A_105, %dma_wait3A_106] : memref<10000x128xf32, #tpu.memory_space<hbm>> -> memref<10000x128xf32, #tpu.memory_space<hbm>>
        tpu.wait_indirect_dma semaphore(%arg12 : memref<!tpu.dma_semaphore, #tpu.memory_space<semaphore_mem>>) src(%dma_wait3A_107 : memref<10000x128xf32, #tpu.memory_space<hbm>>) dst(%arg8 : memref<128x128xf32, #tpu.memory_space<vmem>>)
        %add3A_108 = arith.constant 1 : i32
        %add3A_109 = arith.addi %add3A_89, %add3A_108 : i32
        "tpu.region"() ({
          %run_scoped3A = tpu.sem_alloc : memref<!tpu.dma_semaphore, #tpu.memory_space<semaphore_mem>>
          %dma_start3A_117 = arith.constant 0 : i32
          %dma_start3A_118 = tpu.memref_slice %arg6[%add3A_109, %dma_start3A_117] : memref<40x128xi32, #tpu.memory_space<vmem>> -> memref<1x128xi32, #tpu.memory_space<vmem>>
          %dma_start3A_119 = tpu.memref_squeeze %dma_start3A_118 : memref<1x128xi32, #tpu.memory_space<vmem>> -> memref<128xi32, #tpu.memory_space<vmem>>
          %dma_start3A_120 = arith.constant 0 : i32
          %dma_start3A_121 = arith.constant 0 : i32
          %dma_start3A_122 = tpu.memref_slice %arg9[%dma_start3A_120, %dma_start3A_121] : memref<10008x128xf32, #tpu.memory_space<vmem_shared>> -> memref<10008x128xf32, #tpu.memory_space<vmem_shared>>
          tpu.enqueue_indirect_dma source(%arg8 : memref<128x128xf32, #tpu.memory_space<vmem>>) target(%dma_start3A_122 : memref<10008x128xf32, #tpu.memory_space<vmem_shared>>) offsets(%dma_start3A_119 : memref<128xi32, #tpu.memory_space<vmem>>) semaphore(%run_scoped3A : memref<!tpu.dma_semaphore, #tpu.memory_space<semaphore_mem>>) {add = true}
          %dma_wait3A_123 = arith.constant 0 : i32
          %dma_wait3A_124 = tpu.memref_slice %arg6[%add3A_109, %dma_wait3A_123] : memref<40x128xi32, #tpu.memory_space<vmem>> -> memref<1x128xi32, #tpu.memory_space<vmem>>
          %dma_wait3A_125 = tpu.memref_squeeze %dma_wait3A_124 : memref<1x128xi32, #tpu.memory_space<vmem>> -> memref<128xi32, #tpu.memory_space<vmem>>
          %dma_wait3A_126 = arith.constant 0 : i32
          %dma_wait3A_127 = arith.constant 0 : i32
          %dma_wait3A_128 = tpu.memref_slice %arg9[%dma_wait3A_126, %dma_wait3A_127] : memref<10008x128xf32, #tpu.memory_space<vmem_shared>> -> memref<10008x128xf32, #tpu.memory_space<vmem_shared>>
          tpu.wait_indirect_dma semaphore(%run_scoped3A : memref<!tpu.dma_semaphore, #tpu.memory_space<semaphore_mem>>) src(%arg8 : memref<128x128xf32, #tpu.memory_space<vmem>>) dst(%dma_wait3A_128 : memref<10008x128xf32, #tpu.memory_space<vmem_shared>>)
          tpu.yield
        }) : () -> ()
        %add3A_110 = arith.constant 3 : i32
        %add3A_111 = arith.addi %add3A_89, %add3A_110 : i32
        %lt3A_112 = arith.constant 40 : i32
        %lt3A_113 = arith.cmpi slt, %add3A_111, %lt3A_112 : i32
        %convert_element_type3A_114 = arith.extui %lt3A_113 : i1 to i32
        %cond3A_115 = arith.constant 0 : i32
        %cond3A_116 = arith.cmpi ne, %convert_element_type3A_114, %cond3A_115 : i32
        scf.if %cond3A_116 {
          %add3A_117 = arith.constant 3 : i32
          %add3A_118 = arith.addi %add3A_89, %add3A_117 : i32
          %dma_start3A_119 = arith.constant 0 : i32
          %dma_start3A_120 = tpu.memref_slice %arg5[%add3A_118, %dma_start3A_119] : memref<40x128xi32, #tpu.memory_space<vmem>> -> memref<1x128xi32, #tpu.memory_space<vmem>>
          %dma_start3A_121 = tpu.memref_squeeze %dma_start3A_120 : memref<1x128xi32, #tpu.memory_space<vmem>> -> memref<128xi32, #tpu.memory_space<vmem>>
          %dma_start3A_122 = arith.constant 0 : i32
          %dma_start3A_123 = arith.constant 0 : i32
          %dma_start3A_124 = tpu.memref_slice %arg2[%dma_start3A_122, %dma_start3A_123] : memref<10000x128xf32, #tpu.memory_space<hbm>> -> memref<10000x128xf32, #tpu.memory_space<hbm>>
          tpu.enqueue_indirect_dma source(%dma_start3A_124 : memref<10000x128xf32, #tpu.memory_space<hbm>>) target(%arg8 : memref<128x128xf32, #tpu.memory_space<vmem>>) offsets(%dma_start3A_121 : memref<128xi32, #tpu.memory_space<vmem>>) semaphore(%arg12 : memref<!tpu.dma_semaphore, #tpu.memory_space<semaphore_mem>>)
        } else {
        }
      }
      %scan3A_84 = arith.constant 20 : i32
    }
    %scan3A_24 = arith.constant 2 : i32
    %barrier3A_25 = arith.constant 0 : index
    tpu.barrier barrier_id(%barrier3A_25)
    %sub3A_26 = arith.constant 125 : i32
    %sub3A_27 = arith.subi %sub3A_26, %arg1 : i32
    %sub3A_28 = arith.constant 16 : i32
    %sub3A_29 = arith.constant 1 : i32
    %sub3A_30 = arith.subi %sub3A_28, %sub3A_29 : i32
    %add3A_31 = arith.addi %sub3A_27, %sub3A_30 : i32
    %div3A_32 = arith.constant 16 : i32
    %div3A_33 = arith.divsi %add3A_31, %div3A_32 : i32
    %while3A_34 = arith.constant 16 : i32
    %while3A_35 = arith.constant 0 : i32
    %while3A_36 = arith.subi %div3A_33, %while3A_35 : i32
    %while3A_37 = arith.addi %while3A_35, %while3A_36 : i32
    %while3A_38 = arith.constant 1 : i32
    %while3A_39 = arith.divsi %while3A_36, %while3A_38 : i32
    %while3A_40 = arith.muli %while3A_39, %while3A_38 : i32
    %while3A_41 = arith.addi %while3A_35, %while3A_40 : i32
    %while3A_42 = arith.constant 1 : i32
    scf.for %while3A_44 = %while3A_35 to %while3A_41 step %while3A_42  : i32 {
      %mul3A_45 = arith.muli %while3A_44, %while3A_34 : i32
      %add3A_46 = arith.addi %arg1, %mul3A_45 : i32
      %mul3A_47 = arith.constant 80 : i32
      %mul3A_48 = arith.muli %add3A_46, %mul3A_47 : i32
      %mul3A_49 = arith.constant 80 : i32
      %mul3A_50 = arith.muli %add3A_46, %mul3A_49 : i32
      "tpu.region"() ({
        %run_scoped3A = tpu.sem_alloc : memref<!tpu.dma_semaphore, #tpu.memory_space<semaphore_mem>>
        %dma_start3A = arith.constant 0 : i32
        %dma_start3A_51 = tpu.memref_slice %arg4[%arg0, %mul3A_50, %dma_start3A] : memref<2x10000x128xf32, #tpu.memory_space<hbm>> -> memref<1x80x128xf32, #tpu.memory_space<hbm>>
        %dma_start3A_52 = tpu.memref_squeeze %dma_start3A_51 : memref<1x80x128xf32, #tpu.memory_space<hbm>> -> memref<80x128xf32, #tpu.memory_space<hbm>>
        %dma_start3A_53 = arith.constant 0 : i32
        %dma_start3A_54 = tpu.memref_slice %arg9[%mul3A_48, %dma_start3A_53] : memref<10008x128xf32, #tpu.memory_space<vmem_shared>> -> memref<80x128xf32, #tpu.memory_space<vmem_shared>>
        tpu.enqueue_dma source(%dma_start3A_54 : memref<80x128xf32, #tpu.memory_space<vmem_shared>>) target(%dma_start3A_52 : memref<80x128xf32, #tpu.memory_space<hbm>>) target_semaphore(%run_scoped3A : memref<!tpu.dma_semaphore, #tpu.memory_space<semaphore_mem>>)
        %dma_wait3A = arith.constant 0 : i32
        %dma_wait3A_55 = tpu.memref_slice %arg4[%arg0, %mul3A_50, %dma_wait3A] : memref<2x10000x128xf32, #tpu.memory_space<hbm>> -> memref<1x80x128xf32, #tpu.memory_space<hbm>>
        %dma_wait3A_56 = tpu.memref_squeeze %dma_wait3A_55 : memref<1x80x128xf32, #tpu.memory_space<hbm>> -> memref<80x128xf32, #tpu.memory_space<hbm>>
        %dma_wait3A_57 = arith.constant 0 : i32
        %dma_wait3A_58 = tpu.memref_slice %arg9[%mul3A_48, %dma_wait3A_57] : memref<10008x128xf32, #tpu.memory_space<vmem_shared>> -> memref<80x128xf32, #tpu.memory_space<vmem_shared>>
        tpu.wait_dma2 semaphore(%run_scoped3A : memref<!tpu.dma_semaphore, #tpu.memory_space<semaphore_mem>>) src(%dma_wait3A_58 : memref<80x128xf32, #tpu.memory_space<vmem_shared>>) dst(%dma_wait3A_56 : memref<80x128xf32, #tpu.memory_space<hbm>>)
        tpu.yield
      }) : () -> ()
    }
    %while3A_43 = arith.constant 1 : i32
    scf.for %while3A_44 = %while3A_41 to %while3A_37 step %while3A_43  : i32 {
      %mul3A_45 = arith.muli %while3A_44, %while3A_34 : i32
      %add3A_46 = arith.addi %arg1, %mul3A_45 : i32
      %mul3A_47 = arith.constant 80 : i32
      %mul3A_48 = arith.muli %add3A_46, %mul3A_47 : i32
      %mul3A_49 = arith.constant 80 : i32
      %mul3A_50 = arith.muli %add3A_46, %mul3A_49 : i32
      "tpu.region"() ({
        %run_scoped3A = tpu.sem_alloc : memref<!tpu.dma_semaphore, #tpu.memory_space<semaphore_mem>>
        %dma_start3A = arith.constant 0 : i32
        %dma_start3A_51 = tpu.memref_slice %arg4[%arg0, %mul3A_50, %dma_start3A] : memref<2x10000x128xf32, #tpu.memory_space<hbm>> -> memref<1x80x128xf32, #tpu.memory_space<hbm>>
        %dma_start3A_52 = tpu.memref_squeeze %dma_start3A_51 : memref<1x80x128xf32, #tpu.memory_space<hbm>> -> memref<80x128xf32, #tpu.memory_space<hbm>>
        %dma_start3A_53 = arith.constant 0 : i32
        %dma_start3A_54 = tpu.memref_slice %arg9[%mul3A_48, %dma_start3A_53] : memref<10008x128xf32, #tpu.memory_space<vmem_shared>> -> memref<80x128xf32, #tpu.memory_space<vmem_shared>>
        tpu.enqueue_dma source(%dma_start3A_54 : memref<80x128xf32, #tpu.memory_space<vmem_shared>>) target(%dma_start3A_52 : memref<80x128xf32, #tpu.memory_space<hbm>>) target_semaphore(%run_scoped3A : memref<!tpu.dma_semaphore, #tpu.memory_space<semaphore_mem>>)
        %dma_wait3A = arith.constant 0 : i32
        %dma_wait3A_55 = tpu.memref_slice %arg4[%arg0, %mul3A_50, %dma_wait3A] : memref<2x10000x128xf32, #tpu.memory_space<hbm>> -> memref<1x80x128xf32, #tpu.memory_space<hbm>>
        %dma_wait3A_56 = tpu.memref_squeeze %dma_wait3A_55 : memref<1x80x128xf32, #tpu.memory_space<hbm>> -> memref<80x128xf32, #tpu.memory_space<hbm>>
        %dma_wait3A_57 = arith.constant 0 : i32
        %dma_wait3A_58 = tpu.memref_slice %arg9[%mul3A_48, %dma_wait3A_57] : memref<10008x128xf32, #tpu.memory_space<vmem_shared>> -> memref<80x128xf32, #tpu.memory_space<vmem_shared>>
        tpu.wait_dma2 semaphore(%run_scoped3A : memref<!tpu.dma_semaphore, #tpu.memory_space<semaphore_mem>>) src(%dma_wait3A_58 : memref<80x128xf32, #tpu.memory_space<vmem_shared>>) dst(%dma_wait3A_56 : memref<80x128xf32, #tpu.memory_space<hbm>>)
        tpu.yield
      }) : () -> ()
    }
    return
  }
}

#map = affine_map<(d0, d1) -> (0, 0)>
#map1 = affine_map<(d0, d1) -> (0, 0, 0)>
module attributes {stable_mosaic.version = 14 : i64} {
  func.func @_spmm_kernel(%arg0: i32, %arg1: i32, %arg2: memref<10000x128xf32, #tpu.memory_space<hbm>>, %arg3: memref<32x80x128xi32, #tpu.memory_space<hbm>>, %arg4: memref<2x10000x128xf32, #tpu.memory_space<hbm>>, %arg5: memref<40x128xi32, #tpu.memory_space<vmem>>, %arg6: memref<40x128xi32, #tpu.memory_space<vmem>>, %arg7: memref<128x128xf32, #tpu.memory_space<vmem>>, %arg8: memref<128x128xf32, #tpu.memory_space<vmem>>, %arg9: memref<10008x128xf32, #tpu.memory_space<vmem_shared>>, %arg10: memref<!tpu.dma_semaphore, #tpu.memory_space<semaphore_mem>>, %arg11: memref<!tpu.dma_semaphore, #tpu.memory_space<semaphore_mem>>, %arg12: memref<!tpu.dma_semaphore, #tpu.memory_space<semaphore_mem>>) attributes {dimension_semantics = [#tpu.dimension_semantics<core_parallel>, #tpu.dimension_semantics<subcore_parallel>], iteration_bounds = array<i64: 2, 16>, scalar_prefetch = 0 : i64, scratch_operands = 8 : i64, tpu.core_type = #tpu.core_type<sc_vector_subcore>, window_params = [{transform_indices = #map}, {transform_indices = #map1}, {transform_indices = #map1}]} {
    %mul3A = arith.constant 2 : i32
    %mul3A_0 = arith.muli %arg1, %mul3A : i32
    %add3A = arith.addi %mul3A_0, %arg0 : i32
    %scan3A = arith.constant 0 : i32
    %scan3A_1 = arith.constant 128 : i32
    %scan3A_2 = arith.addi %scan3A, %scan3A_1 : i32
    %scan3A_3 = arith.constant 1 : i32
    scf.for %scan3A_44 = %scan3A to %scan3A_2 step %scan3A_3  : i32 {
      %mul3A_45 = arith.constant 1 : i32
      %mul3A_46 = arith.muli %scan3A_44, %mul3A_45 : i32
      %add3A_47 = arith.constant 0 : i32
      %add3A_48 = arith.addi %add3A_47, %mul3A_46 : i32
      %scan3A_49 = arith.constant 0 : i32
      %scan3A_50 = arith.constant 8 : i32
      %scan3A_51 = arith.addi %scan3A_49, %scan3A_50 : i32
      %scan3A_52 = arith.constant 1 : i32
      scf.for %scan3A_54 = %scan3A_49 to %scan3A_51 step %scan3A_52  : i32 {
        %mul3A_55 = arith.constant 16 : i32
        %mul3A_56 = arith.muli %scan3A_54, %mul3A_55 : i32
        %add3A_57 = arith.constant 0 : i32
        %add3A_58 = arith.addi %add3A_57, %mul3A_56 : i32
        %broadcast_in_dim3A = arith.constant 0.000000e+00 : f32
        %broadcast_in_dim3A_59 = vector.broadcast %broadcast_in_dim3A : f32 to vector<1x16xf32>
        %swap3A = arith.index_cast %add3A_48 : i32 to index
        %swap3A_60 = arith.index_cast %add3A_58 : i32 to index
        %swap3A_61 = tpu.vector_load %arg7[%swap3A, %swap3A_60] {strides = array<i32>} : memref<128x128xf32, #tpu.memory_space<vmem>>, vector<1x16xf32>,
        %swap3A_62 = vector.shape_cast %swap3A_61 : vector<1x16xf32> to vector<1x16xf32>
        %swap3A_63 = vector.shape_cast %broadcast_in_dim3A_59 : vector<1x16xf32> to vector<1x16xf32>
        tpu.vector_store %arg7[%swap3A, %swap3A_60], %swap3A_63 {strides = array<i32>} : memref<128x128xf32, #tpu.memory_space<vmem>>, vector<1x16xf32>,
      }
      %scan3A_53 = arith.constant 8 : i32
    }
    %scan3A_4 = arith.constant 128 : i32
    %sub3A = arith.constant 125 : i32
    %sub3A_5 = arith.subi %sub3A, %arg1 : i32
    %sub3A_6 = arith.constant 16 : i32
    %sub3A_7 = arith.constant 1 : i32
    %sub3A_8 = arith.subi %sub3A_6, %sub3A_7 : i32
    %add3A_9 = arith.addi %sub3A_5, %sub3A_8 : i32
    %div3A = arith.constant 16 : i32
    %div3A_10 = arith.divsi %add3A_9, %div3A : i32
    %while3A = arith.constant 16 : i32
    %while3A_11 = arith.constant 0 : i32
    %while3A_12 = arith.subi %div3A_10, %while3A_11 : i32
    %while3A_13 = arith.addi %while3A_11, %while3A_12 : i32
    %while3A_14 = arith.constant 1 : i32
    %while3A_15 = arith.divsi %while3A_12, %while3A_14 : i32
    %while3A_16 = arith.muli %while3A_15, %while3A_14 : i32
    %while3A_17 = arith.addi %while3A_11, %while3A_16 : i32
    %while3A_18 = arith.constant 1 : i32
    scf.for %while3A_44 = %while3A_11 to %while3A_17 step %while3A_18  : i32 {
      %mul3A_45 = arith.muli %while3A_44, %while3A : i32
      %add3A_46 = arith.addi %arg1, %mul3A_45 : i32
      %mul3A_47 = arith.constant 80 : i32
      %mul3A_48 = arith.muli %add3A_46, %mul3A_47 : i32
      "tpu.region"() ({
        %run_scoped3A = tpu.sem_alloc : memref<!tpu.dma_semaphore, #tpu.memory_space<semaphore_mem>>
        %dma_start3A = arith.constant 0 : i32
        %dma_start3A_49 = arith.constant 0 : i32
        %dma_start3A_50 = tpu.memref_slice %arg7[%dma_start3A, %dma_start3A_49] : memref<128x128xf32, #tpu.memory_space<vmem>> -> memref<80x128xf32, #tpu.memory_space<vmem>>
        %dma_start3A_51 = arith.constant 0 : i32
        %dma_start3A_52 = tpu.memref_slice %arg9[%mul3A_48, %dma_start3A_51] : memref<10008x128xf32, #tpu.memory_space<vmem_shared>> -> memref<80x128xf32, #tpu.memory_space<vmem_shared>>
        %dma_start3A_53 = arith.constant 0 : i32
        %dma_start3A_54 = tpu.memref_slice %arg9[%mul3A_48, %dma_start3A_53] : memref<10008x128xf32, #tpu.memory_space<vmem_shared>> -> memref<80x128xf32, #tpu.memory_space<vmem_shared>>
        %dma_start3A_55 = arith.constant 0 : i32
        %dma_start3A_56 = arith.constant 0 : i32
        %dma_start3A_57 = tpu.memref_slice %arg7[%dma_start3A_55, %dma_start3A_56] : memref<128x128xf32, #tpu.memory_space<vmem>> -> memref<80x128xf32, #tpu.memory_space<vmem>>
        tpu.enqueue_dma source(%dma_start3A_57 : memref<80x128xf32, #tpu.memory_space<vmem>>) target(%dma_start3A_54 : memref<80x128xf32, #tpu.memory_space<vmem_shared>>) target_semaphore(%run_scoped3A : memref<!tpu.dma_semaphore, #tpu.memory_space<semaphore_mem>>)
        %dma_wait3A = arith.constant 0 : i32
        %dma_wait3A_58 = arith.constant 0 : i32
        %dma_wait3A_59 = tpu.memref_slice %arg7[%dma_wait3A, %dma_wait3A_58] : memref<128x128xf32, #tpu.memory_space<vmem>> -> memref<80x128xf32, #tpu.memory_space<vmem>>
        %dma_wait3A_60 = arith.constant 0 : i32
        %dma_wait3A_61 = tpu.memref_slice %arg9[%mul3A_48, %dma_wait3A_60] : memref<10008x128xf32, #tpu.memory_space<vmem_shared>> -> memref<80x128xf32, #tpu.memory_space<vmem_shared>>
        %dma_wait3A_62 = arith.constant 0 : i32
        %dma_wait3A_63 = tpu.memref_slice %arg9[%mul3A_48, %dma_wait3A_62] : memref<10008x128xf32, #tpu.memory_space<vmem_shared>> -> memref<80x128xf32, #tpu.memory_space<vmem_shared>>
        %dma_wait3A_64 = arith.constant 0 : i32
        %dma_wait3A_65 = arith.constant 0 : i32
        %dma_wait3A_66 = tpu.memref_slice %arg7[%dma_wait3A_64, %dma_wait3A_65] : memref<128x128xf32, #tpu.memory_space<vmem>> -> memref<80x128xf32, #tpu.memory_space<vmem>>
        tpu.wait_dma2 semaphore(%run_scoped3A : memref<!tpu.dma_semaphore, #tpu.memory_space<semaphore_mem>>) src(%dma_wait3A_66 : memref<80x128xf32, #tpu.memory_space<vmem>>) dst(%dma_wait3A_63 : memref<80x128xf32, #tpu.memory_space<vmem_shared>>)
        tpu.yield
      }) : () -> ()
    }
    %while3A_19 = arith.constant 1 : i32
    scf.for %while3A_44 = %while3A_17 to %while3A_13 step %while3A_19  : i32 {
      %mul3A_45 = arith.muli %while3A_44, %while3A : i32
      %add3A_46 = arith.addi %arg1, %mul3A_45 : i32
      %mul3A_47 = arith.constant 80 : i32
      %mul3A_48 = arith.muli %add3A_46, %mul3A_47 : i32
      "tpu.region"() ({
        %run_scoped3A = tpu.sem_alloc : memref<!tpu.dma_semaphore, #tpu.memory_space<semaphore_mem>>
        %dma_start3A = arith.constant 0 : i32
        %dma_start3A_49 = arith.constant 0 : i32
        %dma_start3A_50 = tpu.memref_slice %arg7[%dma_start3A, %dma_start3A_49] : memref<128x128xf32, #tpu.memory_space<vmem>> -> memref<80x128xf32, #tpu.memory_space<vmem>>
        %dma_start3A_51 = arith.constant 0 : i32
        %dma_start3A_52 = tpu.memref_slice %arg9[%mul3A_48, %dma_start3A_51] : memref<10008x128xf32, #tpu.memory_space<vmem_shared>> -> memref<80x128xf32, #tpu.memory_space<vmem_shared>>
        %dma_start3A_53 = arith.constant 0 : i32
        %dma_start3A_54 = tpu.memref_slice %arg9[%mul3A_48, %dma_start3A_53] : memref<10008x128xf32, #tpu.memory_space<vmem_shared>> -> memref<80x128xf32, #tpu.memory_space<vmem_shared>>
        %dma_start3A_55 = arith.constant 0 : i32
        %dma_start3A_56 = arith.constant 0 : i32
        %dma_start3A_57 = tpu.memref_slice %arg7[%dma_start3A_55, %dma_start3A_56] : memref<128x128xf32, #tpu.memory_space<vmem>> -> memref<80x128xf32, #tpu.memory_space<vmem>>
        tpu.enqueue_dma source(%dma_start3A_57 : memref<80x128xf32, #tpu.memory_space<vmem>>) target(%dma_start3A_54 : memref<80x128xf32, #tpu.memory_space<vmem_shared>>) target_semaphore(%run_scoped3A : memref<!tpu.dma_semaphore, #tpu.memory_space<semaphore_mem>>)
        %dma_wait3A = arith.constant 0 : i32
        %dma_wait3A_58 = arith.constant 0 : i32
        %dma_wait3A_59 = tpu.memref_slice %arg7[%dma_wait3A, %dma_wait3A_58] : memref<128x128xf32, #tpu.memory_space<vmem>> -> memref<80x128xf32, #tpu.memory_space<vmem>>
        %dma_wait3A_60 = arith.constant 0 : i32
        %dma_wait3A_61 = tpu.memref_slice %arg9[%mul3A_48, %dma_wait3A_60] : memref<10008x128xf32, #tpu.memory_space<vmem_shared>> -> memref<80x128xf32, #tpu.memory_space<vmem_shared>>
        %dma_wait3A_62 = arith.constant 0 : i32
        %dma_wait3A_63 = tpu.memref_slice %arg9[%mul3A_48, %dma_wait3A_62] : memref<10008x128xf32, #tpu.memory_space<vmem_shared>> -> memref<80x128xf32, #tpu.memory_space<vmem_shared>>
        %dma_wait3A_64 = arith.constant 0 : i32
        %dma_wait3A_65 = arith.constant 0 : i32
        %dma_wait3A_66 = tpu.memref_slice %arg7[%dma_wait3A_64, %dma_wait3A_65] : memref<128x128xf32, #tpu.memory_space<vmem>> -> memref<80x128xf32, #tpu.memory_space<vmem>>
        tpu.wait_dma2 semaphore(%run_scoped3A : memref<!tpu.dma_semaphore, #tpu.memory_space<semaphore_mem>>) src(%dma_wait3A_66 : memref<80x128xf32, #tpu.memory_space<vmem>>) dst(%dma_wait3A_63 : memref<80x128xf32, #tpu.memory_space<vmem_shared>>)
        tpu.yield
      }) : () -> ()
    }
    %barrier3A = arith.constant 0 : index
    tpu.barrier barrier_id(%barrier3A)
    %scan3A_20 = arith.constant 0 : i32
    %scan3A_21 = arith.constant 2 : i32
    %scan3A_22 = arith.addi %scan3A_20, %scan3A_21 : i32
    %scan3A_23 = arith.constant 1 : i32
    scf.for %scan3A_44 = %scan3A_20 to %scan3A_22 step %scan3A_23  : i32 {
      %mul3A_45 = arith.constant 1 : i32
      %mul3A_46 = arith.muli %scan3A_44, %mul3A_45 : i32
      %add3A_47 = arith.constant 0 : i32
      %add3A_48 = arith.addi %add3A_47, %mul3A_46 : i32
      %mul3A_49 = arith.constant 40 : i32
      %mul3A_50 = arith.muli %add3A_48, %mul3A_49 : i32
      %dma_start3A = arith.constant 0 : i32
      %dma_start3A_51 = tpu.memref_slice %arg3[%add3A, %mul3A_50, %dma_start3A] : memref<32x80x128xi32, #tpu.memory_space<hbm>> -> memref<1x40x128xi32, #tpu.memory_space<hbm>>
      %dma_start3A_52 = tpu.memref_squeeze %dma_start3A_51 : memref<1x40x128xi32, #tpu.memory_space<hbm>> -> memref<40x128xi32, #tpu.memory_space<hbm>>
      %dma_start3A_53 = arith.constant 0 : i32
      %dma_start3A_54 = tpu.memref_slice %arg3[%add3A, %mul3A_50, %dma_start3A_53] : memref<32x80x128xi32, #tpu.memory_space<hbm>> -> memref<1x40x128xi32, #tpu.memory_space<hbm>>
      %dma_start3A_55 = tpu.memref_squeeze %dma_start3A_54 : memref<1x40x128xi32, #tpu.memory_space<hbm>> -> memref<40x128xi32, #tpu.memory_space<hbm>>
      tpu.enqueue_dma source(%dma_start3A_55 : memref<40x128xi32, #tpu.memory_space<hbm>>) target(%arg5 : memref<40x128xi32, #tpu.memory_space<vmem>>) target_semaphore(%arg10 : memref<!tpu.dma_semaphore, #tpu.memory_space<semaphore_mem>>)
      %dma_wait3A = arith.constant 0 : i32
      %dma_wait3A_56 = tpu.memref_slice %arg3[%add3A, %mul3A_50, %dma_wait3A] : memref<32x80x128xi32, #tpu.memory_space<hbm>> -> memref<1x40x128xi32, #tpu.memory_space<hbm>>
      %dma_wait3A_57 = tpu.memref_squeeze %dma_wait3A_56 : memref<1x40x128xi32, #tpu.memory_space<hbm>> -> memref<40x128xi32, #tpu.memory_space<hbm>>
      %dma_wait3A_58 = arith.constant 0 : i32
      %dma_wait3A_59 = tpu.memref_slice %arg3[%add3A, %mul3A_50, %dma_wait3A_58] : memref<32x80x128xi32, #tpu.memory_space<hbm>> -> memref<1x40x128xi32, #tpu.memory_space<hbm>>
      %dma_wait3A_60 = tpu.memref_squeeze %dma_wait3A_59 : memref<1x40x128xi32, #tpu.memory_space<hbm>> -> memref<40x128xi32, #tpu.memory_space<hbm>>
      tpu.wait_dma2 semaphore(%arg10 : memref<!tpu.dma_semaphore, #tpu.memory_space<semaphore_mem>>) src(%dma_wait3A_60 : memref<40x128xi32, #tpu.memory_space<hbm>>) dst(%arg5 : memref<40x128xi32, #tpu.memory_space<vmem>>)
      %scan3A_61 = arith.constant 0 : i32
      %scan3A_62 = arith.constant 40 : i32
      %scan3A_63 = arith.addi %scan3A_61, %scan3A_62 : i32
      %scan3A_64 = arith.constant 1 : i32
      scf.for %scan3A_85 = %scan3A_61 to %scan3A_63 step %scan3A_64  : i32 {
        %mul3A_86 = arith.constant 1 : i32
        %mul3A_87 = arith.muli %scan3A_85, %mul3A_86 : i32
        %add3A_88 = arith.constant 0 : i32
        %add3A_89 = arith.addi %add3A_88, %mul3A_87 : i32
        %scan3A_90 = arith.constant 0 : i32
        %scan3A_91 = arith.constant 8 : i32
        %scan3A_92 = arith.addi %scan3A_90, %scan3A_91 : i32
        %scan3A_93 = arith.constant 1 : i32
        scf.for %scan3A_95 = %scan3A_90 to %scan3A_92 step %scan3A_93  : i32 {
          %mul3A_96 = arith.constant 16 : i32
          %mul3A_97 = arith.muli %scan3A_95, %mul3A_96 : i32
          %add3A_98 = arith.constant 0 : i32
          %add3A_99 = arith.addi %add3A_98, %mul3A_97 : i32
          %get3A = arith.index_cast %add3A_89 : i32 to index
          %get3A_100 = arith.index_cast %add3A_99 : i32 to index
          %get3A_101 = tpu.vector_load %arg5[%get3A, %get3A_100] {strides = array<i32>} : memref<40x128xi32, #tpu.memory_space<vmem>>, vector<1x16xi32>,
          %get3A_102 = vector.shape_cast %get3A_101 : vector<1x16xi32> to vector<1x16xi32>
          %and3A = arith.constant 65535 : i32
          %and3A_103 = vector.broadcast %and3A : i32 to vector<1x16xi32>
          %and3A_104 = arith.andi %get3A_102, %and3A_103 : vector<1x16xi32>
          %swap3A = arith.index_cast %add3A_89 : i32 to index
          %swap3A_105 = arith.index_cast %add3A_99 : i32 to index
          %swap3A_106 = tpu.vector_load %arg5[%swap3A, %swap3A_105] {strides = array<i32>} : memref<40x128xi32, #tpu.memory_space<vmem>>, vector<1x16xi32>,
          %swap3A_107 = vector.shape_cast %swap3A_106 : vector<1x16xi32> to vector<1x16xi32>
          %swap3A_108 = vector.shape_cast %and3A_104 : vector<1x16xi32> to vector<1x16xi32>
          tpu.vector_store %arg5[%swap3A, %swap3A_105], %swap3A_108 {strides = array<i32>} : memref<40x128xi32, #tpu.memory_space<vmem>>, vector<1x16xi32>,
          %shift_right_logical3A = arith.constant 16 : i32
          %shift_right_logical3A_109 = vector.broadcast %shift_right_logical3A : i32 to vector<1x16xi32>
          %shift_right_logical3A_110 = arith.shrui %get3A_102, %shift_right_logical3A_109 : vector<1x16xi32>
          %swap3A_111 = arith.index_cast %add3A_89 : i32 to index
          %swap3A_112 = arith.index_cast %add3A_99 : i32 to index
          %swap3A_113 = tpu.vector_load %arg6[%swap3A_111, %swap3A_112] {strides = array<i32>} : memref<40x128xi32, #tpu.memory_space<vmem>>, vector<1x16xi32>,
          %swap3A_114 = vector.shape_cast %swap3A_113 : vector<1x16xi32> to vector<1x16xi32>
          %swap3A_115 = vector.shape_cast %shift_right_logical3A_110 : vector<1x16xi32> to vector<1x16xi32>
          tpu.vector_store %arg6[%swap3A_111, %swap3A_112], %swap3A_115 {strides = array<i32>} : memref<40x128xi32, #tpu.memory_space<vmem>>, vector<1x16xi32>,
        }
        %scan3A_94 = arith.constant 8 : i32
      }
      %scan3A_65 = arith.constant 40 : i32
      %dma_start3A_66 = arith.constant 0 : i32
      %dma_start3A_67 = arith.constant 0 : i32
      %dma_start3A_68 = tpu.memref_slice %arg5[%dma_start3A_66, %dma_start3A_67] : memref<40x128xi32, #tpu.memory_space<vmem>> -> memref<1x128xi32, #tpu.memory_space<vmem>>
      %dma_start3A_69 = tpu.memref_squeeze %dma_start3A_68 : memref<1x128xi32, #tpu.memory_space<vmem>> -> memref<128xi32, #tpu.memory_space<vmem>>
      %dma_start3A_70 = arith.constant 0 : i32
      %dma_start3A_71 = arith.constant 0 : i32
      %dma_start3A_72 = tpu.memref_slice %arg2[%dma_start3A_70, %dma_start3A_71] : memref<10000x128xf32, #tpu.memory_space<hbm>> -> memref<10000x128xf32, #tpu.memory_space<hbm>>
      tpu.enqueue_indirect_dma source(%dma_start3A_72 : memref<10000x128xf32, #tpu.memory_space<hbm>>) target(%arg7 : memref<128x128xf32, #tpu.memory_space<vmem>>) offsets(%dma_start3A_69 : memref<128xi32, #tpu.memory_space<vmem>>) semaphore(%arg11 : memref<!tpu.dma_semaphore, #tpu.memory_space<semaphore_mem>>)
      %dma_start3A_73 = arith.constant 1 : i32
      %dma_start3A_74 = arith.constant 0 : i32
      %dma_start3A_75 = tpu.memref_slice %arg5[%dma_start3A_73, %dma_start3A_74] : memref<40x128xi32, #tpu.memory_space<vmem>> -> memref<1x128xi32, #tpu.memory_space<vmem>>
      %dma_start3A_76 = tpu.memref_squeeze %dma_start3A_75 : memref<1x128xi32, #tpu.memory_space<vmem>> -> memref<128xi32, #tpu.memory_space<vmem>>
      %dma_start3A_77 = arith.constant 0 : i32
      %dma_start3A_78 = arith.constant 0 : i32
      %dma_start3A_79 = tpu.memref_slice %arg2[%dma_start3A_77, %dma_start3A_78] : memref<10000x128xf32, #tpu.memory_space<hbm>> -> memref<10000x128xf32, #tpu.memory_space<hbm>>
      tpu.enqueue_indirect_dma source(%dma_start3A_79 : memref<10000x128xf32, #tpu.memory_space<hbm>>) target(%arg8 : memref<128x128xf32, #tpu.memory_space<vmem>>) offsets(%dma_start3A_76 : memref<128xi32, #tpu.memory_space<vmem>>) semaphore(%arg12 : memref<!tpu.dma_semaphore, #tpu.memory_space<semaphore_mem>>)
      %scan3A_80 = arith.constant 0 : i32
      %scan3A_81 = arith.constant 20 : i32
      %scan3A_82 = arith.addi %scan3A_80, %scan3A_81 : i32
      %scan3A_83 = arith.constant 1 : i32
      scf.for %scan3A_85 = %scan3A_80 to %scan3A_82 step %scan3A_83  : i32 {
        %mul3A_86 = arith.constant 2 : i32
        %mul3A_87 = arith.muli %scan3A_85, %mul3A_86 : i32
        %add3A_88 = arith.constant 0 : i32
        %add3A_89 = arith.addi %add3A_88, %mul3A_87 : i32
        %dma_wait3A_90 = arith.constant 0 : i32
        %dma_wait3A_91 = tpu.memref_slice %arg5[%add3A_89, %dma_wait3A_90] : memref<40x128xi32, #tpu.memory_space<vmem>> -> memref<1x128xi32, #tpu.memory_space<vmem>>
        %dma_wait3A_92 = tpu.memref_squeeze %dma_wait3A_91 : memref<1x128xi32, #tpu.memory_space<vmem>> -> memref<128xi32, #tpu.memory_space<vmem>>
        %dma_wait3A_93 = arith.constant 0 : i32
        %dma_wait3A_94 = arith.constant 0 : i32
        %dma_wait3A_95 = tpu.memref_slice %arg2[%dma_wait3A_93, %dma_wait3A_94] : memref<10000x128xf32, #tpu.memory_space<hbm>> -> memref<10000x128xf32, #tpu.memory_space<hbm>>
        tpu.wait_indirect_dma semaphore(%arg11 : memref<!tpu.dma_semaphore, #tpu.memory_space<semaphore_mem>>) src(%dma_wait3A_95 : memref<10000x128xf32, #tpu.memory_space<hbm>>) dst(%arg7 : memref<128x128xf32, #tpu.memory_space<vmem>>)
        "tpu.region"() ({
          %run_scoped3A = tpu.sem_alloc : memref<!tpu.dma_semaphore, #tpu.memory_space<semaphore_mem>>
          %dma_start3A_117 = arith.constant 0 : i32
          %dma_start3A_118 = tpu.memref_slice %arg6[%add3A_89, %dma_start3A_117] : memref<40x128xi32, #tpu.memory_space<vmem>> -> memref<1x128xi32, #tpu.memory_space<vmem>>
          %dma_start3A_119 = tpu.memref_squeeze %dma_start3A_118 : memref<1x128xi32, #tpu.memory_space<vmem>> -> memref<128xi32, #tpu.memory_space<vmem>>
          %dma_start3A_120 = arith.constant 0 : i32
          %dma_start3A_121 = arith.constant 0 : i32
          %dma_start3A_122 = tpu.memref_slice %arg9[%dma_start3A_120, %dma_start3A_121] : memref<10008x128xf32, #tpu.memory_space<vmem_shared>> -> memref<10008x128xf32, #tpu.memory_space<vmem_shared>>
          tpu.enqueue_indirect_dma source(%arg7 : memref<128x128xf32, #tpu.memory_space<vmem>>) target(%dma_start3A_122 : memref<10008x128xf32, #tpu.memory_space<vmem_shared>>) offsets(%dma_start3A_119 : memref<128xi32, #tpu.memory_space<vmem>>) semaphore(%run_scoped3A : memref<!tpu.dma_semaphore, #tpu.memory_space<semaphore_mem>>) {add = true}
          %dma_wait3A_123 = arith.constant 0 : i32
          %dma_wait3A_124 = tpu.memref_slice %arg6[%add3A_89, %dma_wait3A_123] : memref<40x128xi32, #tpu.memory_space<vmem>> -> memref<1x128xi32, #tpu.memory_space<vmem>>
          %dma_wait3A_125 = tpu.memref_squeeze %dma_wait3A_124 : memref<1x128xi32, #tpu.memory_space<vmem>> -> memref<128xi32, #tpu.memory_space<vmem>>
          %dma_wait3A_126 = arith.constant 0 : i32
          %dma_wait3A_127 = arith.constant 0 : i32
          %dma_wait3A_128 = tpu.memref_slice %arg9[%dma_wait3A_126, %dma_wait3A_127] : memref<10008x128xf32, #tpu.memory_space<vmem_shared>> -> memref<10008x128xf32, #tpu.memory_space<vmem_shared>>
          tpu.wait_indirect_dma semaphore(%run_scoped3A : memref<!tpu.dma_semaphore, #tpu.memory_space<semaphore_mem>>) src(%arg7 : memref<128x128xf32, #tpu.memory_space<vmem>>) dst(%dma_wait3A_128 : memref<10008x128xf32, #tpu.memory_space<vmem_shared>>)
          tpu.yield
        }) : () -> ()
        %add3A_96 = arith.constant 2 : i32
        %add3A_97 = arith.addi %add3A_89, %add3A_96 : i32
        %lt3A = arith.constant 40 : i32
        %lt3A_98 = arith.cmpi slt, %add3A_97, %lt3A : i32
        %convert_element_type3A = arith.extui %lt3A_98 : i1 to i32
        %cond3A = arith.constant 0 : i32
        %cond3A_99 = arith.cmpi ne, %convert_element_type3A, %cond3A : i32
        scf.if %cond3A_99 {
          %add3A_117 = arith.constant 2 : i32
          %add3A_118 = arith.addi %add3A_89, %add3A_117 : i32
          %dma_start3A_119 = arith.constant 0 : i32
          %dma_start3A_120 = tpu.memref_slice %arg5[%add3A_118, %dma_start3A_119] : memref<40x128xi32, #tpu.memory_space<vmem>> -> memref<1x128xi32, #tpu.memory_space<vmem>>
          %dma_start3A_121 = tpu.memref_squeeze %dma_start3A_120 : memref<1x128xi32, #tpu.memory_space<vmem>> -> memref<128xi32, #tpu.memory_space<vmem>>
          %dma_start3A_122 = arith.constant 0 : i32
          %dma_start3A_123 = arith.constant 0 : i32
          %dma_start3A_124 = tpu.memref_slice %arg2[%dma_start3A_122, %dma_start3A_123] : memref<10000x128xf32, #tpu.memory_space<hbm>> -> memref<10000x128xf32, #tpu.memory_space<hbm>>
          tpu.enqueue_indirect_dma source(%dma_start3A_124 : memref<10000x128xf32, #tpu.memory_space<hbm>>) target(%arg7 : memref<128x128xf32, #tpu.memory_space<vmem>>) offsets(%dma_start3A_121 : memref<128xi32, #tpu.memory_space<vmem>>) semaphore(%arg11 : memref<!tpu.dma_semaphore, #tpu.memory_space<semaphore_mem>>)
        } else {
        }
        %add3A_100 = arith.constant 1 : i32
        %add3A_101 = arith.addi %add3A_89, %add3A_100 : i32
        %dma_wait3A_102 = arith.constant 0 : i32
        %dma_wait3A_103 = tpu.memref_slice %arg5[%add3A_101, %dma_wait3A_102] : memref<40x128xi32, #tpu.memory_space<vmem>> -> memref<1x128xi32, #tpu.memory_space<vmem>>
        %dma_wait3A_104 = tpu.memref_squeeze %dma_wait3A_103 : memref<1x128xi32, #tpu.memory_space<vmem>> -> memref<128xi32, #tpu.memory_space<vmem>>
        %dma_wait3A_105 = arith.constant 0 : i32
        %dma_wait3A_106 = arith.constant 0 : i32
        %dma_wait3A_107 = tpu.memref_slice %arg2[%dma_wait3A_105, %dma_wait3A_106] : memref<10000x128xf32, #tpu.memory_space<hbm>> -> memref<10000x128xf32, #tpu.memory_space<hbm>>
        tpu.wait_indirect_dma semaphore(%arg12 : memref<!tpu.dma_semaphore, #tpu.memory_space<semaphore_mem>>) src(%dma_wait3A_107 : memref<10000x128xf32, #tpu.memory_space<hbm>>) dst(%arg8 : memref<128x128xf32, #tpu.memory_space<vmem>>)
        %add3A_108 = arith.constant 1 : i32
        %add3A_109 = arith.addi %add3A_89, %add3A_108 : i32
        "tpu.region"() ({
          %run_scoped3A = tpu.sem_alloc : memref<!tpu.dma_semaphore, #tpu.memory_space<semaphore_mem>>
          %dma_start3A_117 = arith.constant 0 : i32
          %dma_start3A_118 = tpu.memref_slice %arg6[%add3A_109, %dma_start3A_117] : memref<40x128xi32, #tpu.memory_space<vmem>> -> memref<1x128xi32, #tpu.memory_space<vmem>>
          %dma_start3A_119 = tpu.memref_squeeze %dma_start3A_118 : memref<1x128xi32, #tpu.memory_space<vmem>> -> memref<128xi32, #tpu.memory_space<vmem>>
          %dma_start3A_120 = arith.constant 0 : i32
          %dma_start3A_121 = arith.constant 0 : i32
          %dma_start3A_122 = tpu.memref_slice %arg9[%dma_start3A_120, %dma_start3A_121] : memref<10008x128xf32, #tpu.memory_space<vmem_shared>> -> memref<10008x128xf32, #tpu.memory_space<vmem_shared>>
          tpu.enqueue_indirect_dma source(%arg8 : memref<128x128xf32, #tpu.memory_space<vmem>>) target(%dma_start3A_122 : memref<10008x128xf32, #tpu.memory_space<vmem_shared>>) offsets(%dma_start3A_119 : memref<128xi32, #tpu.memory_space<vmem>>) semaphore(%run_scoped3A : memref<!tpu.dma_semaphore, #tpu.memory_space<semaphore_mem>>) {add = true}
          %dma_wait3A_123 = arith.constant 0 : i32
          %dma_wait3A_124 = tpu.memref_slice %arg6[%add3A_109, %dma_wait3A_123] : memref<40x128xi32, #tpu.memory_space<vmem>> -> memref<1x128xi32, #tpu.memory_space<vmem>>
          %dma_wait3A_125 = tpu.memref_squeeze %dma_wait3A_124 : memref<1x128xi32, #tpu.memory_space<vmem>> -> memref<128xi32, #tpu.memory_space<vmem>>
          %dma_wait3A_126 = arith.constant 0 : i32
          %dma_wait3A_127 = arith.constant 0 : i32
          %dma_wait3A_128 = tpu.memref_slice %arg9[%dma_wait3A_126, %dma_wait3A_127] : memref<10008x128xf32, #tpu.memory_space<vmem_shared>> -> memref<10008x128xf32, #tpu.memory_space<vmem_shared>>
          tpu.wait_indirect_dma semaphore(%run_scoped3A : memref<!tpu.dma_semaphore, #tpu.memory_space<semaphore_mem>>) src(%arg8 : memref<128x128xf32, #tpu.memory_space<vmem>>) dst(%dma_wait3A_128 : memref<10008x128xf32, #tpu.memory_space<vmem_shared>>)
          tpu.yield
        }) : () -> ()
        %add3A_110 = arith.constant 3 : i32
        %add3A_111 = arith.addi %add3A_89, %add3A_110 : i32
        %lt3A_112 = arith.constant 40 : i32
        %lt3A_113 = arith.cmpi slt, %add3A_111, %lt3A_112 : i32
        %convert_element_type3A_114 = arith.extui %lt3A_113 : i1 to i32
        %cond3A_115 = arith.constant 0 : i32
        %cond3A_116 = arith.cmpi ne, %convert_element_type3A_114, %cond3A_115 : i32
        scf.if %cond3A_116 {
          %add3A_117 = arith.constant 3 : i32
          %add3A_118 = arith.addi %add3A_89, %add3A_117 : i32
          %dma_start3A_119 = arith.constant 0 : i32
          %dma_start3A_120 = tpu.memref_slice %arg5[%add3A_118, %dma_start3A_119] : memref<40x128xi32, #tpu.memory_space<vmem>> -> memref<1x128xi32, #tpu.memory_space<vmem>>
          %dma_start3A_121 = tpu.memref_squeeze %dma_start3A_120 : memref<1x128xi32, #tpu.memory_space<vmem>> -> memref<128xi32, #tpu.memory_space<vmem>>
          %dma_start3A_122 = arith.constant 0 : i32
          %dma_start3A_123 = arith.constant 0 : i32
          %dma_start3A_124 = tpu.memref_slice %arg2[%dma_start3A_122, %dma_start3A_123] : memref<10000x128xf32, #tpu.memory_space<hbm>> -> memref<10000x128xf32, #tpu.memory_space<hbm>>
          tpu.enqueue_indirect_dma source(%dma_start3A_124 : memref<10000x128xf32, #tpu.memory_space<hbm>>) target(%arg8 : memref<128x128xf32, #tpu.memory_space<vmem>>) offsets(%dma_start3A_121 : memref<128xi32, #tpu.memory_space<vmem>>) semaphore(%arg12 : memref<!tpu.dma_semaphore, #tpu.memory_space<semaphore_mem>>)
        } else {
        }
      }
      %scan3A_84 = arith.constant 20 : i32
    }
    %scan3A_24 = arith.constant 2 : i32
    %barrier3A_25 = arith.constant 0 : index
    tpu.barrier barrier_id(%barrier3A_25)
    %sub3A_26 = arith.constant 125 : i32
    %sub3A_27 = arith.subi %sub3A_26, %arg1 : i32
    %sub3A_28 = arith.constant 16 : i32
    %sub3A_29 = arith.constant 1 : i32
    %sub3A_30 = arith.subi %sub3A_28, %sub3A_29 : i32
    %add3A_31 = arith.addi %sub3A_27, %sub3A_30 : i32
    %div3A_32 = arith.constant 16 : i32
    %div3A_33 = arith.divsi %add3A_31, %div3A_32 : i32
    %while3A_34 = arith.constant 16 : i32
    %while3A_35 = arith.constant 0 : i32
    %while3A_36 = arith.subi %div3A_33, %while3A_35 : i32
    %while3A_37 = arith.addi %while3A_35, %while3A_36 : i32
    %while3A_38 = arith.constant 1 : i32
    %while3A_39 = arith.divsi %while3A_36, %while3A_38 : i32
    %while3A_40 = arith.muli %while3A_39, %while3A_38 : i32
    %while3A_41 = arith.addi %while3A_35, %while3A_40 : i32
    %while3A_42 = arith.constant 1 : i32
    scf.for %while3A_44 = %while3A_35 to %while3A_41 step %while3A_42  : i32 {
      %mul3A_45 = arith.muli %while3A_44, %while3A_34 : i32
      %add3A_46 = arith.addi %arg1, %mul3A_45 : i32
      %mul3A_47 = arith.constant 80 : i32
      %mul3A_48 = arith.muli %add3A_46, %mul3A_47 : i32
      %mul3A_49 = arith.constant 80 : i32
      %mul3A_50 = arith.muli %add3A_46, %mul3A_49 : i32
      "tpu.region"() ({
        %run_scoped3A = tpu.sem_alloc : memref<!tpu.dma_semaphore, #tpu.memory_space<semaphore_mem>>
        %dma_start3A = arith.constant 0 : i32
        %dma_start3A_51 = tpu.memref_slice %arg4[%arg0, %mul3A_50, %dma_start3A] : memref<2x10000x128xf32, #tpu.memory_space<hbm>> -> memref<1x80x128xf32, #tpu.memory_space<hbm>>
        %dma_start3A_52 = tpu.memref_squeeze %dma_start3A_51 : memref<1x80x128xf32, #tpu.memory_space<hbm>> -> memref<80x128xf32, #tpu.memory_space<hbm>>
        %dma_start3A_53 = arith.constant 0 : i32
        %dma_start3A_54 = tpu.memref_slice %arg9[%mul3A_48, %dma_start3A_53] : memref<10008x128xf32, #tpu.memory_space<vmem_shared>> -> memref<80x128xf32, #tpu.memory_space<vmem_shared>>
        tpu.enqueue_dma source(%dma_start3A_54 : memref<80x128xf32, #tpu.memory_space<vmem_shared>>) target(%dma_start3A_52 : memref<80x128xf32, #tpu.memory_space<hbm>>) target_semaphore(%run_scoped3A : memref<!tpu.dma_semaphore, #tpu.memory_space<semaphore_mem>>)
        %dma_wait3A = arith.constant 0 : i32
        %dma_wait3A_55 = tpu.memref_slice %arg4[%arg0, %mul3A_50, %dma_wait3A] : memref<2x10000x128xf32, #tpu.memory_space<hbm>> -> memref<1x80x128xf32, #tpu.memory_space<hbm>>
        %dma_wait3A_56 = tpu.memref_squeeze %dma_wait3A_55 : memref<1x80x128xf32, #tpu.memory_space<hbm>> -> memref<80x128xf32, #tpu.memory_space<hbm>>
        %dma_wait3A_57 = arith.constant 0 : i32
        %dma_wait3A_58 = tpu.memref_slice %arg9[%mul3A_48, %dma_wait3A_57] : memref<10008x128xf32, #tpu.memory_space<vmem_shared>> -> memref<80x128xf32, #tpu.memory_space<vmem_shared>>
        tpu.wait_dma2 semaphore(%run_scoped3A : memref<!tpu.dma_semaphore, #tpu.memory_space<semaphore_mem>>) src(%dma_wait3A_58 : memref<80x128xf32, #tpu.memory_space<vmem_shared>>) dst(%dma_wait3A_56 : memref<80x128xf32, #tpu.memory_space<hbm>>)
        tpu.yield
      }) : () -> ()
    }
    %while3A_43 = arith.constant 1 : i32
    scf.for %while3A_44 = %while3A_41 to %while3A_37 step %while3A_43  : i32 {
      %mul3A_45 = arith.muli %while3A_44, %while3A_34 : i32
      %add3A_46 = arith.addi %arg1, %mul3A_45 : i32
      %mul3A_47 = arith.constant 80 : i32
      %mul3A_48 = arith.muli %add3A_46, %mul3A_47 : i32
      %mul3A_49 = arith.constant 80 : i32
      %mul3A_50 = arith.muli %add3A_46, %mul3A_49 : i32
      "tpu.region"() ({
        %run_scoped3A = tpu.sem_alloc : memref<!tpu.dma_semaphore, #tpu.memory_space<semaphore_mem>>
        %dma_start3A = arith.constant 0 : i32
        %dma_start3A_51 = tpu.memref_slice %arg4[%arg0, %mul3A_50, %dma_start3A] : memref<2x10000x128xf32, #tpu.memory_space<hbm>> -> memref<1x80x128xf32, #tpu.memory_space<hbm>>
        %dma_start3A_52 = tpu.memref_squeeze %dma_start3A_51 : memref<1x80x128xf32, #tpu.memory_space<hbm>> -> memref<80x128xf32, #tpu.memory_space<hbm>>
        %dma_start3A_53 = arith.constant 0 : i32
        %dma_start3A_54 = tpu.memref_slice %arg9[%mul3A_48, %dma_start3A_53] : memref<10008x128xf32, #tpu.memory_space<vmem_shared>> -> memref<80x128xf32, #tpu.memory_space<vmem_shared>>
        tpu.enqueue_dma source(%dma_start3A_54 : memref<80x128xf32, #tpu.memory_space<vmem_shared>>) target(%dma_start3A_52 : memref<80x128xf32, #tpu.memory_space<hbm>>) target_semaphore(%run_scoped3A : memref<!tpu.dma_semaphore, #tpu.memory_space<semaphore_mem>>)
        %dma_wait3A = arith.constant 0 : i32
        %dma_wait3A_55 = tpu.memref_slice %arg4[%arg0, %mul3A_50, %dma_wait3A] : memref<2x10000x128xf32, #tpu.memory_space<hbm>> -> memref<1x80x128xf32, #tpu.memory_space<hbm>>
        %dma_wait3A_56 = tpu.memref_squeeze %dma_wait3A_55 : memref<1x80x128xf32, #tpu.memory_space<hbm>> -> memref<80x128xf32, #tpu.memory_space<hbm>>
        %dma_wait3A_57 = arith.constant 0 : i32
        %dma_wait3A_58 = tpu.memref_slice %arg9[%mul3A_48, %dma_wait3A_57] : memref<10008x128xf32, #tpu.memory_space<vmem_shared>> -> memref<80x128xf32, #tpu.memory_space<vmem_shared>>
        tpu.wait_dma2 semaphore(%run_scoped3A : memref<!tpu.dma_semaphore, #tpu.memory_space<semaphore_mem>>) src(%dma_wait3A_58 : memref<80x128xf32, #tpu.memory_space<vmem_shared>>) dst(%dma_wait3A_56 : memref<80x128xf32, #tpu.memory_space<hbm>>)
        tpu.yield
      }) : () -> ()
    }
    return
  }
}

#map = affine_map<(d0, d1) -> (0, 0)>
#map1 = affine_map<(d0, d1) -> (0, 0, 0)>
module attributes {stable_mosaic.version = 14 : i64} {
  func.func @_spmm_kernel(%arg0: i32, %arg1: i32, %arg2: memref<10000x128xf32, #tpu.memory_space<hbm>>, %arg3: memref<32x80x128xi32, #tpu.memory_space<hbm>>, %arg4: memref<2x10000x128xf32, #tpu.memory_space<hbm>>, %arg5: memref<40x128xi32, #tpu.memory_space<vmem>>, %arg6: memref<40x128xi32, #tpu.memory_space<vmem>>, %arg7: memref<128x128xf32, #tpu.memory_space<vmem>>, %arg8: memref<128x128xf32, #tpu.memory_space<vmem>>, %arg9: memref<10008x128xf32, #tpu.memory_space<vmem_shared>>, %arg10: memref<!tpu.dma_semaphore, #tpu.memory_space<semaphore_mem>>, %arg11: memref<!tpu.dma_semaphore, #tpu.memory_space<semaphore_mem>>, %arg12: memref<!tpu.dma_semaphore, #tpu.memory_space<semaphore_mem>>) attributes {dimension_semantics = [#tpu.dimension_semantics<core_parallel>, #tpu.dimension_semantics<subcore_parallel>], iteration_bounds = array<i64: 2, 16>, scalar_prefetch = 0 : i64, scratch_operands = 8 : i64, tpu.core_type = #tpu.core_type<sc_vector_subcore>, window_params = [{transform_indices = #map}, {transform_indices = #map1}, {transform_indices = #map1}]} {
    %mul3A = arith.constant 2 : i32
    %mul3A_0 = arith.muli %arg1, %mul3A : i32
    %add3A = arith.addi %mul3A_0, %arg0 : i32
    %scan3A = arith.constant 0 : i32
    %scan3A_1 = arith.constant 128 : i32
    %scan3A_2 = arith.addi %scan3A, %scan3A_1 : i32
    %scan3A_3 = arith.constant 1 : i32
    scf.for %scan3A_44 = %scan3A to %scan3A_2 step %scan3A_3  : i32 {
      %mul3A_45 = arith.constant 1 : i32
      %mul3A_46 = arith.muli %scan3A_44, %mul3A_45 : i32
      %add3A_47 = arith.constant 0 : i32
      %add3A_48 = arith.addi %add3A_47, %mul3A_46 : i32
      %scan3A_49 = arith.constant 0 : i32
      %scan3A_50 = arith.constant 8 : i32
      %scan3A_51 = arith.addi %scan3A_49, %scan3A_50 : i32
      %scan3A_52 = arith.constant 1 : i32
      scf.for %scan3A_54 = %scan3A_49 to %scan3A_51 step %scan3A_52  : i32 {
        %mul3A_55 = arith.constant 16 : i32
        %mul3A_56 = arith.muli %scan3A_54, %mul3A_55 : i32
        %add3A_57 = arith.constant 0 : i32
        %add3A_58 = arith.addi %add3A_57, %mul3A_56 : i32
        %broadcast_in_dim3A = arith.constant 0.000000e+00 : f32
        %broadcast_in_dim3A_59 = vector.broadcast %broadcast_in_dim3A : f32 to vector<1x16xf32>
        %swap3A = arith.index_cast %add3A_48 : i32 to index
        %swap3A_60 = arith.index_cast %add3A_58 : i32 to index
        %swap3A_61 = tpu.vector_load %arg7[%swap3A, %swap3A_60] {strides = array<i32>} : memref<128x128xf32, #tpu.memory_space<vmem>>, vector<1x16xf32>,
        %swap3A_62 = vector.shape_cast %swap3A_61 : vector<1x16xf32> to vector<1x16xf32>
        %swap3A_63 = vector.shape_cast %broadcast_in_dim3A_59 : vector<1x16xf32> to vector<1x16xf32>
        tpu.vector_store %arg7[%swap3A, %swap3A_60], %swap3A_63 {strides = array<i32>} : memref<128x128xf32, #tpu.memory_space<vmem>>, vector<1x16xf32>,
      }
      %scan3A_53 = arith.constant 8 : i32
    }
    %scan3A_4 = arith.constant 128 : i32
    %sub3A = arith.constant 125 : i32
    %sub3A_5 = arith.subi %sub3A, %arg1 : i32
    %sub3A_6 = arith.constant 16 : i32
    %sub3A_7 = arith.constant 1 : i32
    %sub3A_8 = arith.subi %sub3A_6, %sub3A_7 : i32
    %add3A_9 = arith.addi %sub3A_5, %sub3A_8 : i32
    %div3A = arith.constant 16 : i32
    %div3A_10 = arith.divsi %add3A_9, %div3A : i32
    %while3A = arith.constant 16 : i32
    %while3A_11 = arith.constant 0 : i32
    %while3A_12 = arith.subi %div3A_10, %while3A_11 : i32
    %while3A_13 = arith.addi %while3A_11, %while3A_12 : i32
    %while3A_14 = arith.constant 1 : i32
    %while3A_15 = arith.divsi %while3A_12, %while3A_14 : i32
    %while3A_16 = arith.muli %while3A_15, %while3A_14 : i32
    %while3A_17 = arith.addi %while3A_11, %while3A_16 : i32
    %while3A_18 = arith.constant 1 : i32
    scf.for %while3A_44 = %while3A_11 to %while3A_17 step %while3A_18  : i32 {
      %mul3A_45 = arith.muli %while3A_44, %while3A : i32
      %add3A_46 = arith.addi %arg1, %mul3A_45 : i32
      %mul3A_47 = arith.constant 80 : i32
      %mul3A_48 = arith.muli %add3A_46, %mul3A_47 : i32
      "tpu.region"() ({
        %run_scoped3A = tpu.sem_alloc : memref<!tpu.dma_semaphore, #tpu.memory_space<semaphore_mem>>
        %dma_start3A = arith.constant 0 : i32
        %dma_start3A_49 = arith.constant 0 : i32
        %dma_start3A_50 = tpu.memref_slice %arg7[%dma_start3A, %dma_start3A_49] : memref<128x128xf32, #tpu.memory_space<vmem>> -> memref<80x128xf32, #tpu.memory_space<vmem>>
        %dma_start3A_51 = arith.constant 0 : i32
        %dma_start3A_52 = tpu.memref_slice %arg9[%mul3A_48, %dma_start3A_51] : memref<10008x128xf32, #tpu.memory_space<vmem_shared>> -> memref<80x128xf32, #tpu.memory_space<vmem_shared>>
        %dma_start3A_53 = arith.constant 0 : i32
        %dma_start3A_54 = tpu.memref_slice %arg9[%mul3A_48, %dma_start3A_53] : memref<10008x128xf32, #tpu.memory_space<vmem_shared>> -> memref<80x128xf32, #tpu.memory_space<vmem_shared>>
        %dma_start3A_55 = arith.constant 0 : i32
        %dma_start3A_56 = arith.constant 0 : i32
        %dma_start3A_57 = tpu.memref_slice %arg7[%dma_start3A_55, %dma_start3A_56] : memref<128x128xf32, #tpu.memory_space<vmem>> -> memref<80x128xf32, #tpu.memory_space<vmem>>
        tpu.enqueue_dma source(%dma_start3A_57 : memref<80x128xf32, #tpu.memory_space<vmem>>) target(%dma_start3A_54 : memref<80x128xf32, #tpu.memory_space<vmem_shared>>) target_semaphore(%run_scoped3A : memref<!tpu.dma_semaphore, #tpu.memory_space<semaphore_mem>>)
        %dma_wait3A = arith.constant 0 : i32
        %dma_wait3A_58 = arith.constant 0 : i32
        %dma_wait3A_59 = tpu.memref_slice %arg7[%dma_wait3A, %dma_wait3A_58] : memref<128x128xf32, #tpu.memory_space<vmem>> -> memref<80x128xf32, #tpu.memory_space<vmem>>
        %dma_wait3A_60 = arith.constant 0 : i32
        %dma_wait3A_61 = tpu.memref_slice %arg9[%mul3A_48, %dma_wait3A_60] : memref<10008x128xf32, #tpu.memory_space<vmem_shared>> -> memref<80x128xf32, #tpu.memory_space<vmem_shared>>
        %dma_wait3A_62 = arith.constant 0 : i32
        %dma_wait3A_63 = tpu.memref_slice %arg9[%mul3A_48, %dma_wait3A_62] : memref<10008x128xf32, #tpu.memory_space<vmem_shared>> -> memref<80x128xf32, #tpu.memory_space<vmem_shared>>
        %dma_wait3A_64 = arith.constant 0 : i32
        %dma_wait3A_65 = arith.constant 0 : i32
        %dma_wait3A_66 = tpu.memref_slice %arg7[%dma_wait3A_64, %dma_wait3A_65] : memref<128x128xf32, #tpu.memory_space<vmem>> -> memref<80x128xf32, #tpu.memory_space<vmem>>
        tpu.wait_dma2 semaphore(%run_scoped3A : memref<!tpu.dma_semaphore, #tpu.memory_space<semaphore_mem>>) src(%dma_wait3A_66 : memref<80x128xf32, #tpu.memory_space<vmem>>) dst(%dma_wait3A_63 : memref<80x128xf32, #tpu.memory_space<vmem_shared>>)
        tpu.yield
      }) : () -> ()
    }
    %while3A_19 = arith.constant 1 : i32
    scf.for %while3A_44 = %while3A_17 to %while3A_13 step %while3A_19  : i32 {
      %mul3A_45 = arith.muli %while3A_44, %while3A : i32
      %add3A_46 = arith.addi %arg1, %mul3A_45 : i32
      %mul3A_47 = arith.constant 80 : i32
      %mul3A_48 = arith.muli %add3A_46, %mul3A_47 : i32
      "tpu.region"() ({
        %run_scoped3A = tpu.sem_alloc : memref<!tpu.dma_semaphore, #tpu.memory_space<semaphore_mem>>
        %dma_start3A = arith.constant 0 : i32
        %dma_start3A_49 = arith.constant 0 : i32
        %dma_start3A_50 = tpu.memref_slice %arg7[%dma_start3A, %dma_start3A_49] : memref<128x128xf32, #tpu.memory_space<vmem>> -> memref<80x128xf32, #tpu.memory_space<vmem>>
        %dma_start3A_51 = arith.constant 0 : i32
        %dma_start3A_52 = tpu.memref_slice %arg9[%mul3A_48, %dma_start3A_51] : memref<10008x128xf32, #tpu.memory_space<vmem_shared>> -> memref<80x128xf32, #tpu.memory_space<vmem_shared>>
        %dma_start3A_53 = arith.constant 0 : i32
        %dma_start3A_54 = tpu.memref_slice %arg9[%mul3A_48, %dma_start3A_53] : memref<10008x128xf32, #tpu.memory_space<vmem_shared>> -> memref<80x128xf32, #tpu.memory_space<vmem_shared>>
        %dma_start3A_55 = arith.constant 0 : i32
        %dma_start3A_56 = arith.constant 0 : i32
        %dma_start3A_57 = tpu.memref_slice %arg7[%dma_start3A_55, %dma_start3A_56] : memref<128x128xf32, #tpu.memory_space<vmem>> -> memref<80x128xf32, #tpu.memory_space<vmem>>
        tpu.enqueue_dma source(%dma_start3A_57 : memref<80x128xf32, #tpu.memory_space<vmem>>) target(%dma_start3A_54 : memref<80x128xf32, #tpu.memory_space<vmem_shared>>) target_semaphore(%run_scoped3A : memref<!tpu.dma_semaphore, #tpu.memory_space<semaphore_mem>>)
        %dma_wait3A = arith.constant 0 : i32
        %dma_wait3A_58 = arith.constant 0 : i32
        %dma_wait3A_59 = tpu.memref_slice %arg7[%dma_wait3A, %dma_wait3A_58] : memref<128x128xf32, #tpu.memory_space<vmem>> -> memref<80x128xf32, #tpu.memory_space<vmem>>
        %dma_wait3A_60 = arith.constant 0 : i32
        %dma_wait3A_61 = tpu.memref_slice %arg9[%mul3A_48, %dma_wait3A_60] : memref<10008x128xf32, #tpu.memory_space<vmem_shared>> -> memref<80x128xf32, #tpu.memory_space<vmem_shared>>
        %dma_wait3A_62 = arith.constant 0 : i32
        %dma_wait3A_63 = tpu.memref_slice %arg9[%mul3A_48, %dma_wait3A_62] : memref<10008x128xf32, #tpu.memory_space<vmem_shared>> -> memref<80x128xf32, #tpu.memory_space<vmem_shared>>
        %dma_wait3A_64 = arith.constant 0 : i32
        %dma_wait3A_65 = arith.constant 0 : i32
        %dma_wait3A_66 = tpu.memref_slice %arg7[%dma_wait3A_64, %dma_wait3A_65] : memref<128x128xf32, #tpu.memory_space<vmem>> -> memref<80x128xf32, #tpu.memory_space<vmem>>
        tpu.wait_dma2 semaphore(%run_scoped3A : memref<!tpu.dma_semaphore, #tpu.memory_space<semaphore_mem>>) src(%dma_wait3A_66 : memref<80x128xf32, #tpu.memory_space<vmem>>) dst(%dma_wait3A_63 : memref<80x128xf32, #tpu.memory_space<vmem_shared>>)
        tpu.yield
      }) : () -> ()
    }
    %barrier3A = arith.constant 0 : index
    tpu.barrier barrier_id(%barrier3A)
    %scan3A_20 = arith.constant 0 : i32
    %scan3A_21 = arith.constant 2 : i32
    %scan3A_22 = arith.addi %scan3A_20, %scan3A_21 : i32
    %scan3A_23 = arith.constant 1 : i32
    scf.for %scan3A_44 = %scan3A_20 to %scan3A_22 step %scan3A_23  : i32 {
      %mul3A_45 = arith.constant 1 : i32
      %mul3A_46 = arith.muli %scan3A_44, %mul3A_45 : i32
      %add3A_47 = arith.constant 0 : i32
      %add3A_48 = arith.addi %add3A_47, %mul3A_46 : i32
      %mul3A_49 = arith.constant 40 : i32
      %mul3A_50 = arith.muli %add3A_48, %mul3A_49 : i32
      %dma_start3A = arith.constant 0 : i32
      %dma_start3A_51 = tpu.memref_slice %arg3[%add3A, %mul3A_50, %dma_start3A] : memref<32x80x128xi32, #tpu.memory_space<hbm>> -> memref<1x40x128xi32, #tpu.memory_space<hbm>>
      %dma_start3A_52 = tpu.memref_squeeze %dma_start3A_51 : memref<1x40x128xi32, #tpu.memory_space<hbm>> -> memref<40x128xi32, #tpu.memory_space<hbm>>
      %dma_start3A_53 = arith.constant 0 : i32
      %dma_start3A_54 = tpu.memref_slice %arg3[%add3A, %mul3A_50, %dma_start3A_53] : memref<32x80x128xi32, #tpu.memory_space<hbm>> -> memref<1x40x128xi32, #tpu.memory_space<hbm>>
      %dma_start3A_55 = tpu.memref_squeeze %dma_start3A_54 : memref<1x40x128xi32, #tpu.memory_space<hbm>> -> memref<40x128xi32, #tpu.memory_space<hbm>>
      tpu.enqueue_dma source(%dma_start3A_55 : memref<40x128xi32, #tpu.memory_space<hbm>>) target(%arg5 : memref<40x128xi32, #tpu.memory_space<vmem>>) target_semaphore(%arg10 : memref<!tpu.dma_semaphore, #tpu.memory_space<semaphore_mem>>)
      %dma_wait3A = arith.constant 0 : i32
      %dma_wait3A_56 = tpu.memref_slice %arg3[%add3A, %mul3A_50, %dma_wait3A] : memref<32x80x128xi32, #tpu.memory_space<hbm>> -> memref<1x40x128xi32, #tpu.memory_space<hbm>>
      %dma_wait3A_57 = tpu.memref_squeeze %dma_wait3A_56 : memref<1x40x128xi32, #tpu.memory_space<hbm>> -> memref<40x128xi32, #tpu.memory_space<hbm>>
      %dma_wait3A_58 = arith.constant 0 : i32
      %dma_wait3A_59 = tpu.memref_slice %arg3[%add3A, %mul3A_50, %dma_wait3A_58] : memref<32x80x128xi32, #tpu.memory_space<hbm>> -> memref<1x40x128xi32, #tpu.memory_space<hbm>>
      %dma_wait3A_60 = tpu.memref_squeeze %dma_wait3A_59 : memref<1x40x128xi32, #tpu.memory_space<hbm>> -> memref<40x128xi32, #tpu.memory_space<hbm>>
      tpu.wait_dma2 semaphore(%arg10 : memref<!tpu.dma_semaphore, #tpu.memory_space<semaphore_mem>>) src(%dma_wait3A_60 : memref<40x128xi32, #tpu.memory_space<hbm>>) dst(%arg5 : memref<40x128xi32, #tpu.memory_space<vmem>>)
      %scan3A_61 = arith.constant 0 : i32
      %scan3A_62 = arith.constant 40 : i32
      %scan3A_63 = arith.addi %scan3A_61, %scan3A_62 : i32
      %scan3A_64 = arith.constant 1 : i32
      scf.for %scan3A_85 = %scan3A_61 to %scan3A_63 step %scan3A_64  : i32 {
        %mul3A_86 = arith.constant 1 : i32
        %mul3A_87 = arith.muli %scan3A_85, %mul3A_86 : i32
        %add3A_88 = arith.constant 0 : i32
        %add3A_89 = arith.addi %add3A_88, %mul3A_87 : i32
        %scan3A_90 = arith.constant 0 : i32
        %scan3A_91 = arith.constant 8 : i32
        %scan3A_92 = arith.addi %scan3A_90, %scan3A_91 : i32
        %scan3A_93 = arith.constant 1 : i32
        scf.for %scan3A_95 = %scan3A_90 to %scan3A_92 step %scan3A_93  : i32 {
          %mul3A_96 = arith.constant 16 : i32
          %mul3A_97 = arith.muli %scan3A_95, %mul3A_96 : i32
          %add3A_98 = arith.constant 0 : i32
          %add3A_99 = arith.addi %add3A_98, %mul3A_97 : i32
          %get3A = arith.index_cast %add3A_89 : i32 to index
          %get3A_100 = arith.index_cast %add3A_99 : i32 to index
          %get3A_101 = tpu.vector_load %arg5[%get3A, %get3A_100] {strides = array<i32>} : memref<40x128xi32, #tpu.memory_space<vmem>>, vector<1x16xi32>,
          %get3A_102 = vector.shape_cast %get3A_101 : vector<1x16xi32> to vector<1x16xi32>
          %and3A = arith.constant 65535 : i32
          %and3A_103 = vector.broadcast %and3A : i32 to vector<1x16xi32>
          %and3A_104 = arith.andi %get3A_102, %and3A_103 : vector<1x16xi32>
          %swap3A = arith.index_cast %add3A_89 : i32 to index
          %swap3A_105 = arith.index_cast %add3A_99 : i32 to index
          %swap3A_106 = tpu.vector_load %arg5[%swap3A, %swap3A_105] {strides = array<i32>} : memref<40x128xi32, #tpu.memory_space<vmem>>, vector<1x16xi32>,
          %swap3A_107 = vector.shape_cast %swap3A_106 : vector<1x16xi32> to vector<1x16xi32>
          %swap3A_108 = vector.shape_cast %and3A_104 : vector<1x16xi32> to vector<1x16xi32>
          tpu.vector_store %arg5[%swap3A, %swap3A_105], %swap3A_108 {strides = array<i32>} : memref<40x128xi32, #tpu.memory_space<vmem>>, vector<1x16xi32>,
          %shift_right_logical3A = arith.constant 16 : i32
          %shift_right_logical3A_109 = vector.broadcast %shift_right_logical3A : i32 to vector<1x16xi32>
          %shift_right_logical3A_110 = arith.shrui %get3A_102, %shift_right_logical3A_109 : vector<1x16xi32>
          %swap3A_111 = arith.index_cast %add3A_89 : i32 to index
          %swap3A_112 = arith.index_cast %add3A_99 : i32 to index
          %swap3A_113 = tpu.vector_load %arg6[%swap3A_111, %swap3A_112] {strides = array<i32>} : memref<40x128xi32, #tpu.memory_space<vmem>>, vector<1x16xi32>,
          %swap3A_114 = vector.shape_cast %swap3A_113 : vector<1x16xi32> to vector<1x16xi32>
          %swap3A_115 = vector.shape_cast %shift_right_logical3A_110 : vector<1x16xi32> to vector<1x16xi32>
          tpu.vector_store %arg6[%swap3A_111, %swap3A_112], %swap3A_115 {strides = array<i32>} : memref<40x128xi32, #tpu.memory_space<vmem>>, vector<1x16xi32>,
        }
        %scan3A_94 = arith.constant 8 : i32
      }
      %scan3A_65 = arith.constant 40 : i32
      %dma_start3A_66 = arith.constant 0 : i32
      %dma_start3A_67 = arith.constant 0 : i32
      %dma_start3A_68 = tpu.memref_slice %arg5[%dma_start3A_66, %dma_start3A_67] : memref<40x128xi32, #tpu.memory_space<vmem>> -> memref<1x128xi32, #tpu.memory_space<vmem>>
      %dma_start3A_69 = tpu.memref_squeeze %dma_start3A_68 : memref<1x128xi32, #tpu.memory_space<vmem>> -> memref<128xi32, #tpu.memory_space<vmem>>
      %dma_start3A_70 = arith.constant 0 : i32
      %dma_start3A_71 = arith.constant 0 : i32
      %dma_start3A_72 = tpu.memref_slice %arg2[%dma_start3A_70, %dma_start3A_71] : memref<10000x128xf32, #tpu.memory_space<hbm>> -> memref<10000x128xf32, #tpu.memory_space<hbm>>
      tpu.enqueue_indirect_dma source(%dma_start3A_72 : memref<10000x128xf32, #tpu.memory_space<hbm>>) target(%arg7 : memref<128x128xf32, #tpu.memory_space<vmem>>) offsets(%dma_start3A_69 : memref<128xi32, #tpu.memory_space<vmem>>) semaphore(%arg11 : memref<!tpu.dma_semaphore, #tpu.memory_space<semaphore_mem>>)
      %dma_start3A_73 = arith.constant 1 : i32
      %dma_start3A_74 = arith.constant 0 : i32
      %dma_start3A_75 = tpu.memref_slice %arg5[%dma_start3A_73, %dma_start3A_74] : memref<40x128xi32, #tpu.memory_space<vmem>> -> memref<1x128xi32, #tpu.memory_space<vmem>>
      %dma_start3A_76 = tpu.memref_squeeze %dma_start3A_75 : memref<1x128xi32, #tpu.memory_space<vmem>> -> memref<128xi32, #tpu.memory_space<vmem>>
      %dma_start3A_77 = arith.constant 0 : i32
      %dma_start3A_78 = arith.constant 0 : i32
      %dma_start3A_79 = tpu.memref_slice %arg2[%dma_start3A_77, %dma_start3A_78] : memref<10000x128xf32, #tpu.memory_space<hbm>> -> memref<10000x128xf32, #tpu.memory_space<hbm>>
      tpu.enqueue_indirect_dma source(%dma_start3A_79 : memref<10000x128xf32, #tpu.memory_space<hbm>>) target(%arg8 : memref<128x128xf32, #tpu.memory_space<vmem>>) offsets(%dma_start3A_76 : memref<128xi32, #tpu.memory_space<vmem>>) semaphore(%arg12 : memref<!tpu.dma_semaphore, #tpu.memory_space<semaphore_mem>>)
      %scan3A_80 = arith.constant 0 : i32
      %scan3A_81 = arith.constant 20 : i32
      %scan3A_82 = arith.addi %scan3A_80, %scan3A_81 : i32
      %scan3A_83 = arith.constant 1 : i32
      scf.for %scan3A_85 = %scan3A_80 to %scan3A_82 step %scan3A_83  : i32 {
        %mul3A_86 = arith.constant 2 : i32
        %mul3A_87 = arith.muli %scan3A_85, %mul3A_86 : i32
        %add3A_88 = arith.constant 0 : i32
        %add3A_89 = arith.addi %add3A_88, %mul3A_87 : i32
        %dma_wait3A_90 = arith.constant 0 : i32
        %dma_wait3A_91 = tpu.memref_slice %arg5[%add3A_89, %dma_wait3A_90] : memref<40x128xi32, #tpu.memory_space<vmem>> -> memref<1x128xi32, #tpu.memory_space<vmem>>
        %dma_wait3A_92 = tpu.memref_squeeze %dma_wait3A_91 : memref<1x128xi32, #tpu.memory_space<vmem>> -> memref<128xi32, #tpu.memory_space<vmem>>
        %dma_wait3A_93 = arith.constant 0 : i32
        %dma_wait3A_94 = arith.constant 0 : i32
        %dma_wait3A_95 = tpu.memref_slice %arg2[%dma_wait3A_93, %dma_wait3A_94] : memref<10000x128xf32, #tpu.memory_space<hbm>> -> memref<10000x128xf32, #tpu.memory_space<hbm>>
        tpu.wait_indirect_dma semaphore(%arg11 : memref<!tpu.dma_semaphore, #tpu.memory_space<semaphore_mem>>) src(%dma_wait3A_95 : memref<10000x128xf32, #tpu.memory_space<hbm>>) dst(%arg7 : memref<128x128xf32, #tpu.memory_space<vmem>>)
        "tpu.region"() ({
          %run_scoped3A = tpu.sem_alloc : memref<!tpu.dma_semaphore, #tpu.memory_space<semaphore_mem>>
          %dma_start3A_117 = arith.constant 0 : i32
          %dma_start3A_118 = tpu.memref_slice %arg6[%add3A_89, %dma_start3A_117] : memref<40x128xi32, #tpu.memory_space<vmem>> -> memref<1x128xi32, #tpu.memory_space<vmem>>
          %dma_start3A_119 = tpu.memref_squeeze %dma_start3A_118 : memref<1x128xi32, #tpu.memory_space<vmem>> -> memref<128xi32, #tpu.memory_space<vmem>>
          %dma_start3A_120 = arith.constant 0 : i32
          %dma_start3A_121 = arith.constant 0 : i32
          %dma_start3A_122 = tpu.memref_slice %arg9[%dma_start3A_120, %dma_start3A_121] : memref<10008x128xf32, #tpu.memory_space<vmem_shared>> -> memref<10008x128xf32, #tpu.memory_space<vmem_shared>>
          tpu.enqueue_indirect_dma source(%arg7 : memref<128x128xf32, #tpu.memory_space<vmem>>) target(%dma_start3A_122 : memref<10008x128xf32, #tpu.memory_space<vmem_shared>>) offsets(%dma_start3A_119 : memref<128xi32, #tpu.memory_space<vmem>>) semaphore(%run_scoped3A : memref<!tpu.dma_semaphore, #tpu.memory_space<semaphore_mem>>) {add = true}
          %dma_wait3A_123 = arith.constant 0 : i32
          %dma_wait3A_124 = tpu.memref_slice %arg6[%add3A_89, %dma_wait3A_123] : memref<40x128xi32, #tpu.memory_space<vmem>> -> memref<1x128xi32, #tpu.memory_space<vmem>>
          %dma_wait3A_125 = tpu.memref_squeeze %dma_wait3A_124 : memref<1x128xi32, #tpu.memory_space<vmem>> -> memref<128xi32, #tpu.memory_space<vmem>>
          %dma_wait3A_126 = arith.constant 0 : i32
          %dma_wait3A_127 = arith.constant 0 : i32
          %dma_wait3A_128 = tpu.memref_slice %arg9[%dma_wait3A_126, %dma_wait3A_127] : memref<10008x128xf32, #tpu.memory_space<vmem_shared>> -> memref<10008x128xf32, #tpu.memory_space<vmem_shared>>
          tpu.wait_indirect_dma semaphore(%run_scoped3A : memref<!tpu.dma_semaphore, #tpu.memory_space<semaphore_mem>>) src(%arg7 : memref<128x128xf32, #tpu.memory_space<vmem>>) dst(%dma_wait3A_128 : memref<10008x128xf32, #tpu.memory_space<vmem_shared>>)
          tpu.yield
        }) : () -> ()
        %add3A_96 = arith.constant 2 : i32
        %add3A_97 = arith.addi %add3A_89, %add3A_96 : i32
        %lt3A = arith.constant 40 : i32
        %lt3A_98 = arith.cmpi slt, %add3A_97, %lt3A : i32
        %convert_element_type3A = arith.extui %lt3A_98 : i1 to i32
        %cond3A = arith.constant 0 : i32
        %cond3A_99 = arith.cmpi ne, %convert_element_type3A, %cond3A : i32
        scf.if %cond3A_99 {
          %add3A_117 = arith.constant 2 : i32
          %add3A_118 = arith.addi %add3A_89, %add3A_117 : i32
          %dma_start3A_119 = arith.constant 0 : i32
          %dma_start3A_120 = tpu.memref_slice %arg5[%add3A_118, %dma_start3A_119] : memref<40x128xi32, #tpu.memory_space<vmem>> -> memref<1x128xi32, #tpu.memory_space<vmem>>
          %dma_start3A_121 = tpu.memref_squeeze %dma_start3A_120 : memref<1x128xi32, #tpu.memory_space<vmem>> -> memref<128xi32, #tpu.memory_space<vmem>>
          %dma_start3A_122 = arith.constant 0 : i32
          %dma_start3A_123 = arith.constant 0 : i32
          %dma_start3A_124 = tpu.memref_slice %arg2[%dma_start3A_122, %dma_start3A_123] : memref<10000x128xf32, #tpu.memory_space<hbm>> -> memref<10000x128xf32, #tpu.memory_space<hbm>>
          tpu.enqueue_indirect_dma source(%dma_start3A_124 : memref<10000x128xf32, #tpu.memory_space<hbm>>) target(%arg7 : memref<128x128xf32, #tpu.memory_space<vmem>>) offsets(%dma_start3A_121 : memref<128xi32, #tpu.memory_space<vmem>>) semaphore(%arg11 : memref<!tpu.dma_semaphore, #tpu.memory_space<semaphore_mem>>)
        } else {
        }
        %add3A_100 = arith.constant 1 : i32
        %add3A_101 = arith.addi %add3A_89, %add3A_100 : i32
        %dma_wait3A_102 = arith.constant 0 : i32
        %dma_wait3A_103 = tpu.memref_slice %arg5[%add3A_101, %dma_wait3A_102] : memref<40x128xi32, #tpu.memory_space<vmem>> -> memref<1x128xi32, #tpu.memory_space<vmem>>
        %dma_wait3A_104 = tpu.memref_squeeze %dma_wait3A_103 : memref<1x128xi32, #tpu.memory_space<vmem>> -> memref<128xi32, #tpu.memory_space<vmem>>
        %dma_wait3A_105 = arith.constant 0 : i32
        %dma_wait3A_106 = arith.constant 0 : i32
        %dma_wait3A_107 = tpu.memref_slice %arg2[%dma_wait3A_105, %dma_wait3A_106] : memref<10000x128xf32, #tpu.memory_space<hbm>> -> memref<10000x128xf32, #tpu.memory_space<hbm>>
        tpu.wait_indirect_dma semaphore(%arg12 : memref<!tpu.dma_semaphore, #tpu.memory_space<semaphore_mem>>) src(%dma_wait3A_107 : memref<10000x128xf32, #tpu.memory_space<hbm>>) dst(%arg8 : memref<128x128xf32, #tpu.memory_space<vmem>>)
        %add3A_108 = arith.constant 1 : i32
        %add3A_109 = arith.addi %add3A_89, %add3A_108 : i32
        "tpu.region"() ({
          %run_scoped3A = tpu.sem_alloc : memref<!tpu.dma_semaphore, #tpu.memory_space<semaphore_mem>>
          %dma_start3A_117 = arith.constant 0 : i32
          %dma_start3A_118 = tpu.memref_slice %arg6[%add3A_109, %dma_start3A_117] : memref<40x128xi32, #tpu.memory_space<vmem>> -> memref<1x128xi32, #tpu.memory_space<vmem>>
          %dma_start3A_119 = tpu.memref_squeeze %dma_start3A_118 : memref<1x128xi32, #tpu.memory_space<vmem>> -> memref<128xi32, #tpu.memory_space<vmem>>
          %dma_start3A_120 = arith.constant 0 : i32
          %dma_start3A_121 = arith.constant 0 : i32
          %dma_start3A_122 = tpu.memref_slice %arg9[%dma_start3A_120, %dma_start3A_121] : memref<10008x128xf32, #tpu.memory_space<vmem_shared>> -> memref<10008x128xf32, #tpu.memory_space<vmem_shared>>
          tpu.enqueue_indirect_dma source(%arg8 : memref<128x128xf32, #tpu.memory_space<vmem>>) target(%dma_start3A_122 : memref<10008x128xf32, #tpu.memory_space<vmem_shared>>) offsets(%dma_start3A_119 : memref<128xi32, #tpu.memory_space<vmem>>) semaphore(%run_scoped3A : memref<!tpu.dma_semaphore, #tpu.memory_space<semaphore_mem>>) {add = true}
          %dma_wait3A_123 = arith.constant 0 : i32
          %dma_wait3A_124 = tpu.memref_slice %arg6[%add3A_109, %dma_wait3A_123] : memref<40x128xi32, #tpu.memory_space<vmem>> -> memref<1x128xi32, #tpu.memory_space<vmem>>
          %dma_wait3A_125 = tpu.memref_squeeze %dma_wait3A_124 : memref<1x128xi32, #tpu.memory_space<vmem>> -> memref<128xi32, #tpu.memory_space<vmem>>
          %dma_wait3A_126 = arith.constant 0 : i32
          %dma_wait3A_127 = arith.constant 0 : i32
          %dma_wait3A_128 = tpu.memref_slice %arg9[%dma_wait3A_126, %dma_wait3A_127] : memref<10008x128xf32, #tpu.memory_space<vmem_shared>> -> memref<10008x128xf32, #tpu.memory_space<vmem_shared>>
          tpu.wait_indirect_dma semaphore(%run_scoped3A : memref<!tpu.dma_semaphore, #tpu.memory_space<semaphore_mem>>) src(%arg8 : memref<128x128xf32, #tpu.memory_space<vmem>>) dst(%dma_wait3A_128 : memref<10008x128xf32, #tpu.memory_space<vmem_shared>>)
          tpu.yield
        }) : () -> ()
        %add3A_110 = arith.constant 3 : i32
        %add3A_111 = arith.addi %add3A_89, %add3A_110 : i32
        %lt3A_112 = arith.constant 40 : i32
        %lt3A_113 = arith.cmpi slt, %add3A_111, %lt3A_112 : i32
        %convert_element_type3A_114 = arith.extui %lt3A_113 : i1 to i32
        %cond3A_115 = arith.constant 0 : i32
        %cond3A_116 = arith.cmpi ne, %convert_element_type3A_114, %cond3A_115 : i32
        scf.if %cond3A_116 {
          %add3A_117 = arith.constant 3 : i32
          %add3A_118 = arith.addi %add3A_89, %add3A_117 : i32
          %dma_start3A_119 = arith.constant 0 : i32
          %dma_start3A_120 = tpu.memref_slice %arg5[%add3A_118, %dma_start3A_119] : memref<40x128xi32, #tpu.memory_space<vmem>> -> memref<1x128xi32, #tpu.memory_space<vmem>>
          %dma_start3A_121 = tpu.memref_squeeze %dma_start3A_120 : memref<1x128xi32, #tpu.memory_space<vmem>> -> memref<128xi32, #tpu.memory_space<vmem>>
          %dma_start3A_122 = arith.constant 0 : i32
          %dma_start3A_123 = arith.constant 0 : i32
          %dma_start3A_124 = tpu.memref_slice %arg2[%dma_start3A_122, %dma_start3A_123] : memref<10000x128xf32, #tpu.memory_space<hbm>> -> memref<10000x128xf32, #tpu.memory_space<hbm>>
          tpu.enqueue_indirect_dma source(%dma_start3A_124 : memref<10000x128xf32, #tpu.memory_space<hbm>>) target(%arg8 : memref<128x128xf32, #tpu.memory_space<vmem>>) offsets(%dma_start3A_121 : memref<128xi32, #tpu.memory_space<vmem>>) semaphore(%arg12 : memref<!tpu.dma_semaphore, #tpu.memory_space<semaphore_mem>>)
        } else {
        }
      }
      %scan3A_84 = arith.constant 20 : i32
    }
    %scan3A_24 = arith.constant 2 : i32
    %barrier3A_25 = arith.constant 0 : index
    tpu.barrier barrier_id(%barrier3A_25)
    %sub3A_26 = arith.constant 125 : i32
    %sub3A_27 = arith.subi %sub3A_26, %arg1 : i32
    %sub3A_28 = arith.constant 16 : i32
    %sub3A_29 = arith.constant 1 : i32
    %sub3A_30 = arith.subi %sub3A_28, %sub3A_29 : i32
    %add3A_31 = arith.addi %sub3A_27, %sub3A_30 : i32
    %div3A_32 = arith.constant 16 : i32
    %div3A_33 = arith.divsi %add3A_31, %div3A_32 : i32
    %while3A_34 = arith.constant 16 : i32
    %while3A_35 = arith.constant 0 : i32
    %while3A_36 = arith.subi %div3A_33, %while3A_35 : i32
    %while3A_37 = arith.addi %while3A_35, %while3A_36 : i32
    %while3A_38 = arith.constant 1 : i32
    %while3A_39 = arith.divsi %while3A_36, %while3A_38 : i32
    %while3A_40 = arith.muli %while3A_39, %while3A_38 : i32
    %while3A_41 = arith.addi %while3A_35, %while3A_40 : i32
    %while3A_42 = arith.constant 1 : i32
    scf.for %while3A_44 = %while3A_35 to %while3A_41 step %while3A_42  : i32 {
      %mul3A_45 = arith.muli %while3A_44, %while3A_34 : i32
      %add3A_46 = arith.addi %arg1, %mul3A_45 : i32
      %mul3A_47 = arith.constant 80 : i32
      %mul3A_48 = arith.muli %add3A_46, %mul3A_47 : i32
      %mul3A_49 = arith.constant 80 : i32
      %mul3A_50 = arith.muli %add3A_46, %mul3A_49 : i32
      "tpu.region"() ({
        %run_scoped3A = tpu.sem_alloc : memref<!tpu.dma_semaphore, #tpu.memory_space<semaphore_mem>>
        %dma_start3A = arith.constant 0 : i32
        %dma_start3A_51 = tpu.memref_slice %arg4[%arg0, %mul3A_50, %dma_start3A] : memref<2x10000x128xf32, #tpu.memory_space<hbm>> -> memref<1x80x128xf32, #tpu.memory_space<hbm>>
        %dma_start3A_52 = tpu.memref_squeeze %dma_start3A_51 : memref<1x80x128xf32, #tpu.memory_space<hbm>> -> memref<80x128xf32, #tpu.memory_space<hbm>>
        %dma_start3A_53 = arith.constant 0 : i32
        %dma_start3A_54 = tpu.memref_slice %arg9[%mul3A_48, %dma_start3A_53] : memref<10008x128xf32, #tpu.memory_space<vmem_shared>> -> memref<80x128xf32, #tpu.memory_space<vmem_shared>>
        tpu.enqueue_dma source(%dma_start3A_54 : memref<80x128xf32, #tpu.memory_space<vmem_shared>>) target(%dma_start3A_52 : memref<80x128xf32, #tpu.memory_space<hbm>>) target_semaphore(%run_scoped3A : memref<!tpu.dma_semaphore, #tpu.memory_space<semaphore_mem>>)
        %dma_wait3A = arith.constant 0 : i32
        %dma_wait3A_55 = tpu.memref_slice %arg4[%arg0, %mul3A_50, %dma_wait3A] : memref<2x10000x128xf32, #tpu.memory_space<hbm>> -> memref<1x80x128xf32, #tpu.memory_space<hbm>>
        %dma_wait3A_56 = tpu.memref_squeeze %dma_wait3A_55 : memref<1x80x128xf32, #tpu.memory_space<hbm>> -> memref<80x128xf32, #tpu.memory_space<hbm>>
        %dma_wait3A_57 = arith.constant 0 : i32
        %dma_wait3A_58 = tpu.memref_slice %arg9[%mul3A_48, %dma_wait3A_57] : memref<10008x128xf32, #tpu.memory_space<vmem_shared>> -> memref<80x128xf32, #tpu.memory_space<vmem_shared>>
        tpu.wait_dma2 semaphore(%run_scoped3A : memref<!tpu.dma_semaphore, #tpu.memory_space<semaphore_mem>>) src(%dma_wait3A_58 : memref<80x128xf32, #tpu.memory_space<vmem_shared>>) dst(%dma_wait3A_56 : memref<80x128xf32, #tpu.memory_space<hbm>>)
        tpu.yield
      }) : () -> ()
    }
    %while3A_43 = arith.constant 1 : i32
    scf.for %while3A_44 = %while3A_41 to %while3A_37 step %while3A_43  : i32 {
      %mul3A_45 = arith.muli %while3A_44, %while3A_34 : i32
      %add3A_46 = arith.addi %arg1, %mul3A_45 : i32
      %mul3A_47 = arith.constant 80 : i32
      %mul3A_48 = arith.muli %add3A_46, %mul3A_47 : i32
      %mul3A_49 = arith.constant 80 : i32
      %mul3A_50 = arith.muli %add3A_46, %mul3A_49 : i32
      "tpu.region"() ({
        %run_scoped3A = tpu.sem_alloc : memref<!tpu.dma_semaphore, #tpu.memory_space<semaphore_mem>>
        %dma_start3A = arith.constant 0 : i32
        %dma_start3A_51 = tpu.memref_slice %arg4[%arg0, %mul3A_50, %dma_start3A] : memref<2x10000x128xf32, #tpu.memory_space<hbm>> -> memref<1x80x128xf32, #tpu.memory_space<hbm>>
        %dma_start3A_52 = tpu.memref_squeeze %dma_start3A_51 : memref<1x80x128xf32, #tpu.memory_space<hbm>> -> memref<80x128xf32, #tpu.memory_space<hbm>>
        %dma_start3A_53 = arith.constant 0 : i32
        %dma_start3A_54 = tpu.memref_slice %arg9[%mul3A_48, %dma_start3A_53] : memref<10008x128xf32, #tpu.memory_space<vmem_shared>> -> memref<80x128xf32, #tpu.memory_space<vmem_shared>>
        tpu.enqueue_dma source(%dma_start3A_54 : memref<80x128xf32, #tpu.memory_space<vmem_shared>>) target(%dma_start3A_52 : memref<80x128xf32, #tpu.memory_space<hbm>>) target_semaphore(%run_scoped3A : memref<!tpu.dma_semaphore, #tpu.memory_space<semaphore_mem>>)
        %dma_wait3A = arith.constant 0 : i32
        %dma_wait3A_55 = tpu.memref_slice %arg4[%arg0, %mul3A_50, %dma_wait3A] : memref<2x10000x128xf32, #tpu.memory_space<hbm>> -> memref<1x80x128xf32, #tpu.memory_space<hbm>>
        %dma_wait3A_56 = tpu.memref_squeeze %dma_wait3A_55 : memref<1x80x128xf32, #tpu.memory_space<hbm>> -> memref<80x128xf32, #tpu.memory_space<hbm>>
        %dma_wait3A_57 = arith.constant 0 : i32
        %dma_wait3A_58 = tpu.memref_slice %arg9[%mul3A_48, %dma_wait3A_57] : memref<10008x128xf32, #tpu.memory_space<vmem_shared>> -> memref<80x128xf32, #tpu.memory_space<vmem_shared>>
        tpu.wait_dma2 semaphore(%run_scoped3A : memref<!tpu.dma_semaphore, #tpu.memory_space<semaphore_mem>>) src(%dma_wait3A_58 : memref<80x128xf32, #tpu.memory_space<vmem_shared>>) dst(%dma_wait3A_56 : memref<80x128xf32, #tpu.memory_space<hbm>>)
        tpu.yield
      }) : () -> ()
    }
    return
  }
}

module attributes {stable_mosaic.version = 14 : i64} {
  func.func @_mm_body(%arg0: memref<10000x128xf32, #tpu.memory_space<vmem>>, %arg1: memref<128x128xf32, #tpu.memory_space<vmem>>, %arg2: memref<10000x128xf32, #tpu.memory_space<vmem>>) attributes {dimension_semantics = [], scalar_prefetch = 0 : i64, scratch_operands = 0 : i64, tpu.core_type = #tpu.core_type<tc>} {
    %get3A = arith.constant 0 : index
    %get3A_0 = arith.constant 0 : index
    %get3A_1 = vector.load %arg1[%get3A, %get3A_0] : memref<128x128xf32, #tpu.memory_space<vmem>>, vector<128x128xf32>
    %scan3A = arith.constant 0 : i32
    %scan3A_2 = arith.constant 10 : i32
    %scan3A_3 = arith.addi %scan3A, %scan3A_2 : i32
    %scan3A_4 = arith.constant 1 : i32
    scf.for %scan3A_6 = %scan3A to %scan3A_3 step %scan3A_4  : i32 {
      %mul3A = arith.constant 1 : i32
      %mul3A_7 = arith.muli %scan3A_6, %mul3A : i32
      %add3A = arith.constant 0 : i32
      %add3A_8 = arith.addi %add3A, %mul3A_7 : i32
      %mul3A_9 = arith.constant 1000 : i32
      %mul3A_10 = arith.muli %add3A_8, %mul3A_9 : i32
      %get3A_11 = arith.index_cast %mul3A_10 : i32 to index
      %get3A_12 = arith.constant 0 : index
      %get3A_13 = vector.load %arg0[%get3A_11, %get3A_12] : memref<10000x128xf32, #tpu.memory_space<vmem>>, vector<1000x128xf32>
      %dot_general3A = arith.constant dense<0.000000e+00> : vector<1000x128xf32>
      %dot_general3A_14 = tpu.matmul %get3A_13, %get3A_1, %dot_general3A {dimension_numbers = #tpu.dot_dimension_numbers<[1], [0], [0], [1], [0, 0, 1, 1], [], []>, precision = #tpu.contract_precision<fp32>, transpose_lhs_hint = false} : vector<1000x128xf32>, vector<128x128xf32>, vector<1000x128xf32> -> vector<1000x128xf32>
      %swap3A = arith.index_cast %mul3A_10 : i32 to index
      %swap3A_15 = arith.constant 0 : index
      %swap3A_16 = vector.load %arg2[%swap3A, %swap3A_15] : memref<10000x128xf32, #tpu.memory_space<vmem>>, vector<1000x128xf32>
      tpu.vector_store %arg2[%swap3A, %swap3A_15], %dot_general3A_14 {strides = array<i32>} : memref<10000x128xf32, #tpu.memory_space<vmem>>, vector<1000x128xf32>,
    }
    %scan3A_5 = arith.constant 10 : i32
    return
  }
}

module attributes {stable_mosaic.version = 14 : i64} {
  func.func @_stage1_body(%arg0: memref<2x10000x128xf32, #tpu.memory_space<vmem>>, %arg1: memref<10000x128xf32, #tpu.memory_space<vmem>>, %arg2: memref<10000x128xf32, #tpu.memory_space<vmem>>, %arg3: memref<10000x1xf32, #tpu.memory_space<vmem>>) attributes {dimension_semantics = [], scalar_prefetch = 0 : i64, scratch_operands = 0 : i64, tpu.core_type = #tpu.core_type<tc>} {
    %scan3A = arith.constant 0 : i32
    %scan3A_0 = arith.constant 10 : i32
    %scan3A_1 = arith.addi %scan3A, %scan3A_0 : i32
    %scan3A_2 = arith.constant 1 : i32
    scf.for %scan3A_4 = %scan3A to %scan3A_1 step %scan3A_2  : i32 {
      %mul3A = arith.constant 1 : i32
      %mul3A_5 = arith.muli %scan3A_4, %mul3A : i32
      %add3A = arith.constant 0 : i32
      %add3A_6 = arith.addi %add3A, %mul3A_5 : i32
      %mul3A_7 = arith.constant 1000 : i32
      %mul3A_8 = arith.muli %add3A_6, %mul3A_7 : i32
      %get3A = arith.constant 0 : index
      %get3A_9 = arith.index_cast %mul3A_8 : i32 to index
      %get3A_10 = arith.constant 0 : index
      %get3A_11 = vector.load %arg0[%get3A, %get3A_9, %get3A_10] : memref<2x10000x128xf32, #tpu.memory_space<vmem>>, vector<1x1000x1xf32>
      %get3A_12 = vector.shape_cast %get3A_11 : vector<1x1000x1xf32> to vector<1000x1xf32>
      %get3A_13 = arith.constant 1 : index
      %get3A_14 = arith.index_cast %mul3A_8 : i32 to index
      %get3A_15 = arith.constant 0 : index
      %get3A_16 = vector.load %arg0[%get3A_13, %get3A_14, %get3A_15] : memref<2x10000x128xf32, #tpu.memory_space<vmem>>, vector<1x1000x1xf32>
      %get3A_17 = vector.shape_cast %get3A_16 : vector<1x1000x1xf32> to vector<1000x1xf32>
      %add3A_18 = arith.addf %get3A_12, %get3A_17 : vector<1000x1xf32>
      %add3A_19 = arith.constant 1.000000e+00 : f32
      %add3A_20 = vector.broadcast %add3A_19 : f32 to vector<1000x1xf32>
      %add3A_21 = arith.addf %add3A_18, %add3A_20 : vector<1000x1xf32>
      %rsqrt3A = math.rsqrt %add3A_21 : vector<1000x1xf32>
      %get3A_22 = arith.index_cast %mul3A_8 : i32 to index
      %get3A_23 = arith.constant 0 : index
      %get3A_24 = vector.load %arg1[%get3A_22, %get3A_23] : memref<10000x128xf32, #tpu.memory_space<vmem>>, vector<1000x128xf32>
      %mul3A_25 = vector.broadcast %rsqrt3A : vector<1000x1xf32> to vector<1000x128xf32>
      %mul3A_26 = arith.mulf %get3A_24, %mul3A_25 : vector<1000x128xf32>
      %swap3A = arith.index_cast %mul3A_8 : i32 to index
      %swap3A_27 = arith.constant 0 : index
      %swap3A_28 = vector.load %arg2[%swap3A, %swap3A_27] : memref<10000x128xf32, #tpu.memory_space<vmem>>, vector<1000x128xf32>
      tpu.vector_store %arg2[%swap3A, %swap3A_27], %mul3A_26 {strides = array<i32>} : memref<10000x128xf32, #tpu.memory_space<vmem>>, vector<1000x128xf32>,
      %swap3A_29 = arith.index_cast %mul3A_8 : i32 to index
      %swap3A_30 = arith.constant 0 : index
      %swap3A_31 = vector.load %arg3[%swap3A_29, %swap3A_30] : memref<10000x1xf32, #tpu.memory_space<vmem>>, vector<1000x1xf32>
      tpu.vector_store %arg3[%swap3A_29, %swap3A_30], %rsqrt3A {strides = array<i32>} : memref<10000x1xf32, #tpu.memory_space<vmem>>, vector<1000x1xf32>,
    }
    %scan3A_3 = arith.constant 10 : i32
    return
  }
}

module attributes {stable_mosaic.version = 14 : i64} {
  func.func @_final_body(%arg0: memref<2x10000x128xf32, #tpu.memory_space<vmem>>, %arg1: memref<10000x128xf32, #tpu.memory_space<vmem>>, %arg2: memref<10000x1xf32, #tpu.memory_space<vmem>>, %arg3: memref<1x128xf32, #tpu.memory_space<vmem>>, %arg4: memref<1x128xf32, #tpu.memory_space<vmem>>, %arg5: memref<1x128xf32, #tpu.memory_space<vmem>>, %arg6: memref<10000x128xf32, #tpu.memory_space<vmem>>, %arg7: memref<10000x128xf32, #tpu.memory_space<vmem>>, %arg8: memref<384x128xf32, #tpu.memory_space<vmem>>, %arg9: memref<1x128xf32, #tpu.memory_space<vmem>>, %arg10: memref<10000x128xf32, #tpu.memory_space<vmem>>) attributes {dimension_semantics = [], scalar_prefetch = 0 : i64, scratch_operands = 0 : i64, tpu.core_type = #tpu.core_type<tc>} {
    %broadcast_in_dim3A = arith.constant 0.000000e+00 : f32
    %broadcast_in_dim3A_0 = vector.broadcast %broadcast_in_dim3A : f32 to vector<1x128xf32>
    %scan3A = arith.constant 0 : i32
    %scan3A_1 = arith.constant 10 : i32
    %scan3A_2 = arith.addi %scan3A, %scan3A_1 : i32
    %scan3A_3 = arith.constant 1 : i32
    %scan3A_4:2 = scf.for %scan3A_25 = %scan3A to %scan3A_2 step %scan3A_3 iter_args(%scan3A_26 = %broadcast_in_dim3A_0, %scan3A_27 = %broadcast_in_dim3A_0) -> (vector<1x128xf32>, vector<1x128xf32>)  : i32 {
      %mul3A_28 = arith.constant 1000 : i32
      %mul3A_29 = arith.muli %scan3A_25, %mul3A_28 : i32
      %get3A_30 = arith.constant 0 : index
      %get3A_31 = arith.index_cast %mul3A_29 : i32 to index
      %get3A_32 = arith.constant 0 : index
      %get3A_33 = vector.load %arg0[%get3A_30, %get3A_31, %get3A_32] : memref<2x10000x128xf32, #tpu.memory_space<vmem>>, vector<1x1000x128xf32>
      %get3A_34 = vector.shape_cast %get3A_33 : vector<1x1000x128xf32> to vector<1000x128xf32>
      %get3A_35 = arith.constant 1 : index
      %get3A_36 = arith.index_cast %mul3A_29 : i32 to index
      %get3A_37 = arith.constant 0 : index
      %get3A_38 = vector.load %arg0[%get3A_35, %get3A_36, %get3A_37] : memref<2x10000x128xf32, #tpu.memory_space<vmem>>, vector<1x1000x128xf32>
      %get3A_39 = vector.shape_cast %get3A_38 : vector<1x1000x128xf32> to vector<1000x128xf32>
      %add3A_40 = arith.addf %get3A_34, %get3A_39 : vector<1000x128xf32>
      %get3A_41 = arith.index_cast %mul3A_29 : i32 to index
      %get3A_42 = arith.constant 0 : index
      %get3A_43 = vector.load %arg1[%get3A_41, %get3A_42] : memref<10000x128xf32, #tpu.memory_space<vmem>>, vector<1000x128xf32>
      %add3A_44 = arith.addf %add3A_40, %get3A_43 : vector<1000x128xf32>
      %get3A_45 = arith.index_cast %mul3A_29 : i32 to index
      %get3A_46 = arith.constant 0 : index
      %get3A_47 = vector.load %arg2[%get3A_45, %get3A_46] : memref<10000x1xf32, #tpu.memory_space<vmem>>, vector<1000x1xf32>
      %mul3A_48 = vector.broadcast %get3A_47 : vector<1000x1xf32> to vector<1000x128xf32>
      %mul3A_49 = arith.mulf %add3A_44, %mul3A_48 : vector<1000x128xf32>
      %get3A_50 = arith.constant 0 : index
      %get3A_51 = arith.constant 0 : index
      %get3A_52 = vector.load %arg3[%get3A_50, %get3A_51] : memref<1x128xf32, #tpu.memory_space<vmem>>, vector<1x128xf32>
      %add3A_53 = vector.broadcast %get3A_52 : vector<1x128xf32> to vector<1000x128xf32>
      %add3A_54 = arith.addf %mul3A_49, %add3A_53 : vector<1000x128xf32>
      %max3A = arith.constant 0.000000e+00 : f32
      %max3A_55 = vector.broadcast %max3A : f32 to vector<1000x128xf32>
      %max3A_56 = arith.maximumf %add3A_54, %max3A_55 : vector<1000x128xf32>
      %swap3A = arith.index_cast %mul3A_29 : i32 to index
      %swap3A_57 = arith.constant 0 : index
      %swap3A_58 = vector.load %arg10[%swap3A, %swap3A_57] : memref<10000x128xf32, #tpu.memory_space<vmem>>, vector<1000x128xf32>
      tpu.vector_store %arg10[%swap3A, %swap3A_57], %max3A_56 {strides = array<i32>} : memref<10000x128xf32, #tpu.memory_space<vmem>>, vector<1000x128xf32>,
      %reduce_sum3A = arith.constant dense<0.000000e+00> : vector<128xf32>
      %reduce_sum3A_59 = vector.multi_reduction <add>, %max3A_56, %reduce_sum3A [0] : vector<1000x128xf32> to vector<128xf32>
      %broadcast_in_dim3A_60 = vector.shape_cast %reduce_sum3A_59 : vector<128xf32> to vector<1x128xf32>
      %add3A_61 = arith.addf %scan3A_26, %broadcast_in_dim3A_60 : vector<1x128xf32>
      %mul3A_62 = arith.mulf %max3A_56, %max3A_56 : vector<1000x128xf32>
      %reduce_sum3A_63 = arith.constant dense<0.000000e+00> : vector<128xf32>
      %reduce_sum3A_64 = vector.multi_reduction <add>, %mul3A_62, %reduce_sum3A_63 [0] : vector<1000x128xf32> to vector<128xf32>
      %broadcast_in_dim3A_65 = vector.shape_cast %reduce_sum3A_64 : vector<128xf32> to vector<1x128xf32>
      %add3A_66 = arith.addf %scan3A_27, %broadcast_in_dim3A_65 : vector<1x128xf32>
      scf.yield %add3A_61, %add3A_66 : vector<1x128xf32>, vector<1x128xf32>
    }
    %scan3A_5 = arith.constant 10 : i32
    %mul3A = arith.constant 9.99999974E-5 : f32
    %mul3A_6 = vector.broadcast %mul3A : f32 to vector<1x128xf32>
    %mul3A_7 = arith.mulf %scan3A_4#0, %mul3A_6 : vector<1x128xf32>
    %mul3A_8 = arith.constant 9.99999974E-5 : f32
    %mul3A_9 = vector.broadcast %mul3A_8 : f32 to vector<1x128xf32>
    %mul3A_10 = arith.mulf %scan3A_4#1, %mul3A_9 : vector<1x128xf32>
    %mul3A_11 = arith.mulf %mul3A_7, %mul3A_7 : vector<1x128xf32>
    %sub3A = arith.subf %mul3A_10, %mul3A_11 : vector<1x128xf32>
    %add3A = arith.constant 9.99999974E-6 : f32
    %add3A_12 = vector.broadcast %add3A : f32 to vector<1x128xf32>
    %add3A_13 = arith.addf %sub3A, %add3A_12 : vector<1x128xf32>
    %rsqrt3A = math.rsqrt %add3A_13 : vector<1x128xf32>
    %get3A = arith.constant 0 : index
    %get3A_14 = arith.constant 0 : index
    %get3A_15 = vector.load %arg4[%get3A, %get3A_14] : memref<1x128xf32, #tpu.memory_space<vmem>>, vector<1x128xf32>
    %mul3A_16 = arith.mulf %get3A_15, %rsqrt3A : vector<1x128xf32>
    %get3A_17 = arith.constant 0 : index
    %get3A_18 = arith.constant 0 : index
    %get3A_19 = vector.load %arg8[%get3A_17, %get3A_18] : memref<384x128xf32, #tpu.memory_space<vmem>>, vector<384x128xf32>
    %scan3A_20 = arith.constant 0 : i32
    %scan3A_21 = arith.constant 10 : i32
    %scan3A_22 = arith.addi %scan3A_20, %scan3A_21 : i32
    %scan3A_23 = arith.constant 1 : i32
    scf.for %scan3A_25 = %scan3A_20 to %scan3A_22 step %scan3A_23  : i32 {
      %mul3A_26 = arith.constant 1 : i32
      %mul3A_27 = arith.muli %scan3A_25, %mul3A_26 : i32
      %add3A_28 = arith.constant 0 : i32
      %add3A_29 = arith.addi %add3A_28, %mul3A_27 : i32
      %mul3A_30 = arith.constant 1000 : i32
      %mul3A_31 = arith.muli %add3A_29, %mul3A_30 : i32
      %get3A_32 = arith.index_cast %mul3A_31 : i32 to index
      %get3A_33 = arith.constant 0 : index
      %get3A_34 = vector.load %arg10[%get3A_32, %get3A_33] : memref<10000x128xf32, #tpu.memory_space<vmem>>, vector<1000x128xf32>
      %sub3A_35 = vector.broadcast %mul3A_7 : vector<1x128xf32> to vector<1000x128xf32>
      %sub3A_36 = arith.subf %get3A_34, %sub3A_35 : vector<1000x128xf32>
      %mul3A_37 = vector.broadcast %mul3A_16 : vector<1x128xf32> to vector<1000x128xf32>
      %mul3A_38 = arith.mulf %mul3A_37, %sub3A_36 : vector<1000x128xf32>
      %get3A_39 = arith.constant 0 : index
      %get3A_40 = arith.constant 0 : index
      %get3A_41 = vector.load %arg5[%get3A_39, %get3A_40] : memref<1x128xf32, #tpu.memory_space<vmem>>, vector<1x128xf32>
      %add3A_42 = vector.broadcast %get3A_41 : vector<1x128xf32> to vector<1000x128xf32>
      %add3A_43 = arith.addf %mul3A_38, %add3A_42 : vector<1000x128xf32>
      %get3A_44 = arith.index_cast %mul3A_31 : i32 to index
      %get3A_45 = arith.constant 0 : index
      %get3A_46 = vector.load %arg6[%get3A_44, %get3A_45] : memref<10000x128xf32, #tpu.memory_space<vmem>>, vector<1000x128xf32>
      %slice3A = vector.extract_strided_slice %get3A_19 {offsets = [0, 0], sizes = [128, 128], strides = [1, 1]} : vector<384x128xf32> to vector<128x128xf32>
      %dot_general3A = arith.constant dense<0.000000e+00> : vector<1000x128xf32>
      %dot_general3A_47 = tpu.matmul %get3A_46, %slice3A, %dot_general3A {dimension_numbers = #tpu.dot_dimension_numbers<[1], [0], [0], [1], [0, 0, 1, 1], [], []>, precision = #tpu.contract_precision<fp32>, transpose_lhs_hint = false} : vector<1000x128xf32>, vector<128x128xf32>, vector<1000x128xf32> -> vector<1000x128xf32>
      %get3A_48 = arith.index_cast %mul3A_31 : i32 to index
      %get3A_49 = arith.constant 0 : index
      %get3A_50 = vector.load %arg7[%get3A_48, %get3A_49] : memref<10000x128xf32, #tpu.memory_space<vmem>>, vector<1000x128xf32>
      %slice3A_51 = vector.extract_strided_slice %get3A_19 {offsets = [128, 0], sizes = [128, 128], strides = [1, 1]} : vector<384x128xf32> to vector<128x128xf32>
      %dot_general3A_52 = arith.constant dense<0.000000e+00> : vector<1000x128xf32>
      %dot_general3A_53 = tpu.matmul %get3A_50, %slice3A_51, %dot_general3A_52 {dimension_numbers = #tpu.dot_dimension_numbers<[1], [0], [0], [1], [0, 0, 1, 1], [], []>, precision = #tpu.contract_precision<fp32>, transpose_lhs_hint = false} : vector<1000x128xf32>, vector<128x128xf32>, vector<1000x128xf32> -> vector<1000x128xf32>
      %add3A_54 = arith.addf %dot_general3A_47, %dot_general3A_53 : vector<1000x128xf32>
      %slice3A_55 = vector.extract_strided_slice %get3A_19 {offsets = [256, 0], sizes = [128, 128], strides = [1, 1]} : vector<384x128xf32> to vector<128x128xf32>
      %dot_general3A_56 = arith.constant dense<0.000000e+00> : vector<1000x128xf32>
      %dot_general3A_57 = tpu.matmul %add3A_43, %slice3A_55, %dot_general3A_56 {dimension_numbers = #tpu.dot_dimension_numbers<[1], [0], [0], [1], [0, 0, 1, 1], [], []>, precision = #tpu.contract_precision<fp32>, transpose_lhs_hint = false} : vector<1000x128xf32>, vector<128x128xf32>, vector<1000x128xf32> -> vector<1000x128xf32>
      %add3A_58 = arith.addf %add3A_54, %dot_general3A_57 : vector<1000x128xf32>
      %get3A_59 = arith.constant 0 : index
      %get3A_60 = arith.constant 0 : index
      %get3A_61 = vector.load %arg9[%get3A_59, %get3A_60] : memref<1x128xf32, #tpu.memory_space<vmem>>, vector<1x128xf32>
      %add3A_62 = vector.broadcast %get3A_61 : vector<1x128xf32> to vector<1000x128xf32>
      %add3A_63 = arith.addf %add3A_58, %add3A_62 : vector<1000x128xf32>
      %max3A = arith.constant 0.000000e+00 : f32
      %max3A_64 = vector.broadcast %max3A : f32 to vector<1000x128xf32>
      %max3A_65 = arith.maximumf %add3A_63, %max3A_64 : vector<1000x128xf32>
      %swap3A = arith.index_cast %mul3A_31 : i32 to index
      %swap3A_66 = arith.constant 0 : index
      %swap3A_67 = vector.load %arg10[%swap3A, %swap3A_66] : memref<10000x128xf32, #tpu.memory_space<vmem>>, vector<1000x128xf32>
      tpu.vector_store %arg10[%swap3A, %swap3A_66], %max3A_65 {strides = array<i32>} : memref<10000x128xf32, #tpu.memory_space<vmem>>, vector<1000x128xf32>,
    }
    %scan3A_24 = arith.constant 10 : i32
    return
  }
}

module attributes {stable_mosaic.version = 14 : i64} {
  func.func @_layer_body(%arg0: memref<2x10000x128xf32, #tpu.memory_space<vmem>>, %arg1: memref<10000x128xf32, #tpu.memory_space<vmem>>, %arg2: memref<10000x1xf32, #tpu.memory_space<vmem>>, %arg3: memref<1x128xf32, #tpu.memory_space<vmem>>, %arg4: memref<1x128xf32, #tpu.memory_space<vmem>>, %arg5: memref<1x128xf32, #tpu.memory_space<vmem>>, %arg6: memref<128x128xf32, #tpu.memory_space<vmem>>, %arg7: memref<10000x128xf32, #tpu.memory_space<vmem>>, %arg8: memref<10000x128xf32, #tpu.memory_space<vmem>>) attributes {dimension_semantics = [], scalar_prefetch = 0 : i64, scratch_operands = 0 : i64, tpu.core_type = #tpu.core_type<tc>} {
    %broadcast_in_dim3A = arith.constant 0.000000e+00 : f32
    %broadcast_in_dim3A_0 = vector.broadcast %broadcast_in_dim3A : f32 to vector<1x128xf32>
    %scan3A = arith.constant 0 : i32
    %scan3A_1 = arith.constant 10 : i32
    %scan3A_2 = arith.addi %scan3A, %scan3A_1 : i32
    %scan3A_3 = arith.constant 1 : i32
    %scan3A_4:2 = scf.for %scan3A_25 = %scan3A to %scan3A_2 step %scan3A_3 iter_args(%scan3A_26 = %broadcast_in_dim3A_0, %scan3A_27 = %broadcast_in_dim3A_0) -> (vector<1x128xf32>, vector<1x128xf32>)  : i32 {
      %mul3A_28 = arith.constant 1000 : i32
      %mul3A_29 = arith.muli %scan3A_25, %mul3A_28 : i32
      %get3A_30 = arith.constant 0 : index
      %get3A_31 = arith.index_cast %mul3A_29 : i32 to index
      %get3A_32 = arith.constant 0 : index
      %get3A_33 = vector.load %arg0[%get3A_30, %get3A_31, %get3A_32] : memref<2x10000x128xf32, #tpu.memory_space<vmem>>, vector<1x1000x128xf32>
      %get3A_34 = vector.shape_cast %get3A_33 : vector<1x1000x128xf32> to vector<1000x128xf32>
      %get3A_35 = arith.constant 1 : index
      %get3A_36 = arith.index_cast %mul3A_29 : i32 to index
      %get3A_37 = arith.constant 0 : index
      %get3A_38 = vector.load %arg0[%get3A_35, %get3A_36, %get3A_37] : memref<2x10000x128xf32, #tpu.memory_space<vmem>>, vector<1x1000x128xf32>
      %get3A_39 = vector.shape_cast %get3A_38 : vector<1x1000x128xf32> to vector<1000x128xf32>
      %add3A_40 = arith.addf %get3A_34, %get3A_39 : vector<1000x128xf32>
      %get3A_41 = arith.index_cast %mul3A_29 : i32 to index
      %get3A_42 = arith.constant 0 : index
      %get3A_43 = vector.load %arg1[%get3A_41, %get3A_42] : memref<10000x128xf32, #tpu.memory_space<vmem>>, vector<1000x128xf32>
      %add3A_44 = arith.addf %add3A_40, %get3A_43 : vector<1000x128xf32>
      %get3A_45 = arith.index_cast %mul3A_29 : i32 to index
      %get3A_46 = arith.constant 0 : index
      %get3A_47 = vector.load %arg2[%get3A_45, %get3A_46] : memref<10000x1xf32, #tpu.memory_space<vmem>>, vector<1000x1xf32>
      %mul3A_48 = vector.broadcast %get3A_47 : vector<1000x1xf32> to vector<1000x128xf32>
      %mul3A_49 = arith.mulf %add3A_44, %mul3A_48 : vector<1000x128xf32>
      %get3A_50 = arith.constant 0 : index
      %get3A_51 = arith.constant 0 : index
      %get3A_52 = vector.load %arg3[%get3A_50, %get3A_51] : memref<1x128xf32, #tpu.memory_space<vmem>>, vector<1x128xf32>
      %add3A_53 = vector.broadcast %get3A_52 : vector<1x128xf32> to vector<1000x128xf32>
      %add3A_54 = arith.addf %mul3A_49, %add3A_53 : vector<1000x128xf32>
      %max3A = arith.constant 0.000000e+00 : f32
      %max3A_55 = vector.broadcast %max3A : f32 to vector<1000x128xf32>
      %max3A_56 = arith.maximumf %add3A_54, %max3A_55 : vector<1000x128xf32>
      %swap3A = arith.index_cast %mul3A_29 : i32 to index
      %swap3A_57 = arith.constant 0 : index
      %swap3A_58 = vector.load %arg7[%swap3A, %swap3A_57] : memref<10000x128xf32, #tpu.memory_space<vmem>>, vector<1000x128xf32>
      tpu.vector_store %arg7[%swap3A, %swap3A_57], %max3A_56 {strides = array<i32>} : memref<10000x128xf32, #tpu.memory_space<vmem>>, vector<1000x128xf32>,
      %reduce_sum3A = arith.constant dense<0.000000e+00> : vector<128xf32>
      %reduce_sum3A_59 = vector.multi_reduction <add>, %max3A_56, %reduce_sum3A [0] : vector<1000x128xf32> to vector<128xf32>
      %broadcast_in_dim3A_60 = vector.shape_cast %reduce_sum3A_59 : vector<128xf32> to vector<1x128xf32>
      %add3A_61 = arith.addf %scan3A_26, %broadcast_in_dim3A_60 : vector<1x128xf32>
      %mul3A_62 = arith.mulf %max3A_56, %max3A_56 : vector<1000x128xf32>
      %reduce_sum3A_63 = arith.constant dense<0.000000e+00> : vector<128xf32>
      %reduce_sum3A_64 = vector.multi_reduction <add>, %mul3A_62, %reduce_sum3A_63 [0] : vector<1000x128xf32> to vector<128xf32>
      %broadcast_in_dim3A_65 = vector.shape_cast %reduce_sum3A_64 : vector<128xf32> to vector<1x128xf32>
      %add3A_66 = arith.addf %scan3A_27, %broadcast_in_dim3A_65 : vector<1x128xf32>
      scf.yield %add3A_61, %add3A_66 : vector<1x128xf32>, vector<1x128xf32>
    }
    %scan3A_5 = arith.constant 10 : i32
    %mul3A = arith.constant 9.99999974E-5 : f32
    %mul3A_6 = vector.broadcast %mul3A : f32 to vector<1x128xf32>
    %mul3A_7 = arith.mulf %scan3A_4#0, %mul3A_6 : vector<1x128xf32>
    %mul3A_8 = arith.constant 9.99999974E-5 : f32
    %mul3A_9 = vector.broadcast %mul3A_8 : f32 to vector<1x128xf32>
    %mul3A_10 = arith.mulf %scan3A_4#1, %mul3A_9 : vector<1x128xf32>
    %mul3A_11 = arith.mulf %mul3A_7, %mul3A_7 : vector<1x128xf32>
    %sub3A = arith.subf %mul3A_10, %mul3A_11 : vector<1x128xf32>
    %add3A = arith.constant 9.99999974E-6 : f32
    %add3A_12 = vector.broadcast %add3A : f32 to vector<1x128xf32>
    %add3A_13 = arith.addf %sub3A, %add3A_12 : vector<1x128xf32>
    %rsqrt3A = math.rsqrt %add3A_13 : vector<1x128xf32>
    %get3A = arith.constant 0 : index
    %get3A_14 = arith.constant 0 : index
    %get3A_15 = vector.load %arg4[%get3A, %get3A_14] : memref<1x128xf32, #tpu.memory_space<vmem>>, vector<1x128xf32>
    %mul3A_16 = arith.mulf %get3A_15, %rsqrt3A : vector<1x128xf32>
    %get3A_17 = arith.constant 0 : index
    %get3A_18 = arith.constant 0 : index
    %get3A_19 = vector.load %arg6[%get3A_17, %get3A_18] : memref<128x128xf32, #tpu.memory_space<vmem>>, vector<128x128xf32>
    %scan3A_20 = arith.constant 0 : i32
    %scan3A_21 = arith.constant 10 : i32
    %scan3A_22 = arith.addi %scan3A_20, %scan3A_21 : i32
    %scan3A_23 = arith.constant 1 : i32
    scf.for %scan3A_25 = %scan3A_20 to %scan3A_22 step %scan3A_23  : i32 {
      %mul3A_26 = arith.constant 1 : i32
      %mul3A_27 = arith.muli %scan3A_25, %mul3A_26 : i32
      %add3A_28 = arith.constant 0 : i32
      %add3A_29 = arith.addi %add3A_28, %mul3A_27 : i32
      %mul3A_30 = arith.constant 1000 : i32
      %mul3A_31 = arith.muli %add3A_29, %mul3A_30 : i32
      %get3A_32 = arith.index_cast %mul3A_31 : i32 to index
      %get3A_33 = arith.constant 0 : index
      %get3A_34 = vector.load %arg7[%get3A_32, %get3A_33] : memref<10000x128xf32, #tpu.memory_space<vmem>>, vector<1000x128xf32>
      %sub3A_35 = vector.broadcast %mul3A_7 : vector<1x128xf32> to vector<1000x128xf32>
      %sub3A_36 = arith.subf %get3A_34, %sub3A_35 : vector<1000x128xf32>
      %mul3A_37 = vector.broadcast %mul3A_16 : vector<1x128xf32> to vector<1000x128xf32>
      %mul3A_38 = arith.mulf %mul3A_37, %sub3A_36 : vector<1000x128xf32>
      %get3A_39 = arith.constant 0 : index
      %get3A_40 = arith.constant 0 : index
      %get3A_41 = vector.load %arg5[%get3A_39, %get3A_40] : memref<1x128xf32, #tpu.memory_space<vmem>>, vector<1x128xf32>
      %add3A_42 = vector.broadcast %get3A_41 : vector<1x128xf32> to vector<1000x128xf32>
      %add3A_43 = arith.addf %mul3A_38, %add3A_42 : vector<1000x128xf32>
      %swap3A = arith.index_cast %mul3A_31 : i32 to index
      %swap3A_44 = arith.constant 0 : index
      %swap3A_45 = vector.load %arg7[%swap3A, %swap3A_44] : memref<10000x128xf32, #tpu.memory_space<vmem>>, vector<1000x128xf32>
      tpu.vector_store %arg7[%swap3A, %swap3A_44], %add3A_43 {strides = array<i32>} : memref<10000x128xf32, #tpu.memory_space<vmem>>, vector<1000x128xf32>,
      %dot_general3A = arith.constant dense<0.000000e+00> : vector<1000x128xf32>
      %dot_general3A_46 = tpu.matmul %add3A_43, %get3A_19, %dot_general3A {dimension_numbers = #tpu.dot_dimension_numbers<[1], [0], [0], [1], [0, 0, 1, 1], [], []>, precision = #tpu.contract_precision<fp32>, transpose_lhs_hint = false} : vector<1000x128xf32>, vector<128x128xf32>, vector<1000x128xf32> -> vector<1000x128xf32>
      %get3A_47 = arith.index_cast %mul3A_31 : i32 to index
      %get3A_48 = arith.constant 0 : index
      %get3A_49 = vector.load %arg2[%get3A_47, %get3A_48] : memref<10000x1xf32, #tpu.memory_space<vmem>>, vector<1000x1xf32>
      %mul3A_50 = vector.broadcast %get3A_49 : vector<1000x1xf32> to vector<1000x128xf32>
      %mul3A_51 = arith.mulf %dot_general3A_46, %mul3A_50 : vector<1000x128xf32>
      %swap3A_52 = arith.index_cast %mul3A_31 : i32 to index
      %swap3A_53 = arith.constant 0 : index
      %swap3A_54 = vector.load %arg8[%swap3A_52, %swap3A_53] : memref<10000x128xf32, #tpu.memory_space<vmem>>, vector<1000x128xf32>
      tpu.vector_store %arg8[%swap3A_52, %swap3A_53], %mul3A_51 {strides = array<i32>} : memref<10000x128xf32, #tpu.memory_space<vmem>>, vector<1000x128xf32>,
    }
    %scan3A_24 = arith.constant 10 : i32
    return
  }
}

</mosaic_0001>

<sc_bundles>
// kernel: kernel.11.cloned.1.call-start
scs
__scs_entry_jumppad:
0x0: {  	(pc) =	sbr.rel $0x88, $3  }
0x1: {  	(tag) =	ssettag $0x0;
	lr =	simm.s32 $0x1  }
0x2: {  	[smem:$0x3F91] =	sst lr;
	_ =	strace $0xD0000000  }
0x3: {  	_ = 	snop  }
0x4: {  	_ = 	snop  }
0x5: {  	_ = 	snop  }
0x6: {  	_ = 	snop  }
0x7: {  	_ = 	snop  }
__scs_overlays_trampoline_lowered:
0x8: {  	[smem:$0x3FA0] =	sst s0  }
0x9: {  	[smem:$0x3FA1] =	sst s1  }
0xa: {  	[smem:$0x3FA2] =	sst s2  }
0xb: {  	[smem:$0x3FA3] =	sst s3  }
0xc: {  	[smem:$0x3FA4] =	sst s4  }
0xd: {  	[smem:$0x3FA5] =	sst s5  }
0xe: {  	[smem:$0x3FA6] =	sst s6  }
0xf: {  	[smem:$0x3FA7] =	sst s7  }
0x10: {  	[smem:$0x3FA8] =	sst s8  }
0x11: {  	[smem:$0x3FA9] =	sst s9;
	s0 =	simm.s32 @!p0 $0x0  }
0x12: {  	s1 =	sld [smem:$0x3F8F];
	s0 =	simm.s32 @p0 $0x1  }
0x13: {  	[smem:$0x3FAA] =	sst s0;
	s0 =	simm.s32 @!p1 $0x0  }
0x14: {  	s2 =	sld [smem:$0x3F8E];
	s0 =	simm.s32 @p1 $0x1  }
0x15: {  	[smem:$0x3FAB] =	sst s0;
	s0 =	simm.s32 @!p2 $0x0  }
0x16: {  	s3 =	sld [smem:$0x3FDB];
	s0 =	simm.s32 @p2 $0x1  }
0x17: {  	s4 =	simm.s32 $0x1BF5;
	[smem:$0x3FAD] =	sst s0  }
0x18: {  	s0 =	sld [smem:$0x3F90];
	_ =	swait.ge [sflag:s4], $0x0  }
0x19: {  	s7 =	sld [smem:$0x3F91]  }
0x1a: {  	s8 =	sadd.s32 $0xFFFFE003, lr  }
0x1b: {  	s9 =	sadd.s32 $0xFFFFFEF7, lr;
	s5 =	simm.s32 $0xFFFFFFFF;
	p2 =	slt.u32 s8, $0xFFFFF086  }
0x1c: {  	p1 =	slt.u32 s9, $0xF7A;
	s5 =	simm.s32 @!p2 $0x0  }
0x1d: {  	s5 =	simm.s32 @p1 $0x1;
	p0 =	seq.s32 s7, s2  }
0x1e: {  	s7 =	smul.u32 @!p0 $0xF7A, s2;
	p2 =	seq.s32 @!p0 s5, $0x0  }
0x1f: {  	s9 =	smul.u32 $0xF7A, s1;
	s8 =	simm.s32 @!p0 $0x1BF5;
	p2 =	por !p2, p0  }
0x20: {  	[sflag:s8] =	ssyncset.s32 @!p0 $0xFFFFF086;
	s6 =	sadd.s32 @!p0 s3, s7;
	s7 =	simm.s32 @!p0 $0x108  }
0x21: {  	s3 =	sadd.s32 s3, s9;
	s6 =	sadd.s32 @!p0 $0x88, s6;
	s7 =	simm.s32 @p2 $0x1082  }
0x22: {  	[simem:s7], [sflag:s8] =	dma.local @!p0 [hbm:s6], $0xF7A  }
0x23: {  	s9 =	sor.u32 $0xD0000000, s2;
	s6 =	simm.s32 $0x108;
	_ =	swait.ge @!p0 [sflag:s8], $0x0  }
0x24: {  	s3 =	sadd.s32 $0x88, s3;
	s6 =	simm.s32 @!p1 $0x1082;
	[sflag:s4] =	ssyncset.s32 $0xFFFFF086  }
0x25: {  	[simem:s6], [sflag:s4] =	dma.local [hbm:s3], $0xF7A  }
0x26: {  	[smem:$0x3F91] =	sst s1;
	(tag) =	ssettag s2;
	_ =	strace s9  }
0x27: {  	s1 =	sld [smem:$0x3FA1]  }
0x28: {  	s2 =	sld [smem:$0x3FA2]  }
0x29: {  	s4 =	sld [smem:$0x3FA4]  }
0x2a: {  	p0 =	seq.s32 s5, $0x0;
	s5 =	sld [smem:$0x3FA5]  }
0x2b: {  	s6 =	sld [smem:$0x3FA6]  }
0x2c: {  	s7 =	sld [smem:$0x3FA7]  }
0x2d: {  	s3 =	simm.s32 $0x108;
	s8 =	sld [smem:$0x3FA8]  }
0x2e: {  	s3 =	simm.s32 @!p0 $0x1082;
	s9 =	sld [smem:$0x3FA9]  }
0x2f: {  	lr =	sadd.s32 s0, s3;
	s0 =	sld [smem:$0x3FA0]  }
0x30: {  	s3 =	sld [smem:$0x3FA3]  }
0x31: {  	[smem:$0x3FAC] =	sst s10  }
0x32: {  	s10 =	sld [smem:$0x3FAA];
	_ =	sdelay $0x3  }
0x33: {  	p0 =	seq.s32 s10, $0x1;
	s10 =	sld [smem:$0x3FAC];
	_ =	sdelay $0x3  }
0x34: {  	[smem:$0x3FAC] =	sst s10  }
0x35: {  	s10 =	sld [smem:$0x3FAB];
	_ =	sdelay $0x3  }
0x36: {  	p1 =	seq.s32 s10, $0x1;
	s10 =	sld [smem:$0x3FAC];
	_ =	sdelay $0x3  }
0x37: {  	[smem:$0x3FAC] =	sst s10  }
0x38: {  	s10 =	sld [smem:$0x3FAD]  }
0x39: {  	_ = 	snop;
	(pc) =	sbr.ind lr, $3  }
0x3a: {  	_ = 	snop  }
0x3b: {  	_ = 	snop  }
0x3c: {  	p2 =	seq.s32 s10, $0x1;
	s10 =	sld [smem:$0x3FAC]  }
0x3d: {  	_ =	shalt  }
0x3e: {  	_ =	shalt  }
0x3f: {  	_ =	shalt  }
0x40: {  	_ =	shalt  }
0x41: {  	_ =	shalt  }
0x42: {  	_ =	shalt  }
0x43: {  	_ =	shalt  }
0x44: {  	_ =	shalt  }
0x45: {  	_ =	shalt  }
0x46: {  	_ =	shalt  }
0x47: {  	_ =	shalt  }
0x48: {  	_ =	shalt  }
0x49: {  	_ =	shalt  }
0x4a: {  	_ =	shalt  }
0x4b: {  	_ =	shalt  }
0x4c: {  	_ =	shalt  }
0x4d: {  	_ =	shalt  }
0x4e: {  	_ =	shalt  }
0x4f: {  	_ =	shalt  }
0x50: {  	_ =	shalt  }
0x51: {  	_ =	shalt  }
0x52: {  	_ =	shalt  }
0x53: {  	_ =	shalt  }
0x54: {  	_ =	shalt  }
0x55: {  	_ =	shalt  }
0x56: {  	_ =	shalt  }
0x57: {  	_ =	shalt  }
0x58: {  	_ =	shalt  }
0x59: {  	_ =	shalt  }
0x5a: {  	_ =	shalt  }
0x5b: {  	_ =	shalt  }
0x5c: {  	_ =	shalt  }
0x5d: {  	_ =	shalt  }
0x5e: {  	_ =	shalt  }
0x5f: {  	_ =	shalt  }
0x60: {  	_ =	shalt  }
0x61: {  	_ =	shalt  }
0x62: {  	_ =	shalt  }
0x63: {  	_ =	shalt  }
0x64: {  	_ =	shalt  }
0x65: {  	_ =	shalt  }
0x66: {  	_ =	shalt  }
0x67: {  	_ =	shalt  }
0x68: {  	_ =	shalt  }
0x69: {  	_ =	shalt  }
0x6a: {  	_ =	shalt  }
0x6b: {  	_ =	shalt  }
0x6c: {  	_ =	shalt  }
0x6d: {  	_ =	shalt  }
0x6e: {  	_ =	shalt  }
0x6f: {  	_ =	shalt  }
0x70: {  	_ =	shalt  }
0x71: {  	_ =	shalt  }
0x72: {  	_ =	shalt  }
0x73: {  	_ =	shalt  }
0x74: {  	_ =	shalt  }
0x75: {  	_ =	shalt  }
0x76: {  	_ =	shalt  }
0x77: {  	_ =	shalt  }
0x78: {  	_ =	shalt  }
0x79: {  	_ =	shalt  }
0x7a: {  	_ =	shalt  }
0x7b: {  	_ =	shalt  }
0x7c: {  	_ =	shalt  }
0x7d: {  	_ =	shalt  }
0x7e: {  	_ =	shalt  }
0x7f: {  	_ =	shalt  }
0x80: {  	_ =	shalt  }
0x81: {  	_ =	shalt  }
0x82: {  	_ =	shalt  }
0x83: {  	_ =	shalt  }
0x84: {  	_ =	shalt  }
0x85: {  	_ =	shalt  }
0x86: {  	_ =	shalt  }
0x87: {  	_ =	shalt  }
.Lfunc_end0:
.L_simem_size_0:
called_computation_lowered:
.L_overlay_start_0:
0x88: {  	s2 =	sld [smem:$0x3FD9]  }
0x89: {  	s3 =	sld [smem:$0x3FFE];
	_ =	sdelay $0x1  }
0x8a: {  	s1 =	srdreg.scid  }
0x8b: {  	s0 =	sand.u32 $0x1, s1  }
0x8c: {  	s16 =	sshll.u32 s0, $0xA;
	s2 =	sadd.s32 s3, s2  }
0x8d: {  	s2 =	sadd.s32 s2, s16  }
0x8e: {  	[smem:$0x3FB8] =	sst s2  }
0x8f: {  	_ = 	snop  }
0x90: {  	(tm) =	ssettm $0x1  }
0x91: {  	s17 =	sld [smem:$0x3FFB];
	_ =	sdelay $0x3  }
0x92: {  	_ =	strace s17  }
0x93: {  	s2 =	sld [smem:$0x3FFC];
	_ =	sdelay $0x3  }
0x94: {  	_ =	strace s2  }
0x95: {  	s2 =	sld [smem:$0x3FFD];
	_ =	sdelay $0x3  }
0x96: {  	_ =	strace s2  }
0x97: {  	_ =	strace $0x8FFFFFFF  }
0x98: {  	s18 =	sld [smem:$0x3FDB];
	_ =	sdelay $0x1  }
0x99: {  	s19 =	simm.s32 $_scs_section_size  }
0x9a: {  	s4 =	simm.s32 $_size__tile_overlayer_lowered;
	s5 =	simm.s32 $_tile_overlayer_lowered  }
0x9b: {  	s22 =	simm.s32 $0x1BFF;
	s21 =	sshll.u32 s5, $0x1;
	s2 =	sadd.s32 s19, s18  }
0x9c: {  	s6 =	simm.s32 $0x0;
	s20 =	sshll.u32 s4, $0x1;
	s4 =	sadd.s32 s21, s2  }
0x9d: {  	[timem:s6], [sflag:s22] =	dma.local [hbm:s4], s20  }
0x9e: {  	_ =	swait.ge [sflag:s22], s20  }
0x9f: {  	s3 =	ssub.s32 $0x0, s20;
	[sflag:s22] =	ssyncset.done $0x0  }
0xa0: {  	[sflag:s22] =	ssyncadd.s32 s3;
	_ =	sdelay $0x1  }
0xa1: {  	s23 =	simm.s32 $0x1B8B  }
0xa2: {  	_ =	swait.ge [sflag:s23], $0x1  }
0xa3: {  	[sflag:s23] =	ssyncset.done $0x0  }
0xa4: {  	s25 =	simm.s32 $0x1B8E;
	s24 =	sld [smem:$0x3FFE];
	[sflag:s23] =	ssyncadd.s32 $0xFFFFFFFF  }
0xa5: {  	s26 =	simm.s32 $execute0_lowered;
	[smem:$0x3FD2] =	sst s25  }
0xa6: {  	s4 =	sshll.u32 s26, $0x1;
	_ =	strace $0x80000046;
	[dreg:$0x1] =	wrdreg $0xFFFFFFFF  }
0xa7: {  	s28 =	simm.s32 $_size_execute0_lowered;
	s2 =	sadd.s32 s2, s4;
	[dreg:$0x0] =	wrdreg $0x0  }
0xa8: {  	s4 =	sshll.u32 s28, $0x1;
	[dreg:$0x2] =	wrdreg s2  }
0xa9: {  	[dreg:$0x3] =	wrdreg s4  }
0xaa: {  	[dreg:$0x4] =	wrdreg $0xC0  }
0xab: {  	_ =	task [dreg:s6], $0x5FFFF  }
0xac: {  	[dreg:$0x1] =	wrdreg $0xFFFFFFFF  }
0xad: {  	[dreg:$0x0] =	wrdreg $0x60  }
0xae: {  	[dreg:$0x2] =	wrdreg s24  }
0xaf: {  	[dreg:$0x3] =	wrdreg $0x68000  }
0xb0: {  	[dreg:$0x4] =	wrdreg $0x9  }
0xb1: {  	_ =	task.clear_ibuf [dreg:s6], $0x5FFFF;
	_ =	strace $0x90000046  }
0xb2: {  	s29 =	simm.s32 $0x9;
	_ =	strace $0x80000048  }
0xb3: {  	_ =	swait.ge [sflag:s29], $0x1  }
0xb4: {  	[sflag:s29] =	ssyncadd.s32 $0xFFFFFFFF  }
0xb5: {  	_ =	strace $0x90000048  }
0xb6: {  	_ =	sfence  }
0xb7: {  	s30 =	sld [smem:$0x0];
	_ =	sdelay $0x2  }
0xb8: {  	s31 =	sshll.u32 s1, $0xD;
	s1 =	sshrl.u32 s1, $0x2  }
0xb9: {  	s3 =	sand.u32 $0x4000, s31;
	s1 =	sadd.s32 s1, s30  }
0xba: {  	s0 =	sor.u32 s3, s0;
	s1 =	sshll.u32 s1, $0x11  }
0xbb: {  	s0 =	sor.u32 s1, s0  }
0xbc: {  	s0 =	sadd.s32 $0x8F2B, s0  }
0xbd: {  	[sflag:s0] =	ssyncadd.remote.s32 $0x1  }
0xbe: {  	_ =	sfence.sel $0xFFFF  }
0xbf: {  	[dreg:$0x0] =	wrdreg $0xFFFFFFFF;
	(pc) =	sbr.abs _section_cstart, $3  }
0xc0: {  	[dreg:$0x1] =	wrdreg $0xFFFFFFFF  }
0xc1: {  	_ =	task.clear_ibuf [dreg:s6], $0x2FFFF;
	_ =	strace $0x9FFFFFFF  }
0xc2: {  	(tm) =	ssettm $0x7FFFFFFF  }
0xc3: {  	_ =	shalt  }
tec
execute0_lowered:
.L_overlay_start_1:
0x0: {  	(tag) =	ssettag $0x1  }
0x1: {  	s1 =	srdreg.scid;
	s5 =	rddreg [dreg:$0x0]  }
0x2: {  	s0 =	stileid.u32;
	s2 =	rddreg [dreg:$0x1]  }
0x3: {  	s3 =	simm.s32 $0x0;
	s11 =	simm.s32 $0x1;
	s12 =	simm.s32 $0x80  }
0x4: {  	s13 =	simm.s32 $0x0;
	s4 =	sand.u32 $0x1, s1;
	s8 =	smul.u32 $0x2800, s0  }
0x5: {  	s26 =	sshll.u32 s0, $0x1;
	[smem:$0x7FF] =	sst s3;
	s28 =	smul.u32 $0xA000, s0  }
0x6: {  	s30 =	ssub.s32 $0x8C, s0;
	s1 =	sor.u32 s4, s26;
	s7 =	smul.u32 $0x138800, s4  }
0x7: {  	s4 =	ssub.s32 $0x2, s4;
	s6 =	smul.u32 $0x500, s1;
	s1 =	rddreg [dreg:$0x2]  }
0x8: {  	_ =	strace $0x80000047;
	s29 =	sshrl.u32 s4, $0x1;
	s7 =	sadd.s32 s8, s7  }
0x9: {  	s31 =	sshrl.u32 s28, $0x2;
	s10 =	ssub.s32 s4, s29;
	s7 =	sshrl.u32 s7, $0x3  }
0xa: {  	s4 =	sshrl.u32 s30, $0x4;
	s6 =	sadd.s32 s6, s5;
	s9 =	sadd.s32 s7, s5  }
0xb: {  	s5 =	sadd.s32 $0x1200, s6;
	s6 =	smax.u32 s10, $0x1;
	s7 =	sadd.s32 s31, s2  }
0xc: {  	v0 =	vimm.f32 $0.0e+00;
	v1 =	vimm.f32 $1.000000000e+00;
	s10 =	simm.s32 $0x2;
	s8 =	sadd.s32 $0xB200, s9;
	s9 =	simm.s32 $0x2800  }
.LBB2_1:
0xd: {  	s14 =	simm.s32 $0x0;
	s15 =	simm.s32 $0x200  }
.LBB2_2:
0xe: {  	p0 =	sne.s32 s15, $0xFE00;
	[tilespmem:s14+$0x2870] =	vst v0  }
0xf: {  	[tilespmem:s14+$0x2800] =	vst v0  }
0x10: {  	[tilespmem:s14+$0x2810] =	vst v0  }
.Ltmp0:
0x11: {  	[tilespmem:s14+$0x2820] =	vst v0;
	(pc) =	sbr.rel @p0 .LBB2_2-.Ltmp0, $4  }
0x12: {  	[tilespmem:s14+$0x2830] =	vst v0  }
0x13: {  	[tilespmem:s14+$0x2840] =	vst v0  }
0x14: {  	[tilespmem:s14+$0x2850] =	vst v0  }
0x15: {  	[tilespmem:s14+$0x2860] =	vst v0;
	s14 =	sshra.s32 s15, $0x2;
	s15 =	sadd.s32 $0x200, s15  }
0x16: {  	[tilespmem:s14+$0x2870] =	vst v0  }
0x17: {  	[tilespmem:s14+$0x2800] =	vst v0  }
0x18: {  	[tilespmem:s14+$0x2810] =	vst v0  }
0x19: {  	[tilespmem:s14+$0x2820] =	vst v0  }
0x1a: {  	[tilespmem:s14+$0x2830] =	vst v0  }
0x1b: {  	[tilespmem:s14+$0x2840] =	vst v0  }
0x1c: {  	[tilespmem:s14+$0x2850] =	vst v0  }
0x1d: {  	[tilespmem:s14+$0x2860] =	vst v0;
	s14 =	smov.u32 s7;
	s15 =	smov.u32 s4  }
.LBB2_4:
0x1e: {  	p0 =	sne.s32 s15, $0x1  }
.Ltmp1:
0x1f: {  	_ = 	snop;
	(pc) =	sbr.rel @p0 .LBB2_4-.Ltmp1, $4  }
0x20: {  	[spmem:s14] =	stream.linear.scatter [tilespmem:s9], [sflag:$0x2], $0x2800, $0x38;
	[tilespmem:$0x1A0C0] =	vst v63  }
0x21: {  	_ =	swait.ge [sflag:s10], $0x2800  }
0x22: {  	[sflag:s10] =	ssyncset.done $0x0  }
0x23: {  	s14 =	sadd.s32 $0x28000, s14;
	s15 =	sadd.s32 $0xFFFFFFFF, s15;
	[sflag:s10] =	ssyncadd.s32 $0xFFFFD800  }
0x24: {  	s14 =	simm.s32 $0x0;
	s15 =	simm.s32 $0x200  }
.LBB2_6:
0x25: {  	p0 =	sne.s32 s15, $0xFE00;
	[tilespmem:s14+$0x2870] =	vst v1  }
0x26: {  	[tilespmem:s14+$0x2800] =	vst v1  }
0x27: {  	[tilespmem:s14+$0x2810] =	vst v1  }
.Ltmp2:
0x28: {  	[tilespmem:s14+$0x2820] =	vst v1;
	(pc) =	sbr.rel @p0 .LBB2_6-.Ltmp2, $4  }
0x29: {  	[tilespmem:s14+$0x2830] =	vst v1  }
0x2a: {  	[tilespmem:s14+$0x2840] =	vst v1  }
0x2b: {  	[tilespmem:s14+$0x2850] =	vst v1  }
0x2c: {  	[tilespmem:s14+$0x2860] =	vst v1;
	s14 =	sshra.s32 s15, $0x2;
	s15 =	sadd.s32 $0x200, s15  }
0x2d: {  	[tilespmem:s14+$0x2870] =	vst v1  }
0x2e: {  	[tilespmem:s14+$0x2800] =	vst v1  }
0x2f: {  	[tilespmem:s14+$0x2810] =	vst v1  }
0x30: {  	[tilespmem:s14+$0x2820] =	vst v1  }
0x31: {  	[tilespmem:s14+$0x2830] =	vst v1  }
0x32: {  	[tilespmem:s14+$0x2840] =	vst v1  }
0x33: {  	[tilespmem:s14+$0x2850] =	vst v1  }
0x34: {  	[tilespmem:s14+$0x2860] =	vst v1  }
0x35: {  	[tilespmem:s3], [sflag:$0x1] =	stream.linear.gather [hbm4b:s5+s3], $0x2800, $0x38;
	[tilespmem:$0x1A0C0] =	vst v63  }
0x36: {  	_ =	swait.ge [sflag:s11], $0x2800  }
0x37: {  	[sflag:s11] =	ssyncset.done $0x0  }
0x38: {  	s14 =	simm.s32 $0x70;
	[sflag:s11] =	ssyncadd.s32 $0xFFFFD800  }
0x39: {  	v4 =	vld [tilespmem:s14+$0xFFFFFF90]  }
0x3a: {  	v6 =	vld [tilespmem:s14+$0xFFFFFFA0]  }
0x3b: {  	v5 =	vld [tilespmem:s14+$0xFFFFFFB0]  }
0x3c: {  	v3 =	vld [tilespmem:s14+$0xFFFFFFC0]  }
0x3d: {  	v2 =	vld [tilespmem:s14+$0xFFFFFFD0]  }
0x3e: {  	s15 =	simm.s32 $0x3C0;
	v7 =	vshrl.u32 v4, $0x10;
	v4 =	vld [tilespmem:s14+$0xFFFFFFE0]  }
.LBB2_8:
0x3f: {  	p0 =	sne.s32 s15, $0x9FC0;
	[tilespmem:s14+$0xFFFFFF90] =	vst v7;
	v6 =	vshrl.u32 v6, $0x10;
	v7 =	vld [tilespmem:s14+$0x0]  }
0x40: {  	s16 =	sshra.s32 s15, $0x2;
	[tilespmem:s14+$0xFFFFFFA0] =	vst v6;
	v5 =	vshrl.u32 v5, $0x10;
	v8 =	vld [tilespmem:s14+$0xFFFFFFF0]  }
0x41: {  	v9 =	vld [tilespmem:s16+$0xFFFFFF90];
	[tilespmem:s14+$0xFFFFFFB0] =	vst v5;
	v3 =	vshrl.u32 v3, $0x10  }
.Ltmp3:
0x42: {  	v6 =	vld [tilespmem:s16+$0xFFFFFFA0];
	[tilespmem:s14+$0xFFFFFFC0] =	vst v3;
	v2 =	vshrl.u32 v2, $0x10;
	(pc) =	sbr.rel @p0 .LBB2_8-.Ltmp3, $4  }
0x43: {  	v5 =	vld [tilespmem:s16+$0xFFFFFFB0];
	[tilespmem:s14+$0xFFFFFFD0] =	vst v2;
	v2 =	vshrl.u32 v4, $0x10  }
0x44: {  	v3 =	vld [tilespmem:s16+$0xFFFFFFC0];
	[tilespmem:s14+$0xFFFFFFE0] =	vst v2;
	v4 =	vshrl.u32 v7, $0x10  }
0x45: {  	v2 =	vld [tilespmem:s16+$0xFFFFFFD0];
	v8 =	vshrl.u32 v8, $0x10;
	[tilespmem:s14+$0x0] =	vst v4  }
0x46: {  	s15 =	sadd.s32 $0x200, s15;
	v7 =	vshrl.u32 v9, $0x10;
	v4 =	vld [tilespmem:s16+$0xFFFFFFE0];
	[tilespmem:s14+$0xFFFFFFF0] =	vst v8;
	s14 =	smov.u32 s16  }
0x47: {  	[tilespmem:s14+$0xFFFFFF90] =	vst v7;
	v6 =	vshrl.u32 v6, $0x10;
	v62 =	vld [tilespmem:s14+$0x0]  }
0x48: {  	v63 =	vld [tilespmem:s14+$0xFFFFFFF0];
	[tilespmem:s14+$0xFFFFFFA0] =	vst v6;
	v5 =	vshrl.u32 v5, $0x10  }
0x49: {  	[tilespmem:s14+$0xFFFFFFB0] =	vst v5;
	v3 =	vshrl.u32 v3, $0x10  }
0x4a: {  	[tilespmem:s14+$0xFFFFFFC0] =	vst v3;
	v2 =	vshrl.u32 v2, $0x10  }
0x4b: {  	[tilespmem:s14+$0xFFFFFFD0] =	vst v2;
	v2 =	vshrl.u32 v4, $0x10  }
0x4c: {  	[tilespmem:s14+$0xFFFFFFE0] =	vst v2;
	v2 =	vshrl.u32 v62, $0x10  }
0x4d: {  	v3 =	vshrl.u32 v63, $0x10;
	[tilespmem:s14+$0x0] =	vst v2  }
0x4e: {  	[tilespmem:s14+$0xFFFFFFF0] =	vst v3  }
0x4f: {  	s31 =	simm.s32 $0x0;
	[bflag:$0x0] =	sbarrier.arrive $0xFFFF  }
0x50: {  	[spmem:s2] =	stream.indirect.scatter.add.f32 [tilespmem:s9], [sflag:$0x2], $0x80, s31, s12, $0xb8;
	[tilespmem:$0x1A0C0] =	vst v63  }
0x51: {  	_ =	swait.ge [sflag:s10], $0x4000  }
0x52: {  	s14 =	simm.s32 $0x200;
	[sflag:s10] =	ssyncset.done $0x0  }
.LBB2_10:
0x53: {  	s15 =	sshra.s32 s14, $0x2;
	[sflag:s10] =	ssyncadd.s32 $0xFFFFC000;
	p0 =	sne.s32 s14, $0x9E00  }
0x54: {  	[spmem:s2] =	stream.indirect.scatter.add.f32 [tilespmem:s9], [sflag:$0x2], $0x80, s15, s12, $0xb8;
	[tilespmem:$0x1A0C0] =	vst v63  }
.Ltmp4:
0x55: {  	_ = 	snop;
	(pc) =	sbr.rel @p0 .LBB2_10-.Ltmp4, $4  }
0x56: {  	_ = 	snop  }
0x57: {  	s14 =	sadd.s32 $0x200, s14  }
0x58: {  	_ =	swait.ge [sflag:s10], $0x4000  }
0x59: {  	[sflag:s10] =	ssyncset.done $0x0  }
0x5a: {  	p0 =	sne.s32 s4, $0x1  }
.Ltmp5:
0x5b: {  	_ = 	snop;
	(pc) =	sbr.rel @!p0 .LBB2_13-.Ltmp5, $4  }
0x5c: {  	[sflag:s10] =	ssyncadd.s32 $0xFFFFC000;
	s14 =	sshll.u32 s0, $0x6;
	s15 =	sshrl.u32 s7, $0x3  }
0x5d: {  	s16 =	sadd.s32 $0x5000, s8;
	[bflag:$0x0] =	sbarrier.arrive $0xFFFF;
	s14 =	sor.u32 $0x1C02, s14  }
0x5e: {  	[hbm:s8], [sflag:s14] =	dma.local [spmem:s15], $0x500  }
0x5f: {  	s17 =	smov.u32 s7;
	s15 =	sadd.s32 $0xFFFFFFFF, s4;
	_ =	swait.ge [sflag:s10], $0x500  }
.LBB2_12:
0x60: {  	[sflag:s10] =	ssyncset.done $0x0;
	s17 =	sadd.s32 $0x28000, s17;
	p0 =	sne.s32 s15, $0x1  }
.Ltmp6:
0x61: {  	s18 =	sshrl.u32 s17, $0x3;
	[sflag:s10] =	ssyncadd.s32 $0xFFFFFB00;
	(pc) =	sbr.rel @p0 .LBB2_12-.Ltmp6, $3  }
0x62: {  	[hbm:s16], [sflag:s14] =	dma.local [spmem:s18], $0x500  }
0x63: {  	s15 =	sadd.s32 $0xFFFFFFFF, s15;
	_ =	sdelay $0x1  }
0x64: {  	s16 =	sadd.s32 $0x5000, s16;
	_ =	swait.ge [sflag:s10], $0x500  }
.LBB2_13:
0x65: {  	s13 =	sadd.s32 $0x1, s13  }
0x66: {  	p0 =	sne.s32 s13, s6  }
.Ltmp7:
0x67: {  	_ = 	snop;
	(pc) =	sbr.rel @p0 .LBB2_1-.Ltmp7, $3  }
0x68: {  	_ =	sdelay $0x1  }
0x69: {  	[sflag:s10] =	ssyncset.done $0x0  }
0x6a: {  	[sflag:s10] =	ssyncadd.s32 $0xFFFFFB00  }
0x6b: {  	_ =	sfence.sel $0x180000  }
0x6c: {  	[bflag:$0x0] =	sbarrier.arrive $0xFFFF  }
0x6d: {  	p0 =	sne.s32 s0, $0x0;
	_ =	strace $0x90000047  }
0x6e: {  	s0 =	sadd.s32 @!p0 $0x100000, s1;
	[bflag:$0x2] =	sbarrier.arrive $0xFFFF  }
0x6f: {  	[sflag:s0] =	ssyncadd.tile.s32 @!p0 $0x1;
	_ =	shalt  }
.Lfunc_end2:
_tile_overlayer_lowered:
.L_overlay_start_2:
0x70: {  	(tag) =	ssettag $0x2  }
0x71: {  	s0 =	rddreg [dreg:$0x0];
	s2 =	stileid.u32  }
0x72: {  	s1 =	rddreg [dreg:$0x1];
	p0 =	sne.s32 s2, $0x0  }
0x73: {  	s3 =	rddreg [dreg:$0x2];
	[bflag:$0x3] =	sbarrier.arrive $0xFFFF;
	s2 =	simm.s32 @!p0 $0x1C02  }
0x74: {  	[timem:s3], [sflag:s2] =	dma.local @!p0 [hbm:s0], s1  }
0x75: {  	s0 =	simm.s32 @!p0 $0x2  }
0x76: {  	_ =	swait.ge @!p0 [sflag:s0], s1  }
0x77: {  	s1 =	ssub.s32 @!p0 $0x0, s1;
	[sflag:s0] =	ssyncset.done @!p0 $0x0  }
0x78: {  	[sflag:s0] =	ssyncadd.s32 @!p0 s1  }
0x79: {  	[bflag:$0x3] =	sbarrier.arrive $0xFFFF  }
0x7a: {  	_ =	shalt  }

// kernel: kernel.14.cloned.1.call-start
scs
__scs_entry_jumppad:
0x0: {  	(pc) =	sbr.rel $0x88, $3  }
0x1: {  	(tag) =	ssettag $0x0;
	lr =	simm.s32 $0x1  }
0x2: {  	[smem:$0x3F91] =	sst lr;
	_ =	strace $0xD0000000  }
0x3: {  	_ = 	snop  }
0x4: {  	_ = 	snop  }
0x5: {  	_ = 	snop  }
0x6: {  	_ = 	snop  }
0x7: {  	_ = 	snop  }
__scs_overlays_trampoline_lowered:
0x8: {  	[smem:$0x3FA0] =	sst s0  }
0x9: {  	[smem:$0x3FA1] =	sst s1  }
0xa: {  	[smem:$0x3FA2] =	sst s2  }
0xb: {  	[smem:$0x3FA3] =	sst s3  }
0xc: {  	[smem:$0x3FA4] =	sst s4  }
0xd: {  	[smem:$0x3FA5] =	sst s5  }
0xe: {  	[smem:$0x3FA6] =	sst s6  }
0xf: {  	[smem:$0x3FA7] =	sst s7  }
0x10: {  	[smem:$0x3FA8] =	sst s8  }
0x11: {  	[smem:$0x3FA9] =	sst s9;
	s0 =	simm.s32 @!p0 $0x0  }
0x12: {  	s1 =	sld [smem:$0x3F8F];
	s0 =	simm.s32 @p0 $0x1  }
0x13: {  	[smem:$0x3FAA] =	sst s0;
	s0 =	simm.s32 @!p1 $0x0  }
0x14: {  	s2 =	sld [smem:$0x3F8E];
	s0 =	simm.s32 @p1 $0x1  }
0x15: {  	[smem:$0x3FAB] =	sst s0;
	s0 =	simm.s32 @!p2 $0x0  }
0x16: {  	s3 =	sld [smem:$0x3FDB];
	s0 =	simm.s32 @p2 $0x1  }
0x17: {  	s4 =	simm.s32 $0x1BF5;
	[smem:$0x3FAD] =	sst s0  }
0x18: {  	s0 =	sld [smem:$0x3F90];
	_ =	swait.ge [sflag:s4], $0x0  }
0x19: {  	s7 =	sld [smem:$0x3F91]  }
0x1a: {  	s8 =	sadd.s32 $0xFFFFE003, lr  }
0x1b: {  	s9 =	sadd.s32 $0xFFFFFEF7, lr;
	s5 =	simm.s32 $0xFFFFFFFF;
	p2 =	slt.u32 s8, $0xFFFFF086  }
0x1c: {  	p1 =	slt.u32 s9, $0xF7A;
	s5 =	simm.s32 @!p2 $0x0  }
0x1d: {  	s5 =	simm.s32 @p1 $0x1;
	p0 =	seq.s32 s7, s2  }
0x1e: {  	s7 =	smul.u32 @!p0 $0xF7A, s2;
	p2 =	seq.s32 @!p0 s5, $0x0  }
0x1f: {  	s9 =	smul.u32 $0xF7A, s1;
	s8 =	simm.s32 @!p0 $0x1BF5;
	p2 =	por !p2, p0  }
0x20: {  	[sflag:s8] =	ssyncset.s32 @!p0 $0xFFFFF086;
	s6 =	sadd.s32 @!p0 s3, s7;
	s7 =	simm.s32 @!p0 $0x108  }
0x21: {  	s3 =	sadd.s32 s3, s9;
	s6 =	sadd.s32 @!p0 $0x88, s6;
	s7 =	simm.s32 @p2 $0x1082  }
0x22: {  	[simem:s7], [sflag:s8] =	dma.local @!p0 [hbm:s6], $0xF7A  }
0x23: {  	s9 =	sor.u32 $0xD0000000, s2;
	s6 =	simm.s32 $0x108;
	_ =	swait.ge @!p0 [sflag:s8], $0x0  }
0x24: {  	s3 =	sadd.s32 $0x88, s3;
	s6 =	simm.s32 @!p1 $0x1082;
	[sflag:s4] =	ssyncset.s32 $0xFFFFF086  }
0x25: {  	[simem:s6], [sflag:s4] =	dma.local [hbm:s3], $0xF7A  }
0x26: {  	[smem:$0x3F91] =	sst s1;
	(tag) =	ssettag s2;
	_ =	strace s9  }
0x27: {  	s1 =	sld [smem:$0x3FA1]  }
0x28: {  	s2 =	sld [smem:$0x3FA2]  }
0x29: {  	s4 =	sld [smem:$0x3FA4]  }
0x2a: {  	p0 =	seq.s32 s5, $0x0;
	s5 =	sld [smem:$0x3FA5]  }
0x2b: {  	s6 =	sld [smem:$0x3FA6]  }
0x2c: {  	s7 =	sld [smem:$0x3FA7]  }
0x2d: {  	s3 =	simm.s32 $0x108;
	s8 =	sld [smem:$0x3FA8]  }
0x2e: {  	s3 =	simm.s32 @!p0 $0x1082;
	s9 =	sld [smem:$0x3FA9]  }
0x2f: {  	lr =	sadd.s32 s0, s3;
	s0 =	sld [smem:$0x3FA0]  }
0x30: {  	s3 =	sld [smem:$0x3FA3]  }
0x31: {  	[smem:$0x3FAC] =	sst s10  }
0x32: {  	s10 =	sld [smem:$0x3FAA];
	_ =	sdelay $0x3  }
0x33: {  	p0 =	seq.s32 s10, $0x1;
	s10 =	sld [smem:$0x3FAC];
	_ =	sdelay $0x3  }
0x34: {  	[smem:$0x3FAC] =	sst s10  }
0x35: {  	s10 =	sld [smem:$0x3FAB];
	_ =	sdelay $0x3  }
0x36: {  	p1 =	seq.s32 s10, $0x1;
	s10 =	sld [smem:$0x3FAC];
	_ =	sdelay $0x3  }
0x37: {  	[smem:$0x3FAC] =	sst s10  }
0x38: {  	s10 =	sld [smem:$0x3FAD]  }
0x39: {  	_ = 	snop;
	(pc) =	sbr.ind lr, $3  }
0x3a: {  	_ = 	snop  }
0x3b: {  	_ = 	snop  }
0x3c: {  	p2 =	seq.s32 s10, $0x1;
	s10 =	sld [smem:$0x3FAC]  }
0x3d: {  	_ =	shalt  }
0x3e: {  	_ =	shalt  }
0x3f: {  	_ =	shalt  }
0x40: {  	_ =	shalt  }
0x41: {  	_ =	shalt  }
0x42: {  	_ =	shalt  }
0x43: {  	_ =	shalt  }
0x44: {  	_ =	shalt  }
0x45: {  	_ =	shalt  }
0x46: {  	_ =	shalt  }
0x47: {  	_ =	shalt  }
0x48: {  	_ =	shalt  }
0x49: {  	_ =	shalt  }
0x4a: {  	_ =	shalt  }
0x4b: {  	_ =	shalt  }
0x4c: {  	_ =	shalt  }
0x4d: {  	_ =	shalt  }
0x4e: {  	_ =	shalt  }
0x4f: {  	_ =	shalt  }
0x50: {  	_ =	shalt  }
0x51: {  	_ =	shalt  }
0x52: {  	_ =	shalt  }
0x53: {  	_ =	shalt  }
0x54: {  	_ =	shalt  }
0x55: {  	_ =	shalt  }
0x56: {  	_ =	shalt  }
0x57: {  	_ =	shalt  }
0x58: {  	_ =	shalt  }
0x59: {  	_ =	shalt  }
0x5a: {  	_ =	shalt  }
0x5b: {  	_ =	shalt  }
0x5c: {  	_ =	shalt  }
0x5d: {  	_ =	shalt  }
0x5e: {  	_ =	shalt  }
0x5f: {  	_ =	shalt  }
0x60: {  	_ =	shalt  }
0x61: {  	_ =	shalt  }
0x62: {  	_ =	shalt  }
0x63: {  	_ =	shalt  }
0x64: {  	_ =	shalt  }
0x65: {  	_ =	shalt  }
0x66: {  	_ =	shalt  }
0x67: {  	_ =	shalt  }
0x68: {  	_ =	shalt  }
0x69: {  	_ =	shalt  }
0x6a: {  	_ =	shalt  }
0x6b: {  	_ =	shalt  }
0x6c: {  	_ =	shalt  }
0x6d: {  	_ =	shalt  }
0x6e: {  	_ =	shalt  }
0x6f: {  	_ =	shalt  }
0x70: {  	_ =	shalt  }
0x71: {  	_ =	shalt  }
0x72: {  	_ =	shalt  }
0x73: {  	_ =	shalt  }
0x74: {  	_ =	shalt  }
0x75: {  	_ =	shalt  }
0x76: {  	_ =	shalt  }
0x77: {  	_ =	shalt  }
0x78: {  	_ =	shalt  }
0x79: {  	_ =	shalt  }
0x7a: {  	_ =	shalt  }
0x7b: {  	_ =	shalt  }
0x7c: {  	_ =	shalt  }
0x7d: {  	_ =	shalt  }
0x7e: {  	_ =	shalt  }
0x7f: {  	_ =	shalt  }
0x80: {  	_ =	shalt  }
0x81: {  	_ =	shalt  }
0x82: {  	_ =	shalt  }
0x83: {  	_ =	shalt  }
0x84: {  	_ =	shalt  }
0x85: {  	_ =	shalt  }
0x86: {  	_ =	shalt  }
0x87: {  	_ =	shalt  }
.Lfunc_end0:
.L_simem_size_0:
called_computation.1_lowered:
.L_overlay_start_0:
0x88: {  	s2 =	sld [smem:$0x3FD9]  }
0x89: {  	s3 =	sld [smem:$0x3FFE];
	_ =	sdelay $0x1  }
0x8a: {  	s1 =	srdreg.scid  }
0x8b: {  	s0 =	sand.u32 $0x1, s1  }
0x8c: {  	s16 =	sshll.u32 s0, $0xA;
	s2 =	sadd.s32 s3, s2  }
0x8d: {  	s2 =	sadd.s32 s2, s16  }
0x8e: {  	[smem:$0x3FB8] =	sst s2  }
0x8f: {  	_ = 	snop  }
0x90: {  	(tm) =	ssettm $0x1  }
0x91: {  	s17 =	sld [smem:$0x3FFB];
	_ =	sdelay $0x3  }
0x92: {  	_ =	strace s17  }
0x93: {  	s2 =	sld [smem:$0x3FFC];
	_ =	sdelay $0x3  }
0x94: {  	_ =	strace s2  }
0x95: {  	s2 =	sld [smem:$0x3FFD];
	_ =	sdelay $0x3  }
0x96: {  	_ =	strace s2  }
0x97: {  	_ =	strace $0x8FFFFFFF  }
0x98: {  	s18 =	sld [smem:$0x3FDB];
	_ =	sdelay $0x1  }
0x99: {  	s19 =	simm.s32 $_scs_section_size  }
0x9a: {  	s4 =	simm.s32 $_size__tile_overlayer_lowered;
	s5 =	simm.s32 $_tile_overlayer_lowered  }
0x9b: {  	s22 =	simm.s32 $0x1BFF;
	s21 =	sshll.u32 s5, $0x1;
	s2 =	sadd.s32 s19, s18  }
0x9c: {  	s6 =	simm.s32 $0x0;
	s20 =	sshll.u32 s4, $0x1;
	s4 =	sadd.s32 s21, s2  }
0x9d: {  	[timem:s6], [sflag:s22] =	dma.local [hbm:s4], s20  }
0x9e: {  	_ =	swait.ge [sflag:s22], s20  }
0x9f: {  	s3 =	ssub.s32 $0x0, s20;
	[sflag:s22] =	ssyncset.done $0x0  }
0xa0: {  	[sflag:s22] =	ssyncadd.s32 s3;
	_ =	sdelay $0x1  }
0xa1: {  	s23 =	simm.s32 $0x1B8B  }
0xa2: {  	_ =	swait.ge [sflag:s23], $0x1  }
0xa3: {  	[sflag:s23] =	ssyncset.done $0x0  }
0xa4: {  	s25 =	simm.s32 $0x1B8E;
	s24 =	sld [smem:$0x3FFE];
	[sflag:s23] =	ssyncadd.s32 $0xFFFFFFFF  }
0xa5: {  	s26 =	simm.s32 $execute0_lowered;
	[smem:$0x3FD2] =	sst s25  }
0xa6: {  	s4 =	sshll.u32 s26, $0x1;
	_ =	strace $0x80000049;
	[dreg:$0x1] =	wrdreg $0xFFFFFFFF  }
0xa7: {  	s28 =	simm.s32 $_size_execute0_lowered;
	s2 =	sadd.s32 s2, s4;
	[dreg:$0x0] =	wrdreg $0x0  }
0xa8: {  	s4 =	sshll.u32 s28, $0x1;
	[dreg:$0x2] =	wrdreg s2  }
0xa9: {  	[dreg:$0x3] =	wrdreg s4  }
0xaa: {  	[dreg:$0x4] =	wrdreg $0xC0  }
0xab: {  	_ =	task [dreg:s6], $0x5FFFF  }
0xac: {  	[dreg:$0x1] =	wrdreg $0xFFFFFFFF  }
0xad: {  	[dreg:$0x0] =	wrdreg $0x60  }
0xae: {  	[dreg:$0x2] =	wrdreg s24  }
0xaf: {  	[dreg:$0x3] =	wrdreg $0xA8000  }
0xb0: {  	[dreg:$0x4] =	wrdreg $0x9  }
0xb1: {  	_ =	task.clear_ibuf [dreg:s6], $0x5FFFF;
	_ =	strace $0x90000049  }
0xb2: {  	s29 =	simm.s32 $0x9;
	_ =	strace $0x8000004B  }
0xb3: {  	_ =	swait.ge [sflag:s29], $0x1  }
0xb4: {  	[sflag:s29] =	ssyncadd.s32 $0xFFFFFFFF  }
0xb5: {  	_ =	strace $0x9000004B  }
0xb6: {  	_ =	sfence  }
0xb7: {  	s30 =	sld [smem:$0x0];
	_ =	sdelay $0x2  }
0xb8: {  	s31 =	sshll.u32 s1, $0xD;
	s1 =	sshrl.u32 s1, $0x2  }
0xb9: {  	s3 =	sand.u32 $0x4000, s31;
	s1 =	sadd.s32 s1, s30  }
0xba: {  	s0 =	sor.u32 s3, s0;
	s1 =	sshll.u32 s1, $0x11  }
0xbb: {  	s0 =	sor.u32 s1, s0  }
0xbc: {  	s0 =	sadd.s32 $0x8F2B, s0  }
0xbd: {  	[sflag:s0] =	ssyncadd.remote.s32 $0x1  }
0xbe: {  	_ =	sfence.sel $0xFFFF  }
0xbf: {  	[dreg:$0x0] =	wrdreg $0xFFFFFFFF;
	(pc) =	sbr.abs _section_cstart, $3  }
0xc0: {  	[dreg:$0x1] =	wrdreg $0xFFFFFFFF  }
0xc1: {  	_ =	task.clear_ibuf [dreg:s6], $0x2FFFF;
	_ =	strace $0x9FFFFFFF  }
0xc2: {  	(tm) =	ssettm $0x7FFFFFFF  }
0xc3: {  	_ =	shalt  }
tec
execute0_lowered:
.L_overlay_start_1:
0x0: {  	(tag) =	ssettag $0x1  }
0x1: {  	s6 =	rddreg [dreg:$0x0]  }
0x2: {  	s2 =	rddreg [dreg:$0x1]  }
0x3: {  	s0 =	srdreg.scid;
	s1 =	rddreg [dreg:$0x2];
	s3 =	simm.s32 $0x0  }
0x4: {  	s12 =	simm.s32 $0x4;
	s13 =	simm.s32 $0x1;
	s14 =	simm.s32 $0x80  }
0x5: {  	s15 =	simm.s32 $0x6800;
	s16 =	simm.s32 $0x2;
	s17 =	simm.s32 $0x3  }
0x6: {  	s18 =	simm.s32 $0x2700;
	s7 =	sand.u32 $0x1, s0;
	s0 =	stileid.u32  }
0x7: {  	s19 =	simm.s32 $0x2780;
	[smem:$0x7FF] =	sst s3;
	s4 =	smul.u32 $0x138800, s7  }
0x8: {  	s5 =	smul.u32 $0x2800, s0;
	_ =	strace $0x8000004A;
	s28 =	ssub.s32 $0x2, s7  }
0x9: {  	s9 =	sshll.u32 s0, $0x1;
	s11 =	smul.u32 $0xA000, s0;
	s30 =	ssub.s32 $0x8C, s0  }
0xa: {  	s29 =	sshrl.u32 s28, $0x1;
	s7 =	sor.u32 s7, s9;
	s5 =	sadd.s32 s5, s4  }
0xb: {  	s4 =	sadd.s32 $0x59400, s6;
	s7 =	smul.u32 $0x2800, s7;
	s31 =	sshrl.u32 s11, $0x2  }
0xc: {  	s11 =	simm.s32 $0x2800;
	s8 =	sshrl.u32 s5, $0x3;
	s5 =	sadd.s32 $0x1200, s6  }
0xd: {  	s9 =	sadd.s32 s31, s2;
	s10 =	sadd.s32 s8, s6;
	s8 =	ssub.s32 s28, s29  }
0xe: {  	v0 =	vimm.f32 $0.0e+00;
	s6 =	sshrl.u32 s30, $0x4;
	s8 =	smax.u32 s8, $0x1;
	s10 =	sadd.s32 $0xB200, s10  }
.LBB2_1:
0xf: {  	s20 =	simm.s32 $0x0;
	s21 =	simm.s32 $0x200  }
.LBB2_2:
0x10: {  	p0 =	sne.s32 s21, $0xFE00;
	[tilespmem:s20+$0x2870] =	vst v0  }
0x11: {  	[tilespmem:s20+$0x2800] =	vst v0  }
0x12: {  	[tilespmem:s20+$0x2810] =	vst v0  }
.Ltmp0:
0x13: {  	[tilespmem:s20+$0x2820] =	vst v0;
	(pc) =	sbr.rel @p0 .LBB2_2-.Ltmp0, $4  }
0x14: {  	[tilespmem:s20+$0x2830] =	vst v0  }
0x15: {  	[tilespmem:s20+$0x2840] =	vst v0  }
0x16: {  	[tilespmem:s20+$0x2850] =	vst v0  }
0x17: {  	[tilespmem:s20+$0x2860] =	vst v0;
	s20 =	sshra.s32 s21, $0x2;
	s21 =	sadd.s32 $0x200, s21  }
0x18: {  	[tilespmem:s20+$0x2870] =	vst v0  }
0x19: {  	[tilespmem:s20+$0x2800] =	vst v0  }
0x1a: {  	[tilespmem:s20+$0x2810] =	vst v0  }
0x1b: {  	[tilespmem:s20+$0x2820] =	vst v0  }
0x1c: {  	[tilespmem:s20+$0x2830] =	vst v0  }
0x1d: {  	[tilespmem:s20+$0x2840] =	vst v0;
	p0 =	sne.s32 s6, $0x1  }
.Ltmp1:
0x1e: {  	[tilespmem:s20+$0x2850] =	vst v0;
	(pc) =	sbr.rel @!p0 .LBB2_5-.Ltmp1, $4  }
0x1f: {  	[tilespmem:s20+$0x2860] =	vst v0  }
0x20: {  	[spmem:s9] =	stream.linear.scatter [tilespmem:s11], [sflag:$0x4], $0x2800, $0x38;
	[tilespmem:$0x1E0C0] =	vst v63  }
0x21: {  	_ =	swait.ge [sflag:s12], $0x2800  }
0x22: {  	s20 =	sadd.s32 $0xFFFFFFFF, s6;
	s21 =	smov.u32 s9;
	[sflag:s12] =	ssyncset.done $0x0  }
.LBB2_4:
0x23: {  	p1 =	sne.s32 s20, $0x1;
	[sflag:s12] =	ssyncadd.s32 $0xFFFFD800;
	s21 =	sadd.s32 $0x28000, s21  }
.Ltmp2:
0x24: {  	s20 =	sadd.s32 $0xFFFFFFFF, s20;
	(pc) =	sbr.rel @p1 .LBB2_4-.Ltmp2, $4  }
0x25: {  	_ = 	snop  }
0x26: {  	[spmem:s21] =	stream.linear.scatter [tilespmem:s11], [sflag:$0x4], $0x2800, $0x38;
	[tilespmem:$0x1E0C0] =	vst v63  }
0x27: {  	_ =	swait.ge [sflag:s12], $0x2800  }
0x28: {  	[sflag:s12] =	ssyncset.done $0x0  }
.LBB2_5:
0x29: {  	[sflag:s12] =	ssyncadd.s32 $0xFFFFD800;
	s20 =	simm.s32 $0x0  }
0x2a: {  	p2 =	por $0x1, $0x1;
	s21 =	simm.s32 $0x0;
	[bflag:$0x0] =	sbarrier.arrive $0xFFFF  }
.LBB2_6:
0x2b: {  	s21 =	sadd.s32 s7, s21  }
0x2c: {  	s21 =	sshrl.u32 s21, $0x3  }
0x2d: {  	s21 =	sadd.s32 s5, s21  }
0x2e: {  	[tilespmem:s20], [sflag:$0x1] =	stream.linear.gather [hbm4b:s21+s20], $0x1400, $0x38;
	[tilespmem:$0x1E0C0] =	vst v63  }
0x2f: {  	_ =	swait.ge [sflag:s13], $0x1400  }
0x30: {  	[sflag:s13] =	ssyncset.done $0x0  }
0x31: {  	s21 =	simm.s32 $0x0;
	[sflag:s13] =	ssyncadd.s32 $0xFFFFEC00  }
0x32: {  	v1 =	vld [tilespmem:s21+$0x0]  }
0x33: {  	v5 =	vld [tilespmem:s21+$0x10]  }
0x34: {  	v6 =	vld [tilespmem:s21+$0x20]  }
0x35: {  	v4 =	vld [tilespmem:s21+$0x30]  }
0x36: {  	v2 =	vld [tilespmem:s21+$0x40]  }
0x37: {  	v3 =	vld [tilespmem:s21+$0x50];
	v7 =	vand.u32 $0xFFFF, v1  }
0x38: {  	p1 =	por p2, p2;
	s22 =	simm.s32 $0x200;
	v1 =	vshrl.u32 v1, $0x10;
	v8 =	vand.u32 $0xFFFF, v5;
	v5 =	vshrl.u32 v5, $0x10;
	[tilespmem:s21+$0x0] =	vst v7;
	v7 =	vld [tilespmem:s21+$0x60]  }
.LBB2_7:
0x39: {  	p2 =	sne.s32 s22, $0x4E00;
	[tilespmem:s21+$0x10] =	vst v8;
	v8 =	vand.u32 $0xFFFF, v6;
	v6 =	vshrl.u32 v6, $0x10;
	v9 =	vld [tilespmem:s21+$0x70]  }
0x3a: {  	[tilespmem:s21+$0x20] =	vst v8;
	v8 =	vand.u32 $0xFFFF, v4;
	v4 =	vshrl.u32 v4, $0x10  }
0x3b: {  	[tilespmem:s21+$0x30] =	vst v8;
	v8 =	vand.u32 $0xFFFF, v2;
	v2 =	vshrl.u32 v2, $0x10  }
0x3c: {  	[tilespmem:s21+$0x40] =	vst v8;
	v8 =	vand.u32 $0xFFFF, v3;
	v3 =	vshrl.u32 v3, $0x10  }
0x3d: {  	[tilespmem:s21+$0x50] =	vst v8;
	v8 =	vand.u32 $0xFFFF, v7;
	v7 =	vshrl.u32 v7, $0x10  }
0x3e: {  	[tilespmem:s21+$0x60] =	vst v8;
	v8 =	vand.u32 $0xFFFF, v9;
	v9 =	vshrl.u32 v9, $0x10  }
0x3f: {  	[tilespmem:s21+$0x70] =	vst v8  }
0x40: {  	[tilespmem:s21+$0x1400] =	vst v1  }
0x41: {  	s23 =	sshra.s32 s22, $0x2;
	[tilespmem:s21+$0x1410] =	vst v5  }
0x42: {  	v1 =	vld [tilespmem:s23+$0x0];
	[tilespmem:s21+$0x1420] =	vst v6  }
0x43: {  	v5 =	vld [tilespmem:s23+$0x10];
	[tilespmem:s21+$0x1430] =	vst v4  }
.Ltmp3:
0x44: {  	v6 =	vld [tilespmem:s23+$0x20];
	[tilespmem:s21+$0x1440] =	vst v2;
	(pc) =	sbr.rel @p2 .LBB2_7-.Ltmp3, $4  }
0x45: {  	v4 =	vld [tilespmem:s23+$0x30];
	[tilespmem:s21+$0x1450] =	vst v3  }
0x46: {  	v2 =	vld [tilespmem:s23+$0x40];
	[tilespmem:s21+$0x1460] =	vst v7  }
0x47: {  	v7 =	vand.u32 $0xFFFF, v1;
	v1 =	vshrl.u32 v1, $0x10;
	v3 =	vld [tilespmem:s23+$0x50];
	[tilespmem:s21+$0x1470] =	vst v9;
	s21 =	smov.u32 s23  }
0x48: {  	s22 =	sadd.s32 $0x200, s22;
	[tilespmem:s21+$0x0] =	vst v7;
	v8 =	vand.u32 $0xFFFF, v5;
	v5 =	vshrl.u32 v5, $0x10;
	v7 =	vld [tilespmem:s21+$0x60]  }
0x49: {  	[tilespmem:s21+$0x10] =	vst v8  }
0x4a: {  	[tilespmem:s21+$0x1400] =	vst v1  }
0x4b: {  	v57 =	vand.u32 $0xFFFF, v6;
	[tilespmem:s21+$0x1410] =	vst v5  }
0x4c: {  	v1 =	vshrl.u32 v6, $0x10;
	[tilespmem:s21+$0x20] =	vst v57  }
0x4d: {  	v58 =	vand.u32 $0xFFFF, v4;
	[tilespmem:s21+$0x1420] =	vst v1  }
0x4e: {  	v63 =	vshrl.u32 v4, $0x10;
	[tilespmem:s21+$0x30] =	vst v58  }
0x4f: {  	v59 =	vand.u32 $0xFFFF, v2;
	[tilespmem:s21+$0x1430] =	vst v63  }
0x50: {  	v9 =	vld [tilespmem:s21+$0x70];
	v1 =	vshrl.u32 v2, $0x10;
	[tilespmem:s21+$0x40] =	vst v59  }
0x51: {  	v60 =	vand.u32 $0xFFFF, v3;
	[tilespmem:s21+$0x1440] =	vst v1  }
0x52: {  	v2 =	vshrl.u32 v3, $0x10;
	[tilespmem:s21+$0x50] =	vst v60  }
0x53: {  	v61 =	vand.u32 $0xFFFF, v7;
	[tilespmem:s21+$0x1450] =	vst v2  }
0x54: {  	v1 =	vshrl.u32 v7, $0x10;
	[tilespmem:s21+$0x60] =	vst v61  }
0x55: {  	v62 =	vand.u32 $0xFFFF, v9;
	[tilespmem:s21+$0x1460] =	vst v1  }
0x56: {  	v2 =	vshrl.u32 v9, $0x10;
	[tilespmem:s21+$0x70] =	vst v62  }
0x57: {  	s28 =	simm.s32 $0x0;
	[tilespmem:s21+$0x1470] =	vst v2  }
0x58: {  	[tilespmem:s11], [sflag:$0x2] =	stream.indirect.gather [hbm4b:s4+s14], $0x80, s28, s14, $0xb8;
	[tilespmem:$0x1E0C0] =	vst v63  }
0x59: {  	_ = 	snop  }
0x5a: {  	[tilespmem:s15], [sflag:$0x3] =	stream.indirect.gather [hbm4b:s4+s14], $0x80, s14, s14, $0xb8;
	[tilespmem:$0x1E0C0] =	vst v63  }
0x5b: {  	_ =	swait.ge [sflag:s16], $0x4000  }
0x5c: {  	[sflag:s16] =	ssyncset.done $0x0  }
0x5d: {  	s29 =	simm.s32 $0x1400;
	[sflag:s16] =	ssyncadd.s32 $0xFFFFC000  }
0x5e: {  	[spmem:s2] =	stream.indirect.scatter.add.f32 [tilespmem:s11], [sflag:$0x4], $0x80, s29, s14, $0xb8;
	[tilespmem:$0x1E0C0] =	vst v63  }
0x5f: {  	_ =	swait.ge [sflag:s12], $0x4000  }
0x60: {  	[sflag:s12] =	ssyncset.done $0x0  }
0x61: {  	s30 =	simm.s32 $0x100;
	[sflag:s12] =	ssyncadd.s32 $0xFFFFC000  }
0x62: {  	[tilespmem:s11], [sflag:$0x2] =	stream.indirect.gather [hbm4b:s4+s14], $0x80, s30, s14, $0xb8;
	[tilespmem:$0x1E0C0] =	vst v63  }
0x63: {  	_ =	swait.ge [sflag:s17], $0x4000  }
0x64: {  	[sflag:s17] =	ssyncset.done $0x0  }
0x65: {  	s31 =	simm.s32 $0x1480;
	[sflag:s17] =	ssyncadd.s32 $0xFFFFC000  }
0x66: {  	[spmem:s2] =	stream.indirect.scatter.add.f32 [tilespmem:s15], [sflag:$0x4], $0x80, s31, s14, $0xb8;
	[tilespmem:$0x1E0C0] =	vst v63  }
0x67: {  	_ =	swait.ge [sflag:s12], $0x4000  }
0x68: {  	[sflag:s12] =	ssyncset.done $0x0  }
0x69: {  	s22 =	simm.s32 $0x180;
	s21 =	simm.s32 $0x400;
	[sflag:s12] =	ssyncadd.s32 $0xFFFFC000  }
.LBB2_9:
0x6a: {  	[tilespmem:s15], [sflag:$0x3] =	stream.indirect.gather [hbm4b:s4+s14], $0x80, s22, s14, $0xb8;
	[tilespmem:$0x1E0C0] =	vst v63  }
0x6b: {  	s22 =	smov.u32 s21  }
0x6c: {  	p2 =	sne.s32 s21, $0x4800;
	s21 =	sadd.s32 $0x400, s21;
	_ =	swait.ge [sflag:s16], $0x4000  }
0x6d: {  	s22 =	sshra.s32 s22, $0x2;
	[sflag:s16] =	ssyncset.done $0x0  }
0x6e: {  	s23 =	sadd.s32 $0x1400, s22;
	[sflag:s16] =	ssyncadd.s32 $0xFFFFC000  }
0x6f: {  	[spmem:s2] =	stream.indirect.scatter.add.f32 [tilespmem:s11], [sflag:$0x4], $0x80, s23, s14, $0xb8;
	[tilespmem:$0x1E0C0] =	vst v63  }
0x70: {  	_ =	swait.ge [sflag:s12], $0x4000  }
0x71: {  	[sflag:s12] =	ssyncset.done $0x0  }
0x72: {  	s23 =	sadd.s32 $0x100, s22;
	[sflag:s12] =	ssyncadd.s32 $0xFFFFC000  }
0x73: {  	[tilespmem:s11], [sflag:$0x2] =	stream.indirect.gather [hbm4b:s4+s14], $0x80, s23, s14, $0xb8;
	[tilespmem:$0x1E0C0] =	vst v63  }
0x74: {  	_ =	swait.ge [sflag:s17], $0x4000  }
0x75: {  	[sflag:s17] =	ssyncset.done $0x0  }
.Ltmp4:
0x76: {  	s23 =	sadd.s32 $0x1480, s22;
	[sflag:s17] =	ssyncadd.s32 $0xFFFFC000;
	(pc) =	sbr.rel @p2 .LBB2_9-.Ltmp4, $4  }
0x77: {  	[spmem:s2] =	stream.indirect.scatter.add.f32 [tilespmem:s15], [sflag:$0x4], $0x80, s23, s14, $0xb8;
	[tilespmem:$0x1E0C0] =	vst v63  }
0x78: {  	_ =	swait.ge [sflag:s12], $0x4000  }
0x79: {  	[sflag:s12] =	ssyncset.done $0x0  }
0x7a: {  	s22 =	sadd.s32 $0x180, s22;
	[sflag:s12] =	ssyncadd.s32 $0xFFFFC000  }
0x7b: {  	[tilespmem:s15], [sflag:$0x3] =	stream.indirect.gather [hbm4b:s4+s14], $0x80, s22, s14, $0xb8;
	[tilespmem:$0x1E0C0] =	vst v63  }
0x7c: {  	_ =	swait.ge [sflag:s16], $0x4000  }
0x7d: {  	[sflag:s16] =	ssyncset.done $0x0  }
0x7e: {  	[sflag:s16] =	ssyncadd.s32 $0xFFFFC000  }
0x7f: {  	[spmem:s2] =	stream.indirect.scatter.add.f32 [tilespmem:s11], [sflag:$0x4], $0x80, s18, s14, $0xb8;
	[tilespmem:$0x1E0C0] =	vst v63  }
0x80: {  	_ =	swait.ge [sflag:s12], $0x4000  }
0x81: {  	[sflag:s12] =	ssyncset.done $0x0  }
0x82: {  	[sflag:s12] =	ssyncadd.s32 $0xFFFFC000  }
0x83: {  	_ =	swait.ge [sflag:s17], $0x4000  }
0x84: {  	[sflag:s17] =	ssyncset.done $0x0  }
.Ltmp5:
0x85: {  	[sflag:s17] =	ssyncadd.s32 $0xFFFFC000;
	(pc) =	sbr.rel @p1 .LBB2_6-.Ltmp5, $4  }
0x86: {  	[spmem:s2] =	stream.indirect.scatter.add.f32 [tilespmem:s15], [sflag:$0x4], $0x80, s19, s14, $0xb8;
	[tilespmem:$0x1E0C0] =	vst v63  }
0x87: {  	_ =	swait.ge [sflag:s12], $0x4000  }
0x88: {  	[sflag:s12] =	ssyncset.done $0x0  }
0x89: {  	s21 =	simm.s32 $0x1400;
	p2 =	por $0x0, $0x0;
	[sflag:s12] =	ssyncadd.s32 $0xFFFFC000  }
.Ltmp6:
0x8a: {  	(pc) =	sbr.rel @!p0 .LBB2_13-.Ltmp6, $4  }
0x8b: {  	s20 =	sshll.u32 s0, $0x6;
	[bflag:$0x0] =	sbarrier.arrive $0xFFFF  }
0x8c: {  	s21 =	sshrl.u32 s9, $0x3;
	s22 =	sadd.s32 $0x5000, s10;
	s20 =	sor.u32 $0x1C04, s20  }
0x8d: {  	[hbm:s10], [sflag:s20] =	dma.local [spmem:s21], $0x500  }
0x8e: {  	s23 =	smov.u32 s9;
	s21 =	sadd.s32 $0xFFFFFFFF, s6;
	_ =	swait.ge [sflag:s12], $0x500  }
.LBB2_12:
0x8f: {  	[sflag:s12] =	ssyncset.done $0x0;
	s23 =	sadd.s32 $0x28000, s23;
	p0 =	sne.s32 s21, $0x1  }
.Ltmp7:
0x90: {  	s24 =	sshrl.u32 s23, $0x3;
	[sflag:s12] =	ssyncadd.s32 $0xFFFFFB00;
	(pc) =	sbr.rel @p0 .LBB2_12-.Ltmp7, $3  }
0x91: {  	[hbm:s22], [sflag:s20] =	dma.local [spmem:s24], $0x500  }
0x92: {  	s21 =	sadd.s32 $0xFFFFFFFF, s21;
	_ =	sdelay $0x1  }
0x93: {  	s22 =	sadd.s32 $0x5000, s22;
	_ =	swait.ge [sflag:s12], $0x500  }
.LBB2_13:
0x94: {  	s3 =	sadd.s32 $0x1, s3  }
0x95: {  	p0 =	sne.s32 s3, s8  }
.Ltmp8:
0x96: {  	_ = 	snop;
	(pc) =	sbr.rel @p0 .LBB2_1-.Ltmp8, $3  }
0x97: {  	_ =	sdelay $0x1  }
0x98: {  	[sflag:s12] =	ssyncset.done $0x0  }
0x99: {  	[sflag:s12] =	ssyncadd.s32 $0xFFFFFB00  }
0x9a: {  	_ =	sfence.sel $0x180000  }
0x9b: {  	[bflag:$0x0] =	sbarrier.arrive $0xFFFF  }
0x9c: {  	p0 =	sne.s32 s0, $0x0;
	_ =	strace $0x9000004A  }
0x9d: {  	s0 =	sadd.s32 @!p0 $0x100000, s1;
	[bflag:$0x2] =	sbarrier.arrive $0xFFFF  }
0x9e: {  	[sflag:s0] =	ssyncadd.tile.s32 @!p0 $0x1;
	_ =	shalt  }
.Lfunc_end2:
_tile_overlayer_lowered:
.L_overlay_start_2:
0x9f: {  	(tag) =	ssettag $0x2  }
0xa0: {  	s0 =	rddreg [dreg:$0x0];
	s2 =	stileid.u32  }
0xa1: {  	s1 =	rddreg [dreg:$0x1];
	p0 =	sne.s32 s2, $0x0  }
0xa2: {  	s3 =	rddreg [dreg:$0x2];
	[bflag:$0x3] =	sbarrier.arrive $0xFFFF;
	s2 =	simm.s32 @!p0 $0x1C04  }
0xa3: {  	[timem:s3], [sflag:s2] =	dma.local @!p0 [hbm:s0], s1  }
0xa4: {  	s0 =	simm.s32 @!p0 $0x4  }
0xa5: {  	_ =	swait.ge @!p0 [sflag:s0], s1  }
0xa6: {  	s1 =	ssub.s32 @!p0 $0x0, s1;
	[sflag:s0] =	ssyncset.done @!p0 $0x0  }
0xa7: {  	[sflag:s0] =	ssyncadd.s32 @!p0 s1  }
0xa8: {  	[bflag:$0x3] =	sbarrier.arrive $0xFFFF  }
0xa9: {  	_ =	shalt  }

// kernel: kernel.17.cloned.1.call-start
scs
__scs_entry_jumppad:
0x0: {  	(pc) =	sbr.rel $0x88, $3  }
0x1: {  	(tag) =	ssettag $0x0;
	lr =	simm.s32 $0x1  }
0x2: {  	[smem:$0x3F91] =	sst lr;
	_ =	strace $0xD0000000  }
0x3: {  	_ = 	snop  }
0x4: {  	_ = 	snop  }
0x5: {  	_ = 	snop  }
0x6: {  	_ = 	snop  }
0x7: {  	_ = 	snop  }
__scs_overlays_trampoline_lowered:
0x8: {  	[smem:$0x3FA0] =	sst s0  }
0x9: {  	[smem:$0x3FA1] =	sst s1  }
0xa: {  	[smem:$0x3FA2] =	sst s2  }
0xb: {  	[smem:$0x3FA3] =	sst s3  }
0xc: {  	[smem:$0x3FA4] =	sst s4  }
0xd: {  	[smem:$0x3FA5] =	sst s5  }
0xe: {  	[smem:$0x3FA6] =	sst s6  }
0xf: {  	[smem:$0x3FA7] =	sst s7  }
0x10: {  	[smem:$0x3FA8] =	sst s8  }
0x11: {  	[smem:$0x3FA9] =	sst s9;
	s0 =	simm.s32 @!p0 $0x0  }
0x12: {  	s1 =	sld [smem:$0x3F8F];
	s0 =	simm.s32 @p0 $0x1  }
0x13: {  	[smem:$0x3FAA] =	sst s0;
	s0 =	simm.s32 @!p1 $0x0  }
0x14: {  	s2 =	sld [smem:$0x3F8E];
	s0 =	simm.s32 @p1 $0x1  }
0x15: {  	[smem:$0x3FAB] =	sst s0;
	s0 =	simm.s32 @!p2 $0x0  }
0x16: {  	s3 =	sld [smem:$0x3FDB];
	s0 =	simm.s32 @p2 $0x1  }
0x17: {  	s4 =	simm.s32 $0x1BF5;
	[smem:$0x3FAD] =	sst s0  }
0x18: {  	s0 =	sld [smem:$0x3F90];
	_ =	swait.ge [sflag:s4], $0x0  }
0x19: {  	s7 =	sld [smem:$0x3F91]  }
0x1a: {  	s8 =	sadd.s32 $0xFFFFE003, lr  }
0x1b: {  	s9 =	sadd.s32 $0xFFFFFEF7, lr;
	s5 =	simm.s32 $0xFFFFFFFF;
	p2 =	slt.u32 s8, $0xFFFFF086  }
0x1c: {  	p1 =	slt.u32 s9, $0xF7A;
	s5 =	simm.s32 @!p2 $0x0  }
0x1d: {  	s5 =	simm.s32 @p1 $0x1;
	p0 =	seq.s32 s7, s2  }
0x1e: {  	s7 =	smul.u32 @!p0 $0xF7A, s2;
	p2 =	seq.s32 @!p0 s5, $0x0  }
0x1f: {  	s9 =	smul.u32 $0xF7A, s1;
	s8 =	simm.s32 @!p0 $0x1BF5;
	p2 =	por !p2, p0  }
0x20: {  	[sflag:s8] =	ssyncset.s32 @!p0 $0xFFFFF086;
	s6 =	sadd.s32 @!p0 s3, s7;
	s7 =	simm.s32 @!p0 $0x108  }
0x21: {  	s3 =	sadd.s32 s3, s9;
	s6 =	sadd.s32 @!p0 $0x88, s6;
	s7 =	simm.s32 @p2 $0x1082  }
0x22: {  	[simem:s7], [sflag:s8] =	dma.local @!p0 [hbm:s6], $0xF7A  }
0x23: {  	s9 =	sor.u32 $0xD0000000, s2;
	s6 =	simm.s32 $0x108;
	_ =	swait.ge @!p0 [sflag:s8], $0x0  }
0x24: {  	s3 =	sadd.s32 $0x88, s3;
	s6 =	simm.s32 @!p1 $0x1082;
	[sflag:s4] =	ssyncset.s32 $0xFFFFF086  }
0x25: {  	[simem:s6], [sflag:s4] =	dma.local [hbm:s3], $0xF7A  }
0x26: {  	[smem:$0x3F91] =	sst s1;
	(tag) =	ssettag s2;
	_ =	strace s9  }
0x27: {  	s1 =	sld [smem:$0x3FA1]  }
0x28: {  	s2 =	sld [smem:$0x3FA2]  }
0x29: {  	s4 =	sld [smem:$0x3FA4]  }
0x2a: {  	p0 =	seq.s32 s5, $0x0;
	s5 =	sld [smem:$0x3FA5]  }
0x2b: {  	s6 =	sld [smem:$0x3FA6]  }
0x2c: {  	s7 =	sld [smem:$0x3FA7]  }
0x2d: {  	s3 =	simm.s32 $0x108;
	s8 =	sld [smem:$0x3FA8]  }
0x2e: {  	s3 =	simm.s32 @!p0 $0x1082;
	s9 =	sld [smem:$0x3FA9]  }
0x2f: {  	lr =	sadd.s32 s0, s3;
	s0 =	sld [smem:$0x3FA0]  }
0x30: {  	s3 =	sld [smem:$0x3FA3]  }
0x31: {  	[smem:$0x3FAC] =	sst s10  }
0x32: {  	s10 =	sld [smem:$0x3FAA];
	_ =	sdelay $0x3  }
0x33: {  	p0 =	seq.s32 s10, $0x1;
	s10 =	sld [smem:$0x3FAC];
	_ =	sdelay $0x3  }
0x34: {  	[smem:$0x3FAC] =	sst s10  }
0x35: {  	s10 =	sld [smem:$0x3FAB];
	_ =	sdelay $0x3  }
0x36: {  	p1 =	seq.s32 s10, $0x1;
	s10 =	sld [smem:$0x3FAC];
	_ =	sdelay $0x3  }
0x37: {  	[smem:$0x3FAC] =	sst s10  }
0x38: {  	s10 =	sld [smem:$0x3FAD]  }
0x39: {  	_ = 	snop;
	(pc) =	sbr.ind lr, $3  }
0x3a: {  	_ = 	snop  }
0x3b: {  	_ = 	snop  }
0x3c: {  	p2 =	seq.s32 s10, $0x1;
	s10 =	sld [smem:$0x3FAC]  }
0x3d: {  	_ =	shalt  }
0x3e: {  	_ =	shalt  }
0x3f: {  	_ =	shalt  }
0x40: {  	_ =	shalt  }
0x41: {  	_ =	shalt  }
0x42: {  	_ =	shalt  }
0x43: {  	_ =	shalt  }
0x44: {  	_ =	shalt  }
0x45: {  	_ =	shalt  }
0x46: {  	_ =	shalt  }
0x47: {  	_ =	shalt  }
0x48: {  	_ =	shalt  }
0x49: {  	_ =	shalt  }
0x4a: {  	_ =	shalt  }
0x4b: {  	_ =	shalt  }
0x4c: {  	_ =	shalt  }
0x4d: {  	_ =	shalt  }
0x4e: {  	_ =	shalt  }
0x4f: {  	_ =	shalt  }
0x50: {  	_ =	shalt  }
0x51: {  	_ =	shalt  }
0x52: {  	_ =	shalt  }
0x53: {  	_ =	shalt  }
0x54: {  	_ =	shalt  }
0x55: {  	_ =	shalt  }
0x56: {  	_ =	shalt  }
0x57: {  	_ =	shalt  }
0x58: {  	_ =	shalt  }
0x59: {  	_ =	shalt  }
0x5a: {  	_ =	shalt  }
0x5b: {  	_ =	shalt  }
0x5c: {  	_ =	shalt  }
0x5d: {  	_ =	shalt  }
0x5e: {  	_ =	shalt  }
0x5f: {  	_ =	shalt  }
0x60: {  	_ =	shalt  }
0x61: {  	_ =	shalt  }
0x62: {  	_ =	shalt  }
0x63: {  	_ =	shalt  }
0x64: {  	_ =	shalt  }
0x65: {  	_ =	shalt  }
0x66: {  	_ =	shalt  }
0x67: {  	_ =	shalt  }
0x68: {  	_ =	shalt  }
0x69: {  	_ =	shalt  }
0x6a: {  	_ =	shalt  }
0x6b: {  	_ =	shalt  }
0x6c: {  	_ =	shalt  }
0x6d: {  	_ =	shalt  }
0x6e: {  	_ =	shalt  }
0x6f: {  	_ =	shalt  }
0x70: {  	_ =	shalt  }
0x71: {  	_ =	shalt  }
0x72: {  	_ =	shalt  }
0x73: {  	_ =	shalt  }
0x74: {  	_ =	shalt  }
0x75: {  	_ =	shalt  }
0x76: {  	_ =	shalt  }
0x77: {  	_ =	shalt  }
0x78: {  	_ =	shalt  }
0x79: {  	_ =	shalt  }
0x7a: {  	_ =	shalt  }
0x7b: {  	_ =	shalt  }
0x7c: {  	_ =	shalt  }
0x7d: {  	_ =	shalt  }
0x7e: {  	_ =	shalt  }
0x7f: {  	_ =	shalt  }
0x80: {  	_ =	shalt  }
0x81: {  	_ =	shalt  }
0x82: {  	_ =	shalt  }
0x83: {  	_ =	shalt  }
0x84: {  	_ =	shalt  }
0x85: {  	_ =	shalt  }
0x86: {  	_ =	shalt  }
0x87: {  	_ =	shalt  }
.Lfunc_end0:
.L_simem_size_0:
called_computation.2_lowered:
.L_overlay_start_0:
0x88: {  	s2 =	sld [smem:$0x3FD9]  }
0x89: {  	s3 =	sld [smem:$0x3FFE];
	_ =	sdelay $0x1  }
0x8a: {  	s1 =	srdreg.scid  }
0x8b: {  	s0 =	sand.u32 $0x1, s1  }
0x8c: {  	s17 =	sshll.u32 s0, $0xA;
	s2 =	sadd.s32 s3, s2  }
0x8d: {  	s2 =	sadd.s32 s2, s17  }
0x8e: {  	[smem:$0x3FB8] =	sst s2  }
0x8f: {  	_ = 	snop  }
0x90: {  	s2 =	sld [smem:$0x3FD0];
	(tm) =	ssettm $0x1  }
0x91: {  	s18 =	sld [smem:$0x3FFB];
	_ =	sdelay $0x3  }
0x92: {  	_ =	strace s18  }
0x93: {  	s3 =	sld [smem:$0x3FFC];
	_ =	sdelay $0x3  }
0x94: {  	_ =	strace s3  }
0x95: {  	s3 =	sld [smem:$0x3FFD];
	_ =	sdelay $0x3  }
0x96: {  	_ =	strace s3  }
0x97: {  	_ =	strace $0x8FFFFFFF  }
0x98: {  	s19 =	sld [smem:$0x3FDB];
	_ =	sdelay $0x1  }
0x99: {  	s4 =	simm.s32 $_scs_section_size  }
0x9a: {  	s5 =	simm.s32 $_size__tile_overlayer_lowered;
	s6 =	simm.s32 $_tile_overlayer_lowered  }
0x9b: {  	s22 =	simm.s32 $0x1BFF;
	s21 =	sshll.u32 s6, $0x1;
	s3 =	sadd.s32 s4, s19  }
0x9c: {  	s7 =	simm.s32 $0x0;
	s20 =	sshll.u32 s5, $0x1;
	s5 =	sadd.s32 s21, s3  }
0x9d: {  	[timem:s7], [sflag:s22] =	dma.local [hbm:s5], s20  }
0x9e: {  	_ =	swait.ge [sflag:s22], s20  }
0x9f: {  	s4 =	ssub.s32 $0x0, s20;
	[sflag:s22] =	ssyncset.done $0x0  }
0xa0: {  	[sflag:s22] =	ssyncadd.s32 s4;
	_ =	sdelay $0x1  }
0xa1: {  	s23 =	simm.s32 $0x1B8B  }
0xa2: {  	_ =	swait.ge [sflag:s23], $0x1  }
0xa3: {  	[sflag:s23] =	ssyncset.done $0x0  }
0xa4: {  	s25 =	simm.s32 $0x1B8E;
	s24 =	sld [smem:$0x3FFE];
	[sflag:s23] =	ssyncadd.s32 $0xFFFFFFFF  }
0xa5: {  	s26 =	simm.s32 $execute0_lowered;
	[smem:$0x3FD2] =	sst s25  }
0xa6: {  	s5 =	sshll.u32 s26, $0x1;
	_ =	strace $0x8000004C;
	[dreg:$0x1] =	wrdreg $0xFFFFFFFF  }
0xa7: {  	s28 =	simm.s32 $_size_execute0_lowered;
	s3 =	sadd.s32 s3, s5;
	[dreg:$0x0] =	wrdreg $0x0  }
0xa8: {  	s5 =	sshll.u32 s28, $0x1;
	[dreg:$0x2] =	wrdreg s3  }
0xa9: {  	[dreg:$0x3] =	wrdreg s5  }
0xaa: {  	[dreg:$0x4] =	wrdreg $0xC0  }
0xab: {  	_ =	task [dreg:s7], $0x5FFFF  }
0xac: {  	[dreg:$0x1] =	wrdreg $0xFFFFFFFF  }
0xad: {  	[dreg:$0x0] =	wrdreg $0x60  }
0xae: {  	[dreg:$0x2] =	wrdreg s2  }
0xaf: {  	[dreg:$0x3] =	wrdreg s24  }
0xb0: {  	[dreg:$0x4] =	wrdreg $0xA8000  }
0xb1: {  	[dreg:$0x5] =	wrdreg $0x9  }
0xb2: {  	_ =	task.clear_ibuf [dreg:s7], $0x6FFFF;
	_ =	strace $0x9000004C  }
0xb3: {  	s29 =	simm.s32 $0x9;
	_ =	strace $0x8000004E  }
0xb4: {  	_ =	swait.ge [sflag:s29], $0x1  }
0xb5: {  	[sflag:s29] =	ssyncadd.s32 $0xFFFFFFFF  }
0xb6: {  	_ =	strace $0x9000004E  }
0xb7: {  	_ =	sfence  }
0xb8: {  	s30 =	sld [smem:$0x0];
	_ =	sdelay $0x2  }
0xb9: {  	s31 =	sshll.u32 s1, $0xD;
	s1 =	sshrl.u32 s1, $0x2  }
0xba: {  	s3 =	sand.u32 $0x4000, s31;
	s1 =	sadd.s32 s1, s30  }
0xbb: {  	s0 =	sor.u32 s3, s0;
	s1 =	sshll.u32 s1, $0x11  }
0xbc: {  	s0 =	sor.u32 s1, s0  }
0xbd: {  	s0 =	sadd.s32 $0x8F2B, s0  }
0xbe: {  	[sflag:s0] =	ssyncadd.remote.s32 $0x1  }
0xbf: {  	_ =	sfence.sel $0xFFFF  }
0xc0: {  	[dreg:$0x0] =	wrdreg $0xFFFFFFFF;
	(pc) =	sbr.abs _section_cstart, $3  }
0xc1: {  	[dreg:$0x1] =	wrdreg $0xFFFFFFFF  }
0xc2: {  	_ =	task.clear_ibuf [dreg:s7], $0x2FFFF;
	_ =	strace $0x9FFFFFFF  }
0xc3: {  	(tm) =	ssettm $0x7FFFFFFF  }
tec
execute0_lowered:
.L_overlay_start_1:
0x0: {  	(tag) =	ssettag $0x1  }
0x1: {  	s1 =	rddreg [dreg:$0x0]  }
0x2: {  	s6 =	rddreg [dreg:$0x1]  }
0x3: {  	s3 =	rddreg [dreg:$0x2]  }
0x4: {  	s0 =	srdreg.scid;
	s2 =	rddreg [dreg:$0x3]  }
0x5: {  	s4 =	simm.s32 $0x0;
	s12 =	simm.s32 $0x4;
	s13 =	simm.s32 $0x1  }
0x6: {  	s14 =	simm.s32 $0x80;
	s15 =	simm.s32 $0x6800;
	s16 =	simm.s32 $0x2  }
0x7: {  	s17 =	simm.s32 $0x3;
	s7 =	sand.u32 $0x1, s0;
	s0 =	stileid.u32  }
0x8: {  	s18 =	simm.s32 $0x2700;
	[smem:$0x7FF] =	sst s4;
	s5 =	smul.u32 $0x138800, s7  }
0x9: {  	s19 =	simm.s32 $0x2780;
	s8 =	smul.u32 $0x2800, s0;
	_ =	strace $0x8000004D  }
0xa: {  	s28 =	ssub.s32 $0x2, s7;
	s9 =	sshll.u32 s0, $0x1;
	s11 =	smul.u32 $0xA000, s0  }
0xb: {  	s30 =	ssub.s32 $0x8C, s0;
	s29 =	sshrl.u32 s28, $0x1;
	s7 =	sor.u32 s7, s9  }
0xc: {  	s5 =	sadd.s32 s8, s5;
	s7 =	smul.u32 $0x2800, s7;
	s31 =	sshrl.u32 s11, $0x2  }
0xd: {  	s11 =	simm.s32 $0x2800;
	s8 =	sshrl.u32 s5, $0x3;
	s5 =	sadd.s32 $0x1200, s6  }
0xe: {  	s9 =	sadd.s32 s31, s3;
	s10 =	sadd.s32 s8, s6;
	s8 =	ssub.s32 s28, s29  }
0xf: {  	v0 =	vimm.f32 $0.0e+00;
	s6 =	sshrl.u32 s30, $0x4;
	s8 =	smax.u32 s8, $0x1;
	s10 =	sadd.s32 $0xB200, s10  }
.LBB2_1:
0x10: {  	s20 =	simm.s32 $0x0;
	s21 =	simm.s32 $0x200  }
.LBB2_2:
0x11: {  	p0 =	sne.s32 s21, $0xFE00;
	[tilespmem:s20+$0x2870] =	vst v0  }
0x12: {  	[tilespmem:s20+$0x2800] =	vst v0  }
0x13: {  	[tilespmem:s20+$0x2810] =	vst v0  }
.Ltmp0:
0x14: {  	[tilespmem:s20+$0x2820] =	vst v0;
	(pc) =	sbr.rel @p0 .LBB2_2-.Ltmp0, $4  }
0x15: {  	[tilespmem:s20+$0x2830] =	vst v0  }
0x16: {  	[tilespmem:s20+$0x2840] =	vst v0  }
0x17: {  	[tilespmem:s20+$0x2850] =	vst v0  }
0x18: {  	[tilespmem:s20+$0x2860] =	vst v0;
	s20 =	sshra.s32 s21, $0x2;
	s21 =	sadd.s32 $0x200, s21  }
0x19: {  	[tilespmem:s20+$0x2870] =	vst v0  }
0x1a: {  	[tilespmem:s20+$0x2800] =	vst v0  }
0x1b: {  	[tilespmem:s20+$0x2810] =	vst v0  }
0x1c: {  	[tilespmem:s20+$0x2820] =	vst v0  }
0x1d: {  	[tilespmem:s20+$0x2830] =	vst v0  }
0x1e: {  	[tilespmem:s20+$0x2840] =	vst v0;
	p0 =	sne.s32 s6, $0x1  }
.Ltmp1:
0x1f: {  	[tilespmem:s20+$0x2850] =	vst v0;
	(pc) =	sbr.rel @!p0 .LBB2_5-.Ltmp1, $4  }
0x20: {  	[tilespmem:s20+$0x2860] =	vst v0  }
0x21: {  	[spmem:s9] =	stream.linear.scatter [tilespmem:s11], [sflag:$0x4], $0x2800, $0x38;
	[tilespmem:$0x1E0C0] =	vst v63  }
0x22: {  	_ =	swait.ge [sflag:s12], $0x2800  }
0x23: {  	s20 =	sadd.s32 $0xFFFFFFFF, s6;
	s21 =	smov.u32 s9;
	[sflag:s12] =	ssyncset.done $0x0  }
.LBB2_4:
0x24: {  	p1 =	sne.s32 s20, $0x1;
	[sflag:s12] =	ssyncadd.s32 $0xFFFFD800;
	s21 =	sadd.s32 $0x28000, s21  }
.Ltmp2:
0x25: {  	s20 =	sadd.s32 $0xFFFFFFFF, s20;
	(pc) =	sbr.rel @p1 .LBB2_4-.Ltmp2, $4  }
0x26: {  	_ = 	snop  }
0x27: {  	[spmem:s21] =	stream.linear.scatter [tilespmem:s11], [sflag:$0x4], $0x2800, $0x38;
	[tilespmem:$0x1E0C0] =	vst v63  }
0x28: {  	_ =	swait.ge [sflag:s12], $0x2800  }
0x29: {  	[sflag:s12] =	ssyncset.done $0x0  }
.LBB2_5:
0x2a: {  	[sflag:s12] =	ssyncadd.s32 $0xFFFFD800;
	s20 =	simm.s32 $0x0  }
0x2b: {  	p2 =	por $0x1, $0x1;
	s21 =	simm.s32 $0x0;
	[bflag:$0x0] =	sbarrier.arrive $0xFFFF  }
.LBB2_6:
0x2c: {  	s21 =	sadd.s32 s7, s21  }
0x2d: {  	s21 =	sshrl.u32 s21, $0x3  }
0x2e: {  	s21 =	sadd.s32 s5, s21  }
0x2f: {  	[tilespmem:s20], [sflag:$0x1] =	stream.linear.gather [hbm4b:s21+s20], $0x1400, $0x38;
	[tilespmem:$0x1E0C0] =	vst v63  }
0x30: {  	_ =	swait.ge [sflag:s13], $0x1400  }
0x31: {  	[sflag:s13] =	ssyncset.done $0x0  }
0x32: {  	s21 =	simm.s32 $0x0;
	[sflag:s13] =	ssyncadd.s32 $0xFFFFEC00  }
0x33: {  	v1 =	vld [tilespmem:s21+$0x0]  }
0x34: {  	v5 =	vld [tilespmem:s21+$0x10]  }
0x35: {  	v6 =	vld [tilespmem:s21+$0x20]  }
0x36: {  	v4 =	vld [tilespmem:s21+$0x30]  }
0x37: {  	v2 =	vld [tilespmem:s21+$0x40]  }
0x38: {  	v3 =	vld [tilespmem:s21+$0x50];
	v7 =	vand.u32 $0xFFFF, v1  }
0x39: {  	p1 =	por p2, p2;
	s22 =	simm.s32 $0x200;
	v1 =	vshrl.u32 v1, $0x10;
	v8 =	vand.u32 $0xFFFF, v5;
	v5 =	vshrl.u32 v5, $0x10;
	[tilespmem:s21+$0x0] =	vst v7;
	v7 =	vld [tilespmem:s21+$0x60]  }
.LBB2_7:
0x3a: {  	p2 =	sne.s32 s22, $0x4E00;
	[tilespmem:s21+$0x10] =	vst v8;
	v8 =	vand.u32 $0xFFFF, v6;
	v6 =	vshrl.u32 v6, $0x10;
	v9 =	vld [tilespmem:s21+$0x70]  }
0x3b: {  	[tilespmem:s21+$0x20] =	vst v8;
	v8 =	vand.u32 $0xFFFF, v4;
	v4 =	vshrl.u32 v4, $0x10  }
0x3c: {  	[tilespmem:s21+$0x30] =	vst v8;
	v8 =	vand.u32 $0xFFFF, v2;
	v2 =	vshrl.u32 v2, $0x10  }
0x3d: {  	[tilespmem:s21+$0x40] =	vst v8;
	v8 =	vand.u32 $0xFFFF, v3;
	v3 =	vshrl.u32 v3, $0x10  }
0x3e: {  	[tilespmem:s21+$0x50] =	vst v8;
	v8 =	vand.u32 $0xFFFF, v7;
	v7 =	vshrl.u32 v7, $0x10  }
0x3f: {  	[tilespmem:s21+$0x60] =	vst v8;
	v8 =	vand.u32 $0xFFFF, v9;
	v9 =	vshrl.u32 v9, $0x10  }
0x40: {  	[tilespmem:s21+$0x70] =	vst v8  }
0x41: {  	[tilespmem:s21+$0x1400] =	vst v1  }
0x42: {  	s23 =	sshra.s32 s22, $0x2;
	[tilespmem:s21+$0x1410] =	vst v5  }
0x43: {  	v1 =	vld [tilespmem:s23+$0x0];
	[tilespmem:s21+$0x1420] =	vst v6  }
0x44: {  	v5 =	vld [tilespmem:s23+$0x10];
	[tilespmem:s21+$0x1430] =	vst v4  }
.Ltmp3:
0x45: {  	v6 =	vld [tilespmem:s23+$0x20];
	[tilespmem:s21+$0x1440] =	vst v2;
	(pc) =	sbr.rel @p2 .LBB2_7-.Ltmp3, $4  }
0x46: {  	v4 =	vld [tilespmem:s23+$0x30];
	[tilespmem:s21+$0x1450] =	vst v3  }
0x47: {  	v2 =	vld [tilespmem:s23+$0x40];
	[tilespmem:s21+$0x1460] =	vst v7  }
0x48: {  	v7 =	vand.u32 $0xFFFF, v1;
	v1 =	vshrl.u32 v1, $0x10;
	v3 =	vld [tilespmem:s23+$0x50];
	[tilespmem:s21+$0x1470] =	vst v9;
	s21 =	smov.u32 s23  }
0x49: {  	s22 =	sadd.s32 $0x200, s22;
	[tilespmem:s21+$0x0] =	vst v7;
	v8 =	vand.u32 $0xFFFF, v5;
	v5 =	vshrl.u32 v5, $0x10;
	v7 =	vld [tilespmem:s21+$0x60]  }
0x4a: {  	[tilespmem:s21+$0x10] =	vst v8  }
0x4b: {  	[tilespmem:s21+$0x1400] =	vst v1  }
0x4c: {  	v57 =	vand.u32 $0xFFFF, v6;
	[tilespmem:s21+$0x1410] =	vst v5  }
0x4d: {  	v1 =	vshrl.u32 v6, $0x10;
	[tilespmem:s21+$0x20] =	vst v57  }
0x4e: {  	v58 =	vand.u32 $0xFFFF, v4;
	[tilespmem:s21+$0x1420] =	vst v1  }
0x4f: {  	v63 =	vshrl.u32 v4, $0x10;
	[tilespmem:s21+$0x30] =	vst v58  }
0x50: {  	v59 =	vand.u32 $0xFFFF, v2;
	[tilespmem:s21+$0x1430] =	vst v63  }
0x51: {  	v9 =	vld [tilespmem:s21+$0x70];
	v1 =	vshrl.u32 v2, $0x10;
	[tilespmem:s21+$0x40] =	vst v59  }
0x52: {  	v60 =	vand.u32 $0xFFFF, v3;
	[tilespmem:s21+$0x1440] =	vst v1  }
0x53: {  	v2 =	vshrl.u32 v3, $0x10;
	[tilespmem:s21+$0x50] =	vst v60  }
0x54: {  	v61 =	vand.u32 $0xFFFF, v7;
	[tilespmem:s21+$0x1450] =	vst v2  }
0x55: {  	v1 =	vshrl.u32 v7, $0x10;
	[tilespmem:s21+$0x60] =	vst v61  }
0x56: {  	v62 =	vand.u32 $0xFFFF, v9;
	[tilespmem:s21+$0x1460] =	vst v1  }
0x57: {  	v2 =	vshrl.u32 v9, $0x10;
	[tilespmem:s21+$0x70] =	vst v62  }
0x58: {  	s28 =	simm.s32 $0x0;
	[tilespmem:s21+$0x1470] =	vst v2  }
0x59: {  	[tilespmem:s11], [sflag:$0x2] =	stream.indirect.gather [hbm4b:s1+s14], $0x80, s28, s14, $0xb8;
	[tilespmem:$0x1E0C0] =	vst v63  }
0x5a: {  	_ = 	snop  }
0x5b: {  	[tilespmem:s15], [sflag:$0x3] =	stream.indirect.gather [hbm4b:s1+s14], $0x80, s14, s14, $0xb8;
	[tilespmem:$0x1E0C0] =	vst v63  }
0x5c: {  	_ =	swait.ge [sflag:s16], $0x4000  }
0x5d: {  	[sflag:s16] =	ssyncset.done $0x0  }
0x5e: {  	s29 =	simm.s32 $0x1400;
	[sflag:s16] =	ssyncadd.s32 $0xFFFFC000  }
0x5f: {  	[spmem:s3] =	stream.indirect.scatter.add.f32 [tilespmem:s11], [sflag:$0x4], $0x80, s29, s14, $0xb8;
	[tilespmem:$0x1E0C0] =	vst v63  }
0x60: {  	_ =	swait.ge [sflag:s12], $0x4000  }
0x61: {  	[sflag:s12] =	ssyncset.done $0x0  }
0x62: {  	s30 =	simm.s32 $0x100;
	[sflag:s12] =	ssyncadd.s32 $0xFFFFC000  }
0x63: {  	[tilespmem:s11], [sflag:$0x2] =	stream.indirect.gather [hbm4b:s1+s14], $0x80, s30, s14, $0xb8;
	[tilespmem:$0x1E0C0] =	vst v63  }
0x64: {  	_ =	swait.ge [sflag:s17], $0x4000  }
0x65: {  	[sflag:s17] =	ssyncset.done $0x0  }
0x66: {  	s31 =	simm.s32 $0x1480;
	[sflag:s17] =	ssyncadd.s32 $0xFFFFC000  }
0x67: {  	[spmem:s3] =	stream.indirect.scatter.add.f32 [tilespmem:s15], [sflag:$0x4], $0x80, s31, s14, $0xb8;
	[tilespmem:$0x1E0C0] =	vst v63  }
0x68: {  	_ =	swait.ge [sflag:s12], $0x4000  }
0x69: {  	[sflag:s12] =	ssyncset.done $0x0  }
0x6a: {  	s22 =	simm.s32 $0x180;
	s21 =	simm.s32 $0x400;
	[sflag:s12] =	ssyncadd.s32 $0xFFFFC000  }
.LBB2_9:
0x6b: {  	[tilespmem:s15], [sflag:$0x3] =	stream.indirect.gather [hbm4b:s1+s14], $0x80, s22, s14, $0xb8;
	[tilespmem:$0x1E0C0] =	vst v63  }
0x6c: {  	s22 =	smov.u32 s21  }
0x6d: {  	p2 =	sne.s32 s21, $0x4800;
	s21 =	sadd.s32 $0x400, s21;
	_ =	swait.ge [sflag:s16], $0x4000  }
0x6e: {  	s22 =	sshra.s32 s22, $0x2;
	[sflag:s16] =	ssyncset.done $0x0  }
0x6f: {  	s23 =	sadd.s32 $0x1400, s22;
	[sflag:s16] =	ssyncadd.s32 $0xFFFFC000  }
0x70: {  	[spmem:s3] =	stream.indirect.scatter.add.f32 [tilespmem:s11], [sflag:$0x4], $0x80, s23, s14, $0xb8;
	[tilespmem:$0x1E0C0] =	vst v63  }
0x71: {  	_ =	swait.ge [sflag:s12], $0x4000  }
0x72: {  	[sflag:s12] =	ssyncset.done $0x0  }
0x73: {  	s23 =	sadd.s32 $0x100, s22;
	[sflag:s12] =	ssyncadd.s32 $0xFFFFC000  }
0x74: {  	[tilespmem:s11], [sflag:$0x2] =	stream.indirect.gather [hbm4b:s1+s14], $0x80, s23, s14, $0xb8;
	[tilespmem:$0x1E0C0] =	vst v63  }
0x75: {  	_ =	swait.ge [sflag:s17], $0x4000  }
0x76: {  	[sflag:s17] =	ssyncset.done $0x0  }
.Ltmp4:
0x77: {  	s23 =	sadd.s32 $0x1480, s22;
	[sflag:s17] =	ssyncadd.s32 $0xFFFFC000;
	(pc) =	sbr.rel @p2 .LBB2_9-.Ltmp4, $4  }
0x78: {  	[spmem:s3] =	stream.indirect.scatter.add.f32 [tilespmem:s15], [sflag:$0x4], $0x80, s23, s14, $0xb8;
	[tilespmem:$0x1E0C0] =	vst v63  }
0x79: {  	_ =	swait.ge [sflag:s12], $0x4000  }
0x7a: {  	[sflag:s12] =	ssyncset.done $0x0  }
0x7b: {  	s22 =	sadd.s32 $0x180, s22;
	[sflag:s12] =	ssyncadd.s32 $0xFFFFC000  }
0x7c: {  	[tilespmem:s15], [sflag:$0x3] =	stream.indirect.gather [hbm4b:s1+s14], $0x80, s22, s14, $0xb8;
	[tilespmem:$0x1E0C0] =	vst v63  }
0x7d: {  	_ =	swait.ge [sflag:s16], $0x4000  }
0x7e: {  	[sflag:s16] =	ssyncset.done $0x0  }
0x7f: {  	[sflag:s16] =	ssyncadd.s32 $0xFFFFC000  }
0x80: {  	[spmem:s3] =	stream.indirect.scatter.add.f32 [tilespmem:s11], [sflag:$0x4], $0x80, s18, s14, $0xb8;
	[tilespmem:$0x1E0C0] =	vst v63  }
0x81: {  	_ =	swait.ge [sflag:s12], $0x4000  }
0x82: {  	[sflag:s12] =	ssyncset.done $0x0  }
0x83: {  	[sflag:s12] =	ssyncadd.s32 $0xFFFFC000  }
0x84: {  	_ =	swait.ge [sflag:s17], $0x4000  }
0x85: {  	[sflag:s17] =	ssyncset.done $0x0  }
.Ltmp5:
0x86: {  	[sflag:s17] =	ssyncadd.s32 $0xFFFFC000;
	(pc) =	sbr.rel @p1 .LBB2_6-.Ltmp5, $4  }
0x87: {  	[spmem:s3] =	stream.indirect.scatter.add.f32 [tilespmem:s15], [sflag:$0x4], $0x80, s19, s14, $0xb8;
	[tilespmem:$0x1E0C0] =	vst v63  }
0x88: {  	_ =	swait.ge [sflag:s12], $0x4000  }
0x89: {  	[sflag:s12] =	ssyncset.done $0x0  }
0x8a: {  	s21 =	simm.s32 $0x1400;
	p2 =	por $0x0, $0x0;
	[sflag:s12] =	ssyncadd.s32 $0xFFFFC000  }
.Ltmp6:
0x8b: {  	(pc) =	sbr.rel @!p0 .LBB2_13-.Ltmp6, $4  }
0x8c: {  	s20 =	sshll.u32 s0, $0x6;
	[bflag:$0x0] =	sbarrier.arrive $0xFFFF  }
0x8d: {  	s21 =	sshrl.u32 s9, $0x3;
	s22 =	sadd.s32 $0x5000, s10;
	s20 =	sor.u32 $0x1C04, s20  }
0x8e: {  	[hbm:s10], [sflag:s20] =	dma.local [spmem:s21], $0x500  }
0x8f: {  	s23 =	smov.u32 s9;
	s21 =	sadd.s32 $0xFFFFFFFF, s6;
	_ =	swait.ge [sflag:s12], $0x500  }
.LBB2_12:
0x90: {  	[sflag:s12] =	ssyncset.done $0x0;
	s23 =	sadd.s32 $0x28000, s23;
	p0 =	sne.s32 s21, $0x1  }
.Ltmp7:
0x91: {  	s24 =	sshrl.u32 s23, $0x3;
	[sflag:s12] =	ssyncadd.s32 $0xFFFFFB00;
	(pc) =	sbr.rel @p0 .LBB2_12-.Ltmp7, $3  }
0x92: {  	[hbm:s22], [sflag:s20] =	dma.local [spmem:s24], $0x500  }
0x93: {  	s21 =	sadd.s32 $0xFFFFFFFF, s21;
	_ =	sdelay $0x1  }
0x94: {  	s22 =	sadd.s32 $0x5000, s22;
	_ =	swait.ge [sflag:s12], $0x500  }
.LBB2_13:
0x95: {  	s4 =	sadd.s32 $0x1, s4  }
0x96: {  	p0 =	sne.s32 s4, s8  }
.Ltmp8:
0x97: {  	_ = 	snop;
	(pc) =	sbr.rel @p0 .LBB2_1-.Ltmp8, $3  }
0x98: {  	_ =	sdelay $0x1  }
0x99: {  	[sflag:s12] =	ssyncset.done $0x0  }
0x9a: {  	[sflag:s12] =	ssyncadd.s32 $0xFFFFFB00  }
0x9b: {  	_ =	sfence.sel $0x180000  }
0x9c: {  	[bflag:$0x0] =	sbarrier.arrive $0xFFFF  }
0x9d: {  	p0 =	sne.s32 s0, $0x0;
	_ =	strace $0x9000004D  }
0x9e: {  	s0 =	sadd.s32 @!p0 $0x100000, s2;
	[bflag:$0x2] =	sbarrier.arrive $0xFFFF  }
0x9f: {  	[sflag:s0] =	ssyncadd.tile.s32 @!p0 $0x1;
	_ =	shalt  }
.Lfunc_end2:
_tile_overlayer_lowered:
.L_overlay_start_2:
0xa0: {  	(tag) =	ssettag $0x2  }
0xa1: {  	s0 =	rddreg [dreg:$0x0];
	s2 =	stileid.u32  }
0xa2: {  	s1 =	rddreg [dreg:$0x1];
	p0 =	sne.s32 s2, $0x0  }
0xa3: {  	s3 =	rddreg [dreg:$0x2];
	[bflag:$0x3] =	sbarrier.arrive $0xFFFF;
	s2 =	simm.s32 @!p0 $0x1C04  }
0xa4: {  	[timem:s3], [sflag:s2] =	dma.local @!p0 [hbm:s0], s1  }
0xa5: {  	s0 =	simm.s32 @!p0 $0x4  }
0xa6: {  	_ =	swait.ge @!p0 [sflag:s0], s1  }
0xa7: {  	s1 =	ssub.s32 @!p0 $0x0, s1;
	[sflag:s0] =	ssyncset.done @!p0 $0x0  }
0xa8: {  	[sflag:s0] =	ssyncadd.s32 @!p0 s1  }
0xa9: {  	[bflag:$0x3] =	sbarrier.arrive $0xFFFF  }
0xaa: {  	_ =	shalt  }

// kernel: kernel.20.cloned.1.call-start
scs
__scs_entry_jumppad:
0x0: {  	(pc) =	sbr.rel $0x88, $3  }
0x1: {  	(tag) =	ssettag $0x0;
	lr =	simm.s32 $0x1  }
0x2: {  	[smem:$0x3F91] =	sst lr;
	_ =	strace $0xD0000000  }
0x3: {  	_ = 	snop  }
0x4: {  	_ = 	snop  }
0x5: {  	_ = 	snop  }
0x6: {  	_ = 	snop  }
0x7: {  	_ = 	snop  }
__scs_overlays_trampoline_lowered:
0x8: {  	[smem:$0x3FA0] =	sst s0  }
0x9: {  	[smem:$0x3FA1] =	sst s1  }
0xa: {  	[smem:$0x3FA2] =	sst s2  }
0xb: {  	[smem:$0x3FA3] =	sst s3  }
0xc: {  	[smem:$0x3FA4] =	sst s4  }
0xd: {  	[smem:$0x3FA5] =	sst s5  }
0xe: {  	[smem:$0x3FA6] =	sst s6  }
0xf: {  	[smem:$0x3FA7] =	sst s7  }
0x10: {  	[smem:$0x3FA8] =	sst s8  }
0x11: {  	[smem:$0x3FA9] =	sst s9;
	s0 =	simm.s32 @!p0 $0x0  }
0x12: {  	s1 =	sld [smem:$0x3F8F];
	s0 =	simm.s32 @p0 $0x1  }
0x13: {  	[smem:$0x3FAA] =	sst s0;
	s0 =	simm.s32 @!p1 $0x0  }
0x14: {  	s2 =	sld [smem:$0x3F8E];
	s0 =	simm.s32 @p1 $0x1  }
0x15: {  	[smem:$0x3FAB] =	sst s0;
	s0 =	simm.s32 @!p2 $0x0  }
0x16: {  	s3 =	sld [smem:$0x3FDB];
	s0 =	simm.s32 @p2 $0x1  }
0x17: {  	s4 =	simm.s32 $0x1BF5;
	[smem:$0x3FAD] =	sst s0  }
0x18: {  	s0 =	sld [smem:$0x3F90];
	_ =	swait.ge [sflag:s4], $0x0  }
0x19: {  	s7 =	sld [smem:$0x3F91]  }
0x1a: {  	s8 =	sadd.s32 $0xFFFFE003, lr  }
0x1b: {  	s9 =	sadd.s32 $0xFFFFFEF7, lr;
	s5 =	simm.s32 $0xFFFFFFFF;
	p2 =	slt.u32 s8, $0xFFFFF086  }
0x1c: {  	p1 =	slt.u32 s9, $0xF7A;
	s5 =	simm.s32 @!p2 $0x0  }
0x1d: {  	s5 =	simm.s32 @p1 $0x1;
	p0 =	seq.s32 s7, s2  }
0x1e: {  	s7 =	smul.u32 @!p0 $0xF7A, s2;
	p2 =	seq.s32 @!p0 s5, $0x0  }
0x1f: {  	s9 =	smul.u32 $0xF7A, s1;
	s8 =	simm.s32 @!p0 $0x1BF5;
	p2 =	por !p2, p0  }
0x20: {  	[sflag:s8] =	ssyncset.s32 @!p0 $0xFFFFF086;
	s6 =	sadd.s32 @!p0 s3, s7;
	s7 =	simm.s32 @!p0 $0x108  }
0x21: {  	s3 =	sadd.s32 s3, s9;
	s6 =	sadd.s32 @!p0 $0x88, s6;
	s7 =	simm.s32 @p2 $0x1082  }
0x22: {  	[simem:s7], [sflag:s8] =	dma.local @!p0 [hbm:s6], $0xF7A  }
0x23: {  	s9 =	sor.u32 $0xD0000000, s2;
	s6 =	simm.s32 $0x108;
	_ =	swait.ge @!p0 [sflag:s8], $0x0  }
0x24: {  	s3 =	sadd.s32 $0x88, s3;
	s6 =	simm.s32 @!p1 $0x1082;
	[sflag:s4] =	ssyncset.s32 $0xFFFFF086  }
0x25: {  	[simem:s6], [sflag:s4] =	dma.local [hbm:s3], $0xF7A  }
0x26: {  	[smem:$0x3F91] =	sst s1;
	(tag) =	ssettag s2;
	_ =	strace s9  }
0x27: {  	s1 =	sld [smem:$0x3FA1]  }
0x28: {  	s2 =	sld [smem:$0x3FA2]  }
0x29: {  	s4 =	sld [smem:$0x3FA4]  }
0x2a: {  	p0 =	seq.s32 s5, $0x0;
	s5 =	sld [smem:$0x3FA5]  }
0x2b: {  	s6 =	sld [smem:$0x3FA6]  }
0x2c: {  	s7 =	sld [smem:$0x3FA7]  }
0x2d: {  	s3 =	simm.s32 $0x108;
	s8 =	sld [smem:$0x3FA8]  }
0x2e: {  	s3 =	simm.s32 @!p0 $0x1082;
	s9 =	sld [smem:$0x3FA9]  }
0x2f: {  	lr =	sadd.s32 s0, s3;
	s0 =	sld [smem:$0x3FA0]  }
0x30: {  	s3 =	sld [smem:$0x3FA3]  }
0x31: {  	[smem:$0x3FAC] =	sst s10  }
0x32: {  	s10 =	sld [smem:$0x3FAA];
	_ =	sdelay $0x3  }
0x33: {  	p0 =	seq.s32 s10, $0x1;
	s10 =	sld [smem:$0x3FAC];
	_ =	sdelay $0x3  }
0x34: {  	[smem:$0x3FAC] =	sst s10  }
0x35: {  	s10 =	sld [smem:$0x3FAB];
	_ =	sdelay $0x3  }
0x36: {  	p1 =	seq.s32 s10, $0x1;
	s10 =	sld [smem:$0x3FAC];
	_ =	sdelay $0x3  }
0x37: {  	[smem:$0x3FAC] =	sst s10  }
0x38: {  	s10 =	sld [smem:$0x3FAD]  }
0x39: {  	_ = 	snop;
	(pc) =	sbr.ind lr, $3  }
0x3a: {  	_ = 	snop  }
0x3b: {  	_ = 	snop  }
0x3c: {  	p2 =	seq.s32 s10, $0x1;
	s10 =	sld [smem:$0x3FAC]  }
0x3d: {  	_ =	shalt  }
0x3e: {  	_ =	shalt  }
0x3f: {  	_ =	shalt  }
0x40: {  	_ =	shalt  }
0x41: {  	_ =	shalt  }
0x42: {  	_ =	shalt  }
0x43: {  	_ =	shalt  }
0x44: {  	_ =	shalt  }
0x45: {  	_ =	shalt  }
0x46: {  	_ =	shalt  }
0x47: {  	_ =	shalt  }
0x48: {  	_ =	shalt  }
0x49: {  	_ =	shalt  }
0x4a: {  	_ =	shalt  }
0x4b: {  	_ =	shalt  }
0x4c: {  	_ =	shalt  }
0x4d: {  	_ =	shalt  }
0x4e: {  	_ =	shalt  }
0x4f: {  	_ =	shalt  }
0x50: {  	_ =	shalt  }
0x51: {  	_ =	shalt  }
0x52: {  	_ =	shalt  }
0x53: {  	_ =	shalt  }
0x54: {  	_ =	shalt  }
0x55: {  	_ =	shalt  }
0x56: {  	_ =	shalt  }
0x57: {  	_ =	shalt  }
0x58: {  	_ =	shalt  }
0x59: {  	_ =	shalt  }
0x5a: {  	_ =	shalt  }
0x5b: {  	_ =	shalt  }
0x5c: {  	_ =	shalt  }
0x5d: {  	_ =	shalt  }
0x5e: {  	_ =	shalt  }
0x5f: {  	_ =	shalt  }
0x60: {  	_ =	shalt  }
0x61: {  	_ =	shalt  }
0x62: {  	_ =	shalt  }
0x63: {  	_ =	shalt  }
0x64: {  	_ =	shalt  }
0x65: {  	_ =	shalt  }
0x66: {  	_ =	shalt  }
0x67: {  	_ =	shalt  }
0x68: {  	_ =	shalt  }
0x69: {  	_ =	shalt  }
0x6a: {  	_ =	shalt  }
0x6b: {  	_ =	shalt  }
0x6c: {  	_ =	shalt  }
0x6d: {  	_ =	shalt  }
0x6e: {  	_ =	shalt  }
0x6f: {  	_ =	shalt  }
0x70: {  	_ =	shalt  }
0x71: {  	_ =	shalt  }
0x72: {  	_ =	shalt  }
0x73: {  	_ =	shalt  }
0x74: {  	_ =	shalt  }
0x75: {  	_ =	shalt  }
0x76: {  	_ =	shalt  }
0x77: {  	_ =	shalt  }
0x78: {  	_ =	shalt  }
0x79: {  	_ =	shalt  }
0x7a: {  	_ =	shalt  }
0x7b: {  	_ =	shalt  }
0x7c: {  	_ =	shalt  }
0x7d: {  	_ =	shalt  }
0x7e: {  	_ =	shalt  }
0x7f: {  	_ =	shalt  }
0x80: {  	_ =	shalt  }
0x81: {  	_ =	shalt  }
0x82: {  	_ =	shalt  }
0x83: {  	_ =	shalt  }
0x84: {  	_ =	shalt  }
0x85: {  	_ =	shalt  }
0x86: {  	_ =	shalt  }
0x87: {  	_ =	shalt  }
.Lfunc_end0:
.L_simem_size_0:
called_computation.3_lowered:
.L_overlay_start_0:
0x88: {  	s2 =	sld [smem:$0x3FD9]  }
0x89: {  	s3 =	sld [smem:$0x3FFE];
	_ =	sdelay $0x1  }
0x8a: {  	s1 =	srdreg.scid  }
0x8b: {  	s0 =	sand.u32 $0x1, s1  }
0x8c: {  	s16 =	sshll.u32 s0, $0xA;
	s2 =	sadd.s32 s3, s2  }
0x8d: {  	s2 =	sadd.s32 s2, s16  }
0x8e: {  	[smem:$0x3FB8] =	sst s2  }
0x8f: {  	_ = 	snop  }
0x90: {  	(tm) =	ssettm $0x1  }
0x91: {  	s17 =	sld [smem:$0x3FFB];
	_ =	sdelay $0x3  }
0x92: {  	_ =	strace s17  }
0x93: {  	s2 =	sld [smem:$0x3FFC];
	_ =	sdelay $0x3  }
0x94: {  	_ =	strace s2  }
0x95: {  	s2 =	sld [smem:$0x3FFD];
	_ =	sdelay $0x3  }
0x96: {  	_ =	strace s2  }
0x97: {  	_ =	strace $0x8FFFFFFF  }
0x98: {  	s18 =	sld [smem:$0x3FDB];
	_ =	sdelay $0x1  }
0x99: {  	s19 =	simm.s32 $_scs_section_size  }
0x9a: {  	s4 =	simm.s32 $_size__tile_overlayer_lowered;
	s5 =	simm.s32 $_tile_overlayer_lowered  }
0x9b: {  	s22 =	simm.s32 $0x1BFF;
	s21 =	sshll.u32 s5, $0x1;
	s2 =	sadd.s32 s19, s18  }
0x9c: {  	s6 =	simm.s32 $0x0;
	s20 =	sshll.u32 s4, $0x1;
	s4 =	sadd.s32 s21, s2  }
0x9d: {  	[timem:s6], [sflag:s22] =	dma.local [hbm:s4], s20  }
0x9e: {  	_ =	swait.ge [sflag:s22], s20  }
0x9f: {  	s3 =	ssub.s32 $0x0, s20;
	[sflag:s22] =	ssyncset.done $0x0  }
0xa0: {  	[sflag:s22] =	ssyncadd.s32 s3;
	_ =	sdelay $0x1  }
0xa1: {  	s23 =	simm.s32 $0x1B8B  }
0xa2: {  	_ =	swait.ge [sflag:s23], $0x1  }
0xa3: {  	[sflag:s23] =	ssyncset.done $0x0  }
0xa4: {  	s25 =	simm.s32 $0x1B8E;
	s24 =	sld [smem:$0x3FFE];
	[sflag:s23] =	ssyncadd.s32 $0xFFFFFFFF  }
0xa5: {  	s26 =	simm.s32 $execute0_lowered;
	[smem:$0x3FD2] =	sst s25  }
0xa6: {  	s4 =	sshll.u32 s26, $0x1;
	_ =	strace $0x8000004F;
	[dreg:$0x1] =	wrdreg $0xFFFFFFFF  }
0xa7: {  	s28 =	simm.s32 $_size_execute0_lowered;
	s2 =	sadd.s32 s2, s4;
	[dreg:$0x0] =	wrdreg $0x0  }
0xa8: {  	s4 =	sshll.u32 s28, $0x1;
	[dreg:$0x2] =	wrdreg s2  }
0xa9: {  	[dreg:$0x3] =	wrdreg s4  }
0xaa: {  	[dreg:$0x4] =	wrdreg $0xC0  }
0xab: {  	_ =	task [dreg:s6], $0x5FFFF  }
0xac: {  	[dreg:$0x1] =	wrdreg $0xFFFFFFFF  }
0xad: {  	[dreg:$0x0] =	wrdreg $0x60  }
0xae: {  	[dreg:$0x2] =	wrdreg s24  }
0xaf: {  	[dreg:$0x3] =	wrdreg $0xA8000  }
0xb0: {  	[dreg:$0x4] =	wrdreg $0x9  }
0xb1: {  	_ =	task.clear_ibuf [dreg:s6], $0x5FFFF;
	_ =	strace $0x9000004F  }
0xb2: {  	s29 =	simm.s32 $0x9;
	_ =	strace $0x80000051  }
0xb3: {  	_ =	swait.ge [sflag:s29], $0x1  }
0xb4: {  	[sflag:s29] =	ssyncadd.s32 $0xFFFFFFFF  }
0xb5: {  	_ =	strace $0x90000051  }
0xb6: {  	_ =	sfence  }
0xb7: {  	s30 =	sld [smem:$0x0];
	_ =	sdelay $0x2  }
0xb8: {  	s31 =	sshll.u32 s1, $0xD;
	s1 =	sshrl.u32 s1, $0x2  }
0xb9: {  	s3 =	sand.u32 $0x4000, s31;
	s1 =	sadd.s32 s1, s30  }
0xba: {  	s0 =	sor.u32 s3, s0;
	s1 =	sshll.u32 s1, $0x11  }
0xbb: {  	s0 =	sor.u32 s1, s0  }
0xbc: {  	s0 =	sadd.s32 $0x8F2B, s0  }
0xbd: {  	[sflag:s0] =	ssyncadd.remote.s32 $0x1  }
0xbe: {  	_ =	sfence.sel $0xFFFF  }
0xbf: {  	[dreg:$0x0] =	wrdreg $0xFFFFFFFF;
	(pc) =	sbr.abs _section_cstart, $3  }
0xc0: {  	[dreg:$0x1] =	wrdreg $0xFFFFFFFF  }
0xc1: {  	_ =	task.clear_ibuf [dreg:s6], $0x2FFFF;
	_ =	strace $0x9FFFFFFF  }
0xc2: {  	(tm) =	ssettm $0x7FFFFFFF  }
0xc3: {  	_ =	shalt  }
tec
execute0_lowered:
.L_overlay_start_1:
0x0: {  	(tag) =	ssettag $0x1  }
0x1: {  	s6 =	rddreg [dreg:$0x0]  }
0x2: {  	s2 =	rddreg [dreg:$0x1]  }
0x3: {  	s0 =	srdreg.scid;
	s1 =	rddreg [dreg:$0x2];
	s3 =	simm.s32 $0x0  }
0x4: {  	s12 =	simm.s32 $0x4;
	s13 =	simm.s32 $0x1;
	s14 =	simm.s32 $0x80  }
0x5: {  	s15 =	simm.s32 $0x6800;
	s16 =	simm.s32 $0x2;
	s17 =	simm.s32 $0x3  }
0x6: {  	s18 =	simm.s32 $0x2700;
	s7 =	sand.u32 $0x1, s0;
	s0 =	stileid.u32  }
0x7: {  	s19 =	simm.s32 $0x2780;
	[smem:$0x7FF] =	sst s3;
	s4 =	smul.u32 $0x138800, s7  }
0x8: {  	s5 =	smul.u32 $0x2800, s0;
	_ =	strace $0x80000050;
	s28 =	ssub.s32 $0x2, s7  }
0x9: {  	s9 =	sshll.u32 s0, $0x1;
	s11 =	smul.u32 $0xA000, s0;
	s30 =	ssub.s32 $0x8C, s0  }
0xa: {  	s29 =	sshrl.u32 s28, $0x1;
	s7 =	sor.u32 s7, s9;
	s5 =	sadd.s32 s5, s4  }
0xb: {  	s4 =	sadd.s32 $0xCEA00, s6;
	s7 =	smul.u32 $0x2800, s7;
	s31 =	sshrl.u32 s11, $0x2  }
0xc: {  	s11 =	simm.s32 $0x2800;
	s8 =	sshrl.u32 s5, $0x3;
	s5 =	sadd.s32 $0x1200, s6  }
0xd: {  	s9 =	sadd.s32 s31, s2;
	s10 =	sadd.s32 s8, s6;
	s8 =	ssub.s32 s28, s29  }
0xe: {  	v0 =	vimm.f32 $0.0e+00;
	s6 =	sshrl.u32 s30, $0x4;
	s8 =	smax.u32 s8, $0x1;
	s10 =	sadd.s32 $0xB200, s10  }
.LBB2_1:
0xf: {  	s20 =	simm.s32 $0x0;
	s21 =	simm.s32 $0x200  }
.LBB2_2:
0x10: {  	p0 =	sne.s32 s21, $0xFE00;
	[tilespmem:s20+$0x2870] =	vst v0  }
0x11: {  	[tilespmem:s20+$0x2800] =	vst v0  }
0x12: {  	[tilespmem:s20+$0x2810] =	vst v0  }
.Ltmp0:
0x13: {  	[tilespmem:s20+$0x2820] =	vst v0;
	(pc) =	sbr.rel @p0 .LBB2_2-.Ltmp0, $4  }
0x14: {  	[tilespmem:s20+$0x2830] =	vst v0  }
0x15: {  	[tilespmem:s20+$0x2840] =	vst v0  }
0x16: {  	[tilespmem:s20+$0x2850] =	vst v0  }
0x17: {  	[tilespmem:s20+$0x2860] =	vst v0;
	s20 =	sshra.s32 s21, $0x2;
	s21 =	sadd.s32 $0x200, s21  }
0x18: {  	[tilespmem:s20+$0x2870] =	vst v0  }
0x19: {  	[tilespmem:s20+$0x2800] =	vst v0  }
0x1a: {  	[tilespmem:s20+$0x2810] =	vst v0  }
0x1b: {  	[tilespmem:s20+$0x2820] =	vst v0  }
0x1c: {  	[tilespmem:s20+$0x2830] =	vst v0  }
0x1d: {  	[tilespmem:s20+$0x2840] =	vst v0;
	p0 =	sne.s32 s6, $0x1  }
.Ltmp1:
0x1e: {  	[tilespmem:s20+$0x2850] =	vst v0;
	(pc) =	sbr.rel @!p0 .LBB2_5-.Ltmp1, $4  }
0x1f: {  	[tilespmem:s20+$0x2860] =	vst v0  }
0x20: {  	[spmem:s9] =	stream.linear.scatter [tilespmem:s11], [sflag:$0x4], $0x2800, $0x38;
	[tilespmem:$0x1E0C0] =	vst v63  }
0x21: {  	_ =	swait.ge [sflag:s12], $0x2800  }
0x22: {  	s20 =	sadd.s32 $0xFFFFFFFF, s6;
	s21 =	smov.u32 s9;
	[sflag:s12] =	ssyncset.done $0x0  }
.LBB2_4:
0x23: {  	p1 =	sne.s32 s20, $0x1;
	[sflag:s12] =	ssyncadd.s32 $0xFFFFD800;
	s21 =	sadd.s32 $0x28000, s21  }
.Ltmp2:
0x24: {  	s20 =	sadd.s32 $0xFFFFFFFF, s20;
	(pc) =	sbr.rel @p1 .LBB2_4-.Ltmp2, $4  }
0x25: {  	_ = 	snop  }
0x26: {  	[spmem:s21] =	stream.linear.scatter [tilespmem:s11], [sflag:$0x4], $0x2800, $0x38;
	[tilespmem:$0x1E0C0] =	vst v63  }
0x27: {  	_ =	swait.ge [sflag:s12], $0x2800  }
0x28: {  	[sflag:s12] =	ssyncset.done $0x0  }
.LBB2_5:
0x29: {  	[sflag:s12] =	ssyncadd.s32 $0xFFFFD800;
	s20 =	simm.s32 $0x0  }
0x2a: {  	p2 =	por $0x1, $0x1;
	s21 =	simm.s32 $0x0;
	[bflag:$0x0] =	sbarrier.arrive $0xFFFF  }
.LBB2_6:
0x2b: {  	s21 =	sadd.s32 s7, s21  }
0x2c: {  	s21 =	sshrl.u32 s21, $0x3  }
0x2d: {  	s21 =	sadd.s32 s5, s21  }
0x2e: {  	[tilespmem:s20], [sflag:$0x1] =	stream.linear.gather [hbm4b:s21+s20], $0x1400, $0x38;
	[tilespmem:$0x1E0C0] =	vst v63  }
0x2f: {  	_ =	swait.ge [sflag:s13], $0x1400  }
0x30: {  	[sflag:s13] =	ssyncset.done $0x0  }
0x31: {  	s21 =	simm.s32 $0x0;
	[sflag:s13] =	ssyncadd.s32 $0xFFFFEC00  }
0x32: {  	v1 =	vld [tilespmem:s21+$0x0]  }
0x33: {  	v5 =	vld [tilespmem:s21+$0x10]  }
0x34: {  	v6 =	vld [tilespmem:s21+$0x20]  }
0x35: {  	v4 =	vld [tilespmem:s21+$0x30]  }
0x36: {  	v2 =	vld [tilespmem:s21+$0x40]  }
0x37: {  	v3 =	vld [tilespmem:s21+$0x50];
	v7 =	vand.u32 $0xFFFF, v1  }
0x38: {  	p1 =	por p2, p2;
	s22 =	simm.s32 $0x200;
	v1 =	vshrl.u32 v1, $0x10;
	v8 =	vand.u32 $0xFFFF, v5;
	v5 =	vshrl.u32 v5, $0x10;
	[tilespmem:s21+$0x0] =	vst v7;
	v7 =	vld [tilespmem:s21+$0x60]  }
.LBB2_7:
0x39: {  	p2 =	sne.s32 s22, $0x4E00;
	[tilespmem:s21+$0x10] =	vst v8;
	v8 =	vand.u32 $0xFFFF, v6;
	v6 =	vshrl.u32 v6, $0x10;
	v9 =	vld [tilespmem:s21+$0x70]  }
0x3a: {  	[tilespmem:s21+$0x20] =	vst v8;
	v8 =	vand.u32 $0xFFFF, v4;
	v4 =	vshrl.u32 v4, $0x10  }
0x3b: {  	[tilespmem:s21+$0x30] =	vst v8;
	v8 =	vand.u32 $0xFFFF, v2;
	v2 =	vshrl.u32 v2, $0x10  }
0x3c: {  	[tilespmem:s21+$0x40] =	vst v8;
	v8 =	vand.u32 $0xFFFF, v3;
	v3 =	vshrl.u32 v3, $0x10  }
0x3d: {  	[tilespmem:s21+$0x50] =	vst v8;
	v8 =	vand.u32 $0xFFFF, v7;
	v7 =	vshrl.u32 v7, $0x10  }
0x3e: {  	[tilespmem:s21+$0x60] =	vst v8;
	v8 =	vand.u32 $0xFFFF, v9;
	v9 =	vshrl.u32 v9, $0x10  }
0x3f: {  	[tilespmem:s21+$0x70] =	vst v8  }
0x40: {  	[tilespmem:s21+$0x1400] =	vst v1  }
0x41: {  	s23 =	sshra.s32 s22, $0x2;
	[tilespmem:s21+$0x1410] =	vst v5  }
0x42: {  	v1 =	vld [tilespmem:s23+$0x0];
	[tilespmem:s21+$0x1420] =	vst v6  }
0x43: {  	v5 =	vld [tilespmem:s23+$0x10];
	[tilespmem:s21+$0x1430] =	vst v4  }
.Ltmp3:
0x44: {  	v6 =	vld [tilespmem:s23+$0x20];
	[tilespmem:s21+$0x1440] =	vst v2;
	(pc) =	sbr.rel @p2 .LBB2_7-.Ltmp3, $4  }
0x45: {  	v4 =	vld [tilespmem:s23+$0x30];
	[tilespmem:s21+$0x1450] =	vst v3  }
0x46: {  	v2 =	vld [tilespmem:s23+$0x40];
	[tilespmem:s21+$0x1460] =	vst v7  }
0x47: {  	v7 =	vand.u32 $0xFFFF, v1;
	v1 =	vshrl.u32 v1, $0x10;
	v3 =	vld [tilespmem:s23+$0x50];
	[tilespmem:s21+$0x1470] =	vst v9;
	s21 =	smov.u32 s23  }
0x48: {  	s22 =	sadd.s32 $0x200, s22;
	[tilespmem:s21+$0x0] =	vst v7;
	v8 =	vand.u32 $0xFFFF, v5;
	v5 =	vshrl.u32 v5, $0x10;
	v7 =	vld [tilespmem:s21+$0x60]  }
0x49: {  	[tilespmem:s21+$0x10] =	vst v8  }
0x4a: {  	[tilespmem:s21+$0x1400] =	vst v1  }
0x4b: {  	v57 =	vand.u32 $0xFFFF, v6;
	[tilespmem:s21+$0x1410] =	vst v5  }
0x4c: {  	v1 =	vshrl.u32 v6, $0x10;
	[tilespmem:s21+$0x20] =	vst v57  }
0x4d: {  	v58 =	vand.u32 $0xFFFF, v4;
	[tilespmem:s21+$0x1420] =	vst v1  }
0x4e: {  	v63 =	vshrl.u32 v4, $0x10;
	[tilespmem:s21+$0x30] =	vst v58  }
0x4f: {  	v59 =	vand.u32 $0xFFFF, v2;
	[tilespmem:s21+$0x1430] =	vst v63  }
0x50: {  	v9 =	vld [tilespmem:s21+$0x70];
	v1 =	vshrl.u32 v2, $0x10;
	[tilespmem:s21+$0x40] =	vst v59  }
0x51: {  	v60 =	vand.u32 $0xFFFF, v3;
	[tilespmem:s21+$0x1440] =	vst v1  }
0x52: {  	v2 =	vshrl.u32 v3, $0x10;
	[tilespmem:s21+$0x50] =	vst v60  }
0x53: {  	v61 =	vand.u32 $0xFFFF, v7;
	[tilespmem:s21+$0x1450] =	vst v2  }
0x54: {  	v1 =	vshrl.u32 v7, $0x10;
	[tilespmem:s21+$0x60] =	vst v61  }
0x55: {  	v62 =	vand.u32 $0xFFFF, v9;
	[tilespmem:s21+$0x1460] =	vst v1  }
0x56: {  	v2 =	vshrl.u32 v9, $0x10;
	[tilespmem:s21+$0x70] =	vst v62  }
0x57: {  	s28 =	simm.s32 $0x0;
	[tilespmem:s21+$0x1470] =	vst v2  }
0x58: {  	[tilespmem:s11], [sflag:$0x2] =	stream.indirect.gather [hbm4b:s4+s14], $0x80, s28, s14, $0xb8;
	[tilespmem:$0x1E0C0] =	vst v63  }
0x59: {  	_ = 	snop  }
0x5a: {  	[tilespmem:s15], [sflag:$0x3] =	stream.indirect.gather [hbm4b:s4+s14], $0x80, s14, s14, $0xb8;
	[tilespmem:$0x1E0C0] =	vst v63  }
0x5b: {  	_ =	swait.ge [sflag:s16], $0x4000  }
0x5c: {  	[sflag:s16] =	ssyncset.done $0x0  }
0x5d: {  	s29 =	simm.s32 $0x1400;
	[sflag:s16] =	ssyncadd.s32 $0xFFFFC000  }
0x5e: {  	[spmem:s2] =	stream.indirect.scatter.add.f32 [tilespmem:s11], [sflag:$0x4], $0x80, s29, s14, $0xb8;
	[tilespmem:$0x1E0C0] =	vst v63  }
0x5f: {  	_ =	swait.ge [sflag:s12], $0x4000  }
0x60: {  	[sflag:s12] =	ssyncset.done $0x0  }
0x61: {  	s30 =	simm.s32 $0x100;
	[sflag:s12] =	ssyncadd.s32 $0xFFFFC000  }
0x62: {  	[tilespmem:s11], [sflag:$0x2] =	stream.indirect.gather [hbm4b:s4+s14], $0x80, s30, s14, $0xb8;
	[tilespmem:$0x1E0C0] =	vst v63  }
0x63: {  	_ =	swait.ge [sflag:s17], $0x4000  }
0x64: {  	[sflag:s17] =	ssyncset.done $0x0  }
0x65: {  	s31 =	simm.s32 $0x1480;
	[sflag:s17] =	ssyncadd.s32 $0xFFFFC000  }
0x66: {  	[spmem:s2] =	stream.indirect.scatter.add.f32 [tilespmem:s15], [sflag:$0x4], $0x80, s31, s14, $0xb8;
	[tilespmem:$0x1E0C0] =	vst v63  }
0x67: {  	_ =	swait.ge [sflag:s12], $0x4000  }
0x68: {  	[sflag:s12] =	ssyncset.done $0x0  }
0x69: {  	s22 =	simm.s32 $0x180;
	s21 =	simm.s32 $0x400;
	[sflag:s12] =	ssyncadd.s32 $0xFFFFC000  }
.LBB2_9:
0x6a: {  	[tilespmem:s15], [sflag:$0x3] =	stream.indirect.gather [hbm4b:s4+s14], $0x80, s22, s14, $0xb8;
	[tilespmem:$0x1E0C0] =	vst v63  }
0x6b: {  	s22 =	smov.u32 s21  }
0x6c: {  	p2 =	sne.s32 s21, $0x4800;
	s21 =	sadd.s32 $0x400, s21;
	_ =	swait.ge [sflag:s16], $0x4000  }
0x6d: {  	s22 =	sshra.s32 s22, $0x2;
	[sflag:s16] =	ssyncset.done $0x0  }
0x6e: {  	s23 =	sadd.s32 $0x1400, s22;
	[sflag:s16] =	ssyncadd.s32 $0xFFFFC000  }
0x6f: {  	[spmem:s2] =	stream.indirect.scatter.add.f32 [tilespmem:s11], [sflag:$0x4], $0x80, s23, s14, $0xb8;
	[tilespmem:$0x1E0C0] =	vst v63  }
0x70: {  	_ =	swait.ge [sflag:s12], $0x4000  }
0x71: {  	[sflag:s12] =	ssyncset.done $0x0  }
0x72: {  	s23 =	sadd.s32 $0x100, s22;
	[sflag:s12] =	ssyncadd.s32 $0xFFFFC000  }
0x73: {  	[tilespmem:s11], [sflag:$0x2] =	stream.indirect.gather [hbm4b:s4+s14], $0x80, s23, s14, $0xb8;
	[tilespmem:$0x1E0C0] =	vst v63  }
0x74: {  	_ =	swait.ge [sflag:s17], $0x4000  }
0x75: {  	[sflag:s17] =	ssyncset.done $0x0  }
.Ltmp4:
0x76: {  	s23 =	sadd.s32 $0x1480, s22;
	[sflag:s17] =	ssyncadd.s32 $0xFFFFC000;
	(pc) =	sbr.rel @p2 .LBB2_9-.Ltmp4, $4  }
0x77: {  	[spmem:s2] =	stream.indirect.scatter.add.f32 [tilespmem:s15], [sflag:$0x4], $0x80, s23, s14, $0xb8;
	[tilespmem:$0x1E0C0] =	vst v63  }
0x78: {  	_ =	swait.ge [sflag:s12], $0x4000  }
0x79: {  	[sflag:s12] =	ssyncset.done $0x0  }
0x7a: {  	s22 =	sadd.s32 $0x180, s22;
	[sflag:s12] =	ssyncadd.s32 $0xFFFFC000  }
0x7b: {  	[tilespmem:s15], [sflag:$0x3] =	stream.indirect.gather [hbm4b:s4+s14], $0x80, s22, s14, $0xb8;
	[tilespmem:$0x1E0C0] =	vst v63  }
0x7c: {  	_ =	swait.ge [sflag:s16], $0x4000  }
0x7d: {  	[sflag:s16] =	ssyncset.done $0x0  }
0x7e: {  	[sflag:s16] =	ssyncadd.s32 $0xFFFFC000  }
0x7f: {  	[spmem:s2] =	stream.indirect.scatter.add.f32 [tilespmem:s11], [sflag:$0x4], $0x80, s18, s14, $0xb8;
	[tilespmem:$0x1E0C0] =	vst v63  }
0x80: {  	_ =	swait.ge [sflag:s12], $0x4000  }
0x81: {  	[sflag:s12] =	ssyncset.done $0x0  }
0x82: {  	[sflag:s12] =	ssyncadd.s32 $0xFFFFC000  }
0x83: {  	_ =	swait.ge [sflag:s17], $0x4000  }
0x84: {  	[sflag:s17] =	ssyncset.done $0x0  }
.Ltmp5:
0x85: {  	[sflag:s17] =	ssyncadd.s32 $0xFFFFC000;
	(pc) =	sbr.rel @p1 .LBB2_6-.Ltmp5, $4  }
0x86: {  	[spmem:s2] =	stream.indirect.scatter.add.f32 [tilespmem:s15], [sflag:$0x4], $0x80, s19, s14, $0xb8;
	[tilespmem:$0x1E0C0] =	vst v63  }
0x87: {  	_ =	swait.ge [sflag:s12], $0x4000  }
0x88: {  	[sflag:s12] =	ssyncset.done $0x0  }
0x89: {  	s21 =	simm.s32 $0x1400;
	p2 =	por $0x0, $0x0;
	[sflag:s12] =	ssyncadd.s32 $0xFFFFC000  }
.Ltmp6:
0x8a: {  	(pc) =	sbr.rel @!p0 .LBB2_13-.Ltmp6, $4  }
0x8b: {  	s20 =	sshll.u32 s0, $0x6;
	[bflag:$0x0] =	sbarrier.arrive $0xFFFF  }
0x8c: {  	s21 =	sshrl.u32 s9, $0x3;
	s22 =	sadd.s32 $0x5000, s10;
	s20 =	sor.u32 $0x1C04, s20  }
0x8d: {  	[hbm:s10], [sflag:s20] =	dma.local [spmem:s21], $0x500  }
0x8e: {  	s23 =	smov.u32 s9;
	s21 =	sadd.s32 $0xFFFFFFFF, s6;
	_ =	swait.ge [sflag:s12], $0x500  }
.LBB2_12:
0x8f: {  	[sflag:s12] =	ssyncset.done $0x0;
	s23 =	sadd.s32 $0x28000, s23;
	p0 =	sne.s32 s21, $0x1  }
.Ltmp7:
0x90: {  	s24 =	sshrl.u32 s23, $0x3;
	[sflag:s12] =	ssyncadd.s32 $0xFFFFFB00;
	(pc) =	sbr.rel @p0 .LBB2_12-.Ltmp7, $3  }
0x91: {  	[hbm:s22], [sflag:s20] =	dma.local [spmem:s24], $0x500  }
0x92: {  	s21 =	sadd.s32 $0xFFFFFFFF, s21;
	_ =	sdelay $0x1  }
0x93: {  	s22 =	sadd.s32 $0x5000, s22;
	_ =	swait.ge [sflag:s12], $0x500  }
.LBB2_13:
0x94: {  	s3 =	sadd.s32 $0x1, s3  }
0x95: {  	p0 =	sne.s32 s3, s8  }
.Ltmp8:
0x96: {  	_ = 	snop;
	(pc) =	sbr.rel @p0 .LBB2_1-.Ltmp8, $3  }
0x97: {  	_ =	sdelay $0x1  }
0x98: {  	[sflag:s12] =	ssyncset.done $0x0  }
0x99: {  	[sflag:s12] =	ssyncadd.s32 $0xFFFFFB00  }
0x9a: {  	_ =	sfence.sel $0x180000  }
0x9b: {  	[bflag:$0x0] =	sbarrier.arrive $0xFFFF  }
0x9c: {  	p0 =	sne.s32 s0, $0x0;
	_ =	strace $0x90000050  }
0x9d: {  	s0 =	sadd.s32 @!p0 $0x100000, s1;
	[bflag:$0x2] =	sbarrier.arrive $0xFFFF  }
0x9e: {  	[sflag:s0] =	ssyncadd.tile.s32 @!p0 $0x1;
	_ =	shalt  }
.Lfunc_end2:
_tile_overlayer_lowered:
.L_overlay_start_2:
0x9f: {  	(tag) =	ssettag $0x2  }
0xa0: {  	s0 =	rddreg [dreg:$0x0];
	s2 =	stileid.u32  }
0xa1: {  	s1 =	rddreg [dreg:$0x1];
	p0 =	sne.s32 s2, $0x0  }
0xa2: {  	s3 =	rddreg [dreg:$0x2];
	[bflag:$0x3] =	sbarrier.arrive $0xFFFF;
	s2 =	simm.s32 @!p0 $0x1C04  }
0xa3: {  	[timem:s3], [sflag:s2] =	dma.local @!p0 [hbm:s0], s1  }
0xa4: {  	s0 =	simm.s32 @!p0 $0x4  }
0xa5: {  	_ =	swait.ge @!p0 [sflag:s0], s1  }
0xa6: {  	s1 =	ssub.s32 @!p0 $0x0, s1;
	[sflag:s0] =	ssyncset.done @!p0 $0x0  }
0xa7: {  	[sflag:s0] =	ssyncadd.s32 @!p0 s1  }
0xa8: {  	[bflag:$0x3] =	sbarrier.arrive $0xFFFF  }
0xa9: {  	_ =	shalt  }

</sc_bundles>
